<compile_context>
chip_gen: v7x
topology: tpu7x:2x2x1
jax: 0.10.2.dev20260603
libtpu: 0.0.44.dev20260713+nightly
codegen_flags: <defaults>
</compile_context>

<pallas_src>
import functools

import jax
import jax.numpy as jnp
from jax import lax
from jax.experimental import pallas as pl
from jax.experimental.pallas import tpu as pltpu
from jax.experimental.pallas import tpu_sc as plsc

N_BOX = 5000
N_CLS = 80
N_FLAT = N_BOX * N_CLS
N_PAD = 401408
CHUNK = N_PAD // 32
CROWS = CHUNK // 128
N_CAND = 1000
CAP = 1024
ROWW = 16
I32_MIN = -2147483648
NEG_INF_BITS = -8388608
SCORE_THR = 0.001
IOU_THR = 0.7
OFFS = 4096.0


def _key_from_scores(s):
    sp = jnp.where(s > SCORE_THR, s, jnp.float32(-1.0))
    b = lax.bitcast_convert_type(sp, jnp.int32)
    k = jnp.where(b >= 0, b, I32_MIN - b)
    raw = lax.bitcast_convert_type(s, jnp.int32)
    return jnp.where(raw == NEG_INF_BITS, I32_MIN, k)


def _s1_body(s_ref, o_ref, k_ref):
    k_ref[...] = _key_from_scores(s_ref[...])

    def bit(t, u):
        candu = u | lax.shift_left(jnp.int32(1), jnp.int32(31) - t)
        cand_signed = candu ^ I32_MIN
        cnt = jnp.sum((k_ref[...] >= cand_signed).astype(jnp.int32))
        return jnp.where(cnt >= N_CAND, candu, u)

    u = lax.fori_loop(0, 32, bit, jnp.int32(0))
    kstar = u ^ I32_MIN
    cnt_gt = jnp.sum((k_ref[...] > kstar).astype(jnp.int32))
    need_eq = N_CAND - cnt_gt

    one = jnp.float32(1.0)
    zero = jnp.float32(0.0)
    k = k_ref[...]
    rs_gt = jnp.sum(jnp.where(k > kstar, one, zero), axis=1, keepdims=True)
    rs_eq = jnp.sum(jnp.where(k == kstar, one, zero), axis=1, keepdims=True)
    cc = lax.broadcasted_iota(jnp.int32, (128, N_PAD // 128), 0)
    rr = lax.broadcasted_iota(jnp.int32, (128, N_PAD // 128), 1)
    S = jnp.where((cc < 32) & (rr >= cc * CROWS) & (rr < (cc + 1) * CROWS),
                  one, zero)
    dn = (((0,), (1,)), ((), ()))
    hi = lax.Precision.HIGHEST
    cgt_row = lax.dot_general(rs_gt, S, dn, precision=hi,
                              preferred_element_type=jnp.float32)
    ceq_row = lax.dot_general(rs_eq, S, dn, precision=hi,
                              preferred_element_type=jnp.float32)
    ca = lax.broadcasted_iota(jnp.int32, (128, 128), 0)
    cb = lax.broadcasted_iota(jnp.int32, (128, 128), 1)
    L = jnp.where((ca < cb) & (cb < 32), one, zero)
    dn2 = (((1,), (0,)), ((), ()))
    pgt_row = lax.dot_general(cgt_row, L, dn2, precision=hi,
                              preferred_element_type=jnp.float32)
    peq_row = lax.dot_general(ceq_row, L, dn2, precision=hi,
                              preferred_element_type=jnp.float32)

    r_io = lax.broadcasted_iota(jnp.int32, (8, 128), 0)
    lane = lax.broadcasted_iota(jnp.int32, (8, 128), 1)
    out = jnp.where(lane == 0, kstar,
                    jnp.where(lane == 1, cnt_gt,
                              jnp.where(lane == 2, need_eq, 0)))
    out = jnp.where(r_io == 1, cgt_row.astype(jnp.int32), out)
    out = jnp.where(r_io == 2, pgt_row.astype(jnp.int32), out)
    out = jnp.where(r_io == 3, ceq_row.astype(jnp.int32), out)
    out = jnp.where(r_io == 4, peq_row.astype(jnp.int32), out)
    o_ref[...] = out


def _stage1(spad2d):
    return pl.pallas_call(
        _s1_body,
        out_shape=jax.ShapeDtypeStruct((8, 128), jnp.int32),
        scratch_shapes=[pltpu.VMEM((N_PAD // 128, 128), jnp.int32)],
    )(spad2d)


def _iota16():
    return lax.broadcasted_iota(jnp.int32, (16,), 0)


def _s2_body(scores_hbm, boxes_hbm, scal_hbm,
             out_gt, out_eq,
             chunk_v, boxes_v, scal_v,
             bgt_i, bgt_s, beq_i, beq_s,
             row_gt, row_eq):
    wid = lax.axis_index("s") * 2 + lax.axis_index("c")
    base = wid * CHUNK
    pltpu.sync_copy(scores_hbm.at[pl.ds(base, CHUNK)], chunk_v)
    pltpu.sync_copy(boxes_hbm, boxes_v)
    pltpu.sync_copy(scal_hbm, scal_v)

    lanes = _iota16()

    def lane_of(vec, j):
        return jnp.sum(jnp.where(lanes == j, vec, 0))

    head = scal_v[pl.ds(0, 16)]
    kstar = lane_of(head, 0)
    need_eq = lane_of(head, 2)
    my_cgt = lane_of(
        plsc.load_gather(scal_v, [jnp.full((16,), 128, jnp.int32) + wid]), 0)
    gt_pre = lane_of(
        plsc.load_gather(scal_v, [jnp.full((16,), 256, jnp.int32) + wid]), 0)
    my_ceq = lane_of(
        plsc.load_gather(scal_v, [jnp.full((16,), 384, jnp.int32) + wid]), 0)
    eq_pre = lane_of(
        plsc.load_gather(scal_v, [jnp.full((16,), 512, jnp.int32) + wid]), 0)
    taken_eq = jnp.clip(need_eq - eq_pre, 0, my_ceq)
    eq_off = jnp.minimum(eq_pre, need_eq)

    z16 = jnp.zeros((16,), jnp.int32)

    def comp_body(j, carry):
        ngt, neq = carry
        v = chunk_v[pl.ds(j * 16, 16)]
        sp = jnp.where(v > SCORE_THR, v, jnp.float32(-1.0))
        k = _key_from_scores(v)
        fidx = base + j * 16 + lanes
        mgt = k > kstar
        meq = k == kstar
        igt = jnp.where(mgt, 1, 0).astype(jnp.int32)
        ieq = jnp.where(meq, 1, 0).astype(jnp.int32)
        pos_gt = ngt + plsc.cumsum(igt) - igt
        plsc.store_scatter(bgt_i, [pos_gt], fidx, mask=mgt)
        plsc.store_scatter(bgt_s, [pos_gt], sp, mask=mgt)
        rel = neq + plsc.cumsum(ieq) - ieq
        meq_st = meq & (rel < taken_eq)
        plsc.store_scatter(beq_i, [rel], fidx, mask=meq_st)
        plsc.store_scatter(beq_s, [rel], sp, mask=meq_st)
        ngt = ngt + plsc.all_reduce_population_count(mgt)
        neq = neq + plsc.all_reduce_population_count(meq)
        return ngt, neq

    lax.fori_loop(0, CHUNK // 16, comp_body, (z16, z16))

    def emit(cnt_s, off_s, idx_buf, sc_buf, row_buf, out_hbm):
        ngrp = (cnt_s + 15) // 16

        def g_body(g, _):
            fidx = idx_buf[pl.ds(g * 16, 16)]
            sc = sc_buf[pl.ds(g * 16, 16)]
            bi = fidx // N_CLS
            cls = fidx - bi * N_CLS
            bic = jnp.clip(bi, 0, N_BOX - 1)
            x1 = plsc.load_gather(boxes_v, [bic * 4])
            y1 = plsc.load_gather(boxes_v, [bic * 4 + 1])
            x2 = plsc.load_gather(boxes_v, [bic * 4 + 2])
            y2 = plsc.load_gather(boxes_v, [bic * 4 + 3])
            rb = (g * 16 + lanes) * ROWW
            plsc.store_scatter(row_buf, [rb + 0], sc)
            plsc.store_scatter(row_buf, [rb + 1], x1)
            plsc.store_scatter(row_buf, [rb + 2], y1)
            plsc.store_scatter(row_buf, [rb + 3], x2)
            plsc.store_scatter(row_buf, [rb + 4], y2)
            plsc.store_scatter(row_buf, [rb + 5], cls.astype(jnp.float32))
            plsc.store_scatter(row_buf, [rb + 6], fidx.astype(jnp.float32))
            return 0

        lax.fori_loop(0, ngrp, g_body, 0)

        full = cnt_s // 16
        rem = cnt_s - full * 16

        def w_body(g, _):
            src = row_buf.at[pl.ds(g * (16 * ROWW), 16 * ROWW)]
            dst = out_hbm.at[pl.ds(
                pl.multiple_of((off_s + g * 16) * ROWW, 8), 16 * ROWW)]
            pltpu.sync_copy(src, dst)
            return 0

        lax.fori_loop(0, full, w_body, 0)

        def r_body(r, _):
            src = row_buf.at[pl.ds((full * 16 + r) * ROWW, ROWW)]
            dst = out_hbm.at[pl.ds(
                pl.multiple_of((off_s + full * 16 + r) * ROWW, 8), ROWW)]
            pltpu.sync_copy(src, dst)
            return 0

        lax.fori_loop(0, rem, r_body, 0)

    emit(my_cgt, gt_pre, bgt_i, bgt_s, row_gt, out_gt)
    emit(taken_eq, eq_off, beq_i, beq_s, row_eq, out_eq)


def _stage2(spad, boxes_flat, scal_flat):
    mesh = plsc.VectorSubcoreMesh(core_axis_name="c", subcore_axis_name="s")
    f = pl.kernel(
        _s2_body,
        mesh=mesh,
        compiler_params=pltpu.CompilerParams(needs_layout_passes=False),
        out_type=[jax.ShapeDtypeStruct((2048 * ROWW,), jnp.float32),
                  jax.ShapeDtypeStruct((2048 * ROWW,), jnp.float32)],
        scratch_types=[
            pltpu.VMEM((CHUNK,), jnp.float32),
            pltpu.VMEM((N_BOX * 4,), jnp.float32),
            pltpu.VMEM((1024,), jnp.int32),
            pltpu.VMEM((CAP,), jnp.int32),
            pltpu.VMEM((CAP,), jnp.float32),
            pltpu.VMEM((CAP,), jnp.int32),
            pltpu.VMEM((CAP,), jnp.float32),
            pltpu.VMEM((CAP * ROWW,), jnp.float32),
            pltpu.VMEM((CAP * ROWW,), jnp.float32),
        ],
    )
    return f(spad, boxes_flat, scal_flat)


def _outrank(k_me, f_me, i_me, k_ot, f_ot, i_ot):
    return (k_ot > k_me) | ((k_ot == k_me) & ((f_ot < f_me) |
            ((f_ot == f_me) & (i_ot < i_me))))


def _s3_body(gt_ref, eq_ref, scal_ref, fin_ref, nv_ref):
    G = scal_ref[0, 1]
    E = scal_ref[0, 2]
    ii = lax.broadcasted_iota(jnp.int32, (CAP, CAP), 0)
    jj = lax.broadcasted_iota(jnp.int32, (CAP, CAP), 1)
    one = jnp.float32(1.0)
    zero = jnp.float32(0.0)
    rio16 = lax.broadcasted_iota(jnp.int32, (CAP, 16), 0)
    lio16 = lax.broadcasted_iota(jnp.int32, (CAP, 16), 1)
    gt_rows = jnp.where((rio16 < G) & (lio16 < 7), gt_ref[...], zero)
    eq_rows = jnp.where((rio16 < E) & (lio16 < 7), eq_ref[...], zero)
    p_gt = jnp.where((ii == jj) & (ii < G), one, zero)
    p_eq = jnp.where((jj == ii - G) & (ii >= G) & (ii < N_CAND), one, zero)
    hi = lax.Precision.HIGHEST
    C = (jnp.dot(p_gt, gt_rows, precision=hi,
                 preferred_element_type=jnp.float32)
         + jnp.dot(p_eq, eq_rows, precision=hi,
                   preferred_element_type=jnp.float32))

    lane16c = lax.broadcasted_iota(jnp.int32, (16, 1), 0)
    lane16r = lax.broadcasted_iota(jnp.int32, (1, 16), 1)

    def col(f):
        e = jnp.where(lane16c == f, one, zero)
        return jnp.dot(C, e, precision=hi,
                       preferred_element_type=jnp.float32)

    def row(f):
        e = jnp.where(lane16r == f, one, zero)
        return lax.dot_general(e, C, (((1,), (1,)), ((), ())), precision=hi,
                               preferred_element_type=jnp.float32)

    sc_c, sc_r = col(0), row(0)
    x1c, y1c, x2c, y2c = col(1), col(2), col(3), col(4)
    x1r, y1r, x2r, y2r = row(1), row(2), row(3), row(4)
    cls_c, cls_r = col(5), row(5)
    fi_c, fi_r = col(6), row(6)

    offc = cls_c * OFFS
    offr = cls_r * OFFS
    sx1c, sy1c, sx2c, sy2c = x1c + offc, y1c + offc, x2c + offc, y2c + offc
    sx1r, sy1r, sx2r, sy2r = x1r + offr, y1r + offr, x2r + offr, y2r + offr

    def key(s):
        sp = jnp.where(s > SCORE_THR, s, jnp.float32(-1.0))
        b = lax.bitcast_convert_type(sp, jnp.int32)
        return jnp.where(b >= 0, b, I32_MIN - b)

    k_c, k_r = key(sc_c), key(sc_r)
    iic = lax.broadcasted_iota(jnp.int32, (CAP, 1), 0)
    jjr = lax.broadcasted_iota(jnp.int32, (1, CAP), 1)
    cmp1 = _outrank(k_c, fi_c, iic, k_r, fi_r, jjr)
    rank_c = jnp.sum(jnp.where(cmp1, one, zero), axis=1, keepdims=True)
    cmp2 = _outrank(k_r, fi_r, jjr, k_c, fi_c, iic)
    rank_r = jnp.sum(jnp.where(cmp2, one, zero), axis=0, keepdims=True)

    area_c = jnp.maximum(sx2c - sx1c, zero) * jnp.maximum(sy2c - sy1c, zero)
    area_r = jnp.maximum(sx2r - sx1r, zero) * jnp.maximum(sy2r - sy1r, zero)
    w = jnp.maximum(jnp.minimum(sx2c, sx2r) - jnp.maximum(sx1c, sx1r), zero)
    h = jnp.maximum(jnp.minimum(sy2c, sy2r) - jnp.maximum(sy1c, sy1r), zero)
    inter = w * h
    union = area_c + area_r - inter
    iou = inter / jnp.maximum(union, jnp.float32(1e-9))
    msup = jnp.where((iou > IOU_THR) & (rank_c < rank_r), one, zero)

    valid_c = sc_c > zero
    valid_r = sc_r > zero
    k0c = jnp.where(valid_c, one, zero)
    k0r = jnp.where(valid_r, one, zero)

    def cond(carry):
        return carry[2]

    def body(carry):
        kc, kr, _ = carry
        s_r = jnp.dot(kr, msup, precision=hi,
                      preferred_element_type=jnp.float32)
        s_c = lax.dot_general(msup, kc, (((0,), (0,)), ((), ())), precision=hi,
                              preferred_element_type=jnp.float32)
        nkc = jnp.where(valid_c & (s_c < 0.5), one, zero)
        nkr = jnp.where(valid_r & (s_r < 0.5), one, zero)
        changed = jnp.sum(jnp.abs(nkc - kc)) > zero
        return nkc, nkr, changed

    keep_c, keep_r, _ = lax.while_loop(cond, body,
                                       (k0c, k0r, jnp.bool_(True)))

    ks_c = jnp.where(keep_c > 0.5, sc_c, jnp.float32(-1.0))
    ks_r = jnp.where(keep_r > 0.5, sc_r, jnp.float32(-1.0))
    cmp3 = (ks_r > ks_c) | ((ks_r == ks_c) & (rank_r < rank_c))
    r2_c = jnp.sum(jnp.where(cmp3, one, zero), axis=1, keepdims=True)
    cmp4 = (ks_c > ks_r) | ((ks_c == ks_r) & (rank_c < rank_r))
    r2_r = jnp.sum(jnp.where(cmp4, one, zero), axis=0, keepdims=True)

    lane16b = lax.broadcasted_iota(jnp.int32, (CAP, 16), 1)
    combo = jnp.where(lane16b == 7, ks_c, C)
    rio = lax.broadcasted_iota(jnp.int32, (512, CAP), 0).astype(jnp.float32)
    O = jnp.where(rio == r2_r, one, zero)
    R = jnp.dot(O, combo, precision=hi,
                preferred_element_type=jnp.float32)

    vq = R[:, 7:8] > zero
    fin = jnp.where(vq, R, zero)
    lane16o = lax.broadcasted_iota(jnp.int32, (512, 16), 1)
    fin = jnp.where((lane16o == 5) & (~vq), jnp.float32(-1.0), fin)
    fin_ref[...] = fin

    nv = jnp.sum(jnp.where((r2_c < 300.0) & (ks_c > zero), 1, 0)
                 .astype(jnp.int32))
    lane = lax.broadcasted_iota(jnp.int32, (8, 128), 1)
    nv_ref[...] = jnp.where(lane == 0, nv, 0)


def _stage3(gt_rows, eq_rows, scal8):
    return pl.pallas_call(
        _s3_body,
        out_shape=[jax.ShapeDtypeStruct((512, 16), jnp.float32),
                   jax.ShapeDtypeStruct((8, 128), jnp.int32)],
    )(gt_rows, eq_rows, scal8)


def kernel(boxes, scores):
    b0 = boxes[0].reshape(-1)
    flat = scores[0].reshape(-1)
    spad = jnp.concatenate(
        [flat, jnp.full((N_PAD - N_FLAT,), -jnp.inf, jnp.float32)])
    scal8 = _stage1(spad.reshape(N_PAD // 128, 128))
    gt_all, eq_all = _stage2(spad, b0, scal8.reshape(-1))
    gt_rows = gt_all.reshape(2048, ROWW)[:CAP]
    eq_rows = eq_all.reshape(2048, ROWW)[:CAP]
    fin, nv = _stage3(gt_rows, eq_rows, scal8)
    out_boxes = fin[:300, 1:5][None]
    out_scores = fin[:300, 7][None]
    out_labels = fin[:300, 5].astype(jnp.int32)[None]
    n_valid = nv[0, :1]
    return out_boxes, out_scores, out_labels, n_valid

# --- scband reference (transcript-rebuilt; emitter-appended) ---
"""Pipeline reference for scband-post-process-wrapper-50680614093382 (READ-ONLY COPY).

The authoritative reference and input builder live on the scoring server;
editing this copy changes nothing except your own understanding.
"""

import jax, jax.numpy as jnp
import numpy as np

SCORE_THRESHOLD = 0.001
IOU_THRESHOLD = 0.7
MAX_DETECTIONS = 300
MAX_CANDIDATES = 1000
CLASS_OFFSET = 4096.0


def setup_inputs(seed: int = 0) -> dict:
    key = jax.random.key(seed)
    k1, k2 = jax.random.split(key)
    raw = jax.random.uniform(k1, (1, 5000, 4), dtype=jnp.float32)
    xy1 = raw[..., :2] * 512.0
    wh = raw[..., 2:] * 64.0 + 1.0
    boxes = jnp.concatenate([xy1, xy1 + wh], axis=-1)  # valid xyxy boxes
    scores = jax.random.uniform(k2, (1, 5000, 80), dtype=jnp.float32)
    return {"boxes": boxes, "scores": scores}


def _iou_matrix(b):
    # b: [M, 4] in xyxy
    x1, y1, x2, y2 = b[:, 0], b[:, 1], b[:, 2], b[:, 3]
    area = jnp.maximum(x2 - x1, 0.0) * jnp.maximum(y2 - y1, 0.0)
    xx1 = jnp.maximum(x1[:, None], x1[None, :])
    yy1 = jnp.maximum(y1[:, None], y1[None, :])
    xx2 = jnp.minimum(x2[:, None], x2[None, :])
    yy2 = jnp.minimum(y2[:, None], y2[None, :])
    w = jnp.maximum(xx2 - xx1, 0.0)
    h = jnp.maximum(yy2 - yy1, 0.0)
    inter = w * h
    union = area[:, None] + area[None, :] - inter
    return inter / jnp.maximum(union, 1e-9)


def _multiclass_nms_single(boxes, scores):
    # boxes: [N, 4], scores: [N, C]
    N, C = scores.shape
    flat = scores.reshape(-1)
    flat = jnp.where(flat > SCORE_THRESHOLD, flat, -1.0)
    # top candidates across all (box, class) pairs, sorted descending
    cand_scores, cand_idx = jax.lax.top_k(flat, MAX_CANDIDATES)
    box_idx = cand_idx // C
    cls_idx = cand_idx % C
    cand_boxes = jnp.take(boxes, box_idx, axis=0)
    # class offset trick: per-class NMS via shifted coordinates
    shifted = cand_boxes + cls_idx.astype(jnp.float32)[:, None] * CLASS_OFFSET
    iou = _iou_matrix(shifted)
    M = MAX_CANDIDATES
    idxs = jnp.arange(M)

    def body(i, keep):
        suppressed = jnp.any((iou[i] > IOU_THRESHOLD) & keep & (idxs < i))
        valid = (cand_scores[i] > 0.0) & (~suppressed)
        return keep.at[i].set(valid)

    keep = jax.lax.fori_loop(0, M, body, jnp.zeros((M,), dtype=bool))
    keep_scores = jnp.where(keep, cand_scores, -1.0)
    final_scores, final_pos = jax.lax.top_k(keep_scores, MAX_DETECTIONS)
    valid_mask = final_scores > 0.0
    out_boxes = jnp.where(valid_mask[:, None], jnp.take(cand_boxes, final_pos, axis=0), 0.0)
    out_scores = jnp.where(valid_mask, final_scores, 0.0)
    out_labels = jnp.where(valid_mask, jnp.take(cls_idx, final_pos, axis=0), -1)
    n_valid = jnp.sum(valid_mask.astype(jnp.int32))
    return out_boxes, out_scores, out_labels, n_valid


def reference(boxes, scores):
    # Faithful translation of multiclass_nms(boxes, scores, score_threshold,
    # iou_threshold, max_detections): returns (boxes, scores, labels, n_valid)
    return jax.vmap(_multiclass_nms_single)(boxes, scores)

if __name__ == "__main__":
    import jax
    _d = setup_inputs()
    print(jax.jit(kernel)(*tuple(_d.values())))

</pallas_src>

<mosaic_0001>
#map = affine_map<(d0, d1) -> (0)>
module attributes {stable_mosaic.version = 14 : i64} {
  func.func @_s2_body(%arg0: i32, %arg1: i32, %arg2: memref<401408xf32, #tpu.memory_space<hbm>>, %arg3: memref<20000xf32, #tpu.memory_space<hbm>>, %arg4: memref<1024xi32, #tpu.memory_space<hbm>>, %arg5: memref<32768xf32, #tpu.memory_space<hbm>>, %arg6: memref<32768xf32, #tpu.memory_space<hbm>>, %arg7: memref<12544xf32, #tpu.memory_space<vmem>>, %arg8: memref<20000xf32, #tpu.memory_space<vmem>>, %arg9: memref<1024xi32, #tpu.memory_space<vmem>>, %arg10: memref<1024xi32, #tpu.memory_space<vmem>>, %arg11: memref<1024xf32, #tpu.memory_space<vmem>>, %arg12: memref<1024xi32, #tpu.memory_space<vmem>>, %arg13: memref<1024xf32, #tpu.memory_space<vmem>>, %arg14: memref<16384xf32, #tpu.memory_space<vmem>>, %arg15: memref<16384xf32, #tpu.memory_space<vmem>>) attributes {dimension_semantics = [#tpu.dimension_semantics<core_parallel>, #tpu.dimension_semantics<subcore_parallel>], iteration_bounds = array<i64: 2, 16>, scalar_prefetch = 0 : i64, scratch_operands = 9 : i64, tpu.core_type = #tpu.core_type<sc_vector_subcore>, window_params = [{transform_indices = #map}, {transform_indices = #map}, {transform_indices = #map}, {transform_indices = #map}, {transform_indices = #map}]} {
    %mul3A = arith.constant 2 : i32
    %mul3A_0 = arith.muli %arg1, %mul3A : i32
    %add3A = arith.addi %mul3A_0, %arg0 : i32
    %mul3A_1 = arith.constant 12544 : i32
    %mul3A_2 = arith.muli %add3A, %mul3A_1 : i32
    "tpu.region"() ({
      %run_scoped3A = tpu.sem_alloc : memref<!tpu.dma_semaphore, #tpu.memory_space<semaphore_mem>>
      %dma_start3A = tpu.memref_slice %arg2[%mul3A_2] : memref<401408xf32, #tpu.memory_space<hbm>> -> memref<12544xf32, #tpu.memory_space<hbm>>
      %dma_start3A_259 = tpu.memref_slice %arg2[%mul3A_2] : memref<401408xf32, #tpu.memory_space<hbm>> -> memref<12544xf32, #tpu.memory_space<hbm>>
      tpu.enqueue_dma source(%dma_start3A_259 : memref<12544xf32, #tpu.memory_space<hbm>>) target(%arg7 : memref<12544xf32, #tpu.memory_space<vmem>>) target_semaphore(%run_scoped3A : memref<!tpu.dma_semaphore, #tpu.memory_space<semaphore_mem>>)
      %dma_wait3A = tpu.memref_slice %arg2[%mul3A_2] : memref<401408xf32, #tpu.memory_space<hbm>> -> memref<12544xf32, #tpu.memory_space<hbm>>
      %dma_wait3A_260 = tpu.memref_slice %arg2[%mul3A_2] : memref<401408xf32, #tpu.memory_space<hbm>> -> memref<12544xf32, #tpu.memory_space<hbm>>
      tpu.wait_dma2 semaphore(%run_scoped3A : memref<!tpu.dma_semaphore, #tpu.memory_space<semaphore_mem>>) src(%dma_wait3A_260 : memref<12544xf32, #tpu.memory_space<hbm>>) dst(%arg7 : memref<12544xf32, #tpu.memory_space<vmem>>)
      tpu.yield
    }) : () -> ()
    "tpu.region"() ({
      %run_scoped3A = tpu.sem_alloc : memref<!tpu.dma_semaphore, #tpu.memory_space<semaphore_mem>>
      tpu.enqueue_dma source(%arg3 : memref<20000xf32, #tpu.memory_space<hbm>>) target(%arg8 : memref<20000xf32, #tpu.memory_space<vmem>>) target_semaphore(%run_scoped3A : memref<!tpu.dma_semaphore, #tpu.memory_space<semaphore_mem>>)
      tpu.wait_dma2 semaphore(%run_scoped3A : memref<!tpu.dma_semaphore, #tpu.memory_space<semaphore_mem>>) src(%arg3 : memref<20000xf32, #tpu.memory_space<hbm>>) dst(%arg8 : memref<20000xf32, #tpu.memory_space<vmem>>)
      tpu.yield
    }) : () -> ()
    "tpu.region"() ({
      %run_scoped3A = tpu.sem_alloc : memref<!tpu.dma_semaphore, #tpu.memory_space<semaphore_mem>>
      tpu.enqueue_dma source(%arg4 : memref<1024xi32, #tpu.memory_space<hbm>>) target(%arg9 : memref<1024xi32, #tpu.memory_space<vmem>>) target_semaphore(%run_scoped3A : memref<!tpu.dma_semaphore, #tpu.memory_space<semaphore_mem>>)
      tpu.wait_dma2 semaphore(%run_scoped3A : memref<!tpu.dma_semaphore, #tpu.memory_space<semaphore_mem>>) src(%arg4 : memref<1024xi32, #tpu.memory_space<hbm>>) dst(%arg9 : memref<1024xi32, #tpu.memory_space<vmem>>)
      tpu.yield
    }) : () -> ()
    %iota3A = tpu.iota {dimensions = array<i32: 0>} : vector<16xi32>
    %get3A = arith.constant 0 : index
    %get3A_3 = tpu.vector_load %arg9[%get3A] {strides = array<i32>} : memref<1024xi32, #tpu.memory_space<vmem>>, vector<16xi32>,
    %eq3A = arith.constant 0 : i32
    %eq3A_4 = vector.broadcast %eq3A : i32 to vector<16xi32>
    %eq3A_5 = arith.cmpi eq, %iota3A, %eq3A_4 : vector<16xi32>
    %jit3A = arith.constant 0 : i32
    %broadcast_in_dim3A = vector.broadcast %jit3A : i32 to vector<16xi32>
    %select_n3A = arith.select %eq3A_5, %get3A_3, %broadcast_in_dim3A : vector<16xi1>, vector<16xi32>
    %reduce_sum3A = arith.constant true
    %reduce_sum3A_6 = vector.broadcast %reduce_sum3A : i1 to vector<16xi1>
    %reduce_sum3A_7 = tpu.scan <sum>, %select_n3A masked %reduce_sum3A_6 : vector<16xi32>, vector<16xi1> -> vector<16xi32>
    %reduce_sum3A_8 = vector.extract %reduce_sum3A_7[15] : i32 from vector<16xi32>
    %eq3A_9 = arith.constant 2 : i32
    %eq3A_10 = vector.broadcast %eq3A_9 : i32 to vector<16xi32>
    %eq3A_11 = arith.cmpi eq, %iota3A, %eq3A_10 : vector<16xi32>
    %jit3A_12 = arith.constant 0 : i32
    %broadcast_in_dim3A_13 = vector.broadcast %jit3A_12 : i32 to vector<16xi32>
    %select_n3A_14 = arith.select %eq3A_11, %get3A_3, %broadcast_in_dim3A_13 : vector<16xi1>, vector<16xi32>
    %reduce_sum3A_15 = arith.constant true
    %reduce_sum3A_16 = vector.broadcast %reduce_sum3A_15 : i1 to vector<16xi1>
    %reduce_sum3A_17 = tpu.scan <sum>, %select_n3A_14 masked %reduce_sum3A_16 : vector<16xi32>, vector<16xi1> -> vector<16xi32>
    %reduce_sum3A_18 = vector.extract %reduce_sum3A_17[15] : i32 from vector<16xi32>
    %broadcast_in_dim3A_19 = arith.constant 128 : i32
    %broadcast_in_dim3A_20 = vector.broadcast %broadcast_in_dim3A_19 : i32 to vector<16xi32>
    %add3A_21 = vector.broadcast %add3A : i32 to vector<16xi32>
    %add3A_22 = arith.addi %broadcast_in_dim3A_20, %add3A_21 : vector<16xi32>
    %gather3A = tpu.vector_load_idx %arg9[%add3A_22] : memref<1024xi32, #tpu.memory_space<vmem>>[vector<16xi32>], vector<16xi32>,
    %eq3A_23 = arith.constant 0 : i32
    %eq3A_24 = vector.broadcast %eq3A_23 : i32 to vector<16xi32>
    %eq3A_25 = arith.cmpi eq, %iota3A, %eq3A_24 : vector<16xi32>
    %jit3A_26 = arith.constant 0 : i32
    %broadcast_in_dim3A_27 = vector.broadcast %jit3A_26 : i32 to vector<16xi32>
    %select_n3A_28 = arith.select %eq3A_25, %gather3A, %broadcast_in_dim3A_27 : vector<16xi1>, vector<16xi32>
    %reduce_sum3A_29 = arith.constant true
    %reduce_sum3A_30 = vector.broadcast %reduce_sum3A_29 : i1 to vector<16xi1>
    %reduce_sum3A_31 = tpu.scan <sum>, %select_n3A_28 masked %reduce_sum3A_30 : vector<16xi32>, vector<16xi1> -> vector<16xi32>
    %reduce_sum3A_32 = vector.extract %reduce_sum3A_31[15] : i32 from vector<16xi32>
    %broadcast_in_dim3A_33 = arith.constant 256 : i32
    %broadcast_in_dim3A_34 = vector.broadcast %broadcast_in_dim3A_33 : i32 to vector<16xi32>
    %add3A_35 = vector.broadcast %add3A : i32 to vector<16xi32>
    %add3A_36 = arith.addi %broadcast_in_dim3A_34, %add3A_35 : vector<16xi32>
    %gather3A_37 = tpu.vector_load_idx %arg9[%add3A_36] : memref<1024xi32, #tpu.memory_space<vmem>>[vector<16xi32>], vector<16xi32>,
    %eq3A_38 = arith.constant 0 : i32
    %eq3A_39 = vector.broadcast %eq3A_38 : i32 to vector<16xi32>
    %eq3A_40 = arith.cmpi eq, %iota3A, %eq3A_39 : vector<16xi32>
    %jit3A_41 = arith.constant 0 : i32
    %broadcast_in_dim3A_42 = vector.broadcast %jit3A_41 : i32 to vector<16xi32>
    %select_n3A_43 = arith.select %eq3A_40, %gather3A_37, %broadcast_in_dim3A_42 : vector<16xi1>, vector<16xi32>
    %reduce_sum3A_44 = arith.constant true
    %reduce_sum3A_45 = vector.broadcast %reduce_sum3A_44 : i1 to vector<16xi1>
    %reduce_sum3A_46 = tpu.scan <sum>, %select_n3A_43 masked %reduce_sum3A_45 : vector<16xi32>, vector<16xi1> -> vector<16xi32>
    %reduce_sum3A_47 = vector.extract %reduce_sum3A_46[15] : i32 from vector<16xi32>
    %broadcast_in_dim3A_48 = arith.constant 384 : i32
    %broadcast_in_dim3A_49 = vector.broadcast %broadcast_in_dim3A_48 : i32 to vector<16xi32>
    %add3A_50 = vector.broadcast %add3A : i32 to vector<16xi32>
    %add3A_51 = arith.addi %broadcast_in_dim3A_49, %add3A_50 : vector<16xi32>
    %gather3A_52 = tpu.vector_load_idx %arg9[%add3A_51] : memref<1024xi32, #tpu.memory_space<vmem>>[vector<16xi32>], vector<16xi32>,
    %eq3A_53 = arith.constant 0 : i32
    %eq3A_54 = vector.broadcast %eq3A_53 : i32 to vector<16xi32>
    %eq3A_55 = arith.cmpi eq, %iota3A, %eq3A_54 : vector<16xi32>
    %jit3A_56 = arith.constant 0 : i32
    %broadcast_in_dim3A_57 = vector.broadcast %jit3A_56 : i32 to vector<16xi32>
    %select_n3A_58 = arith.select %eq3A_55, %gather3A_52, %broadcast_in_dim3A_57 : vector<16xi1>, vector<16xi32>
    %reduce_sum3A_59 = arith.constant true
    %reduce_sum3A_60 = vector.broadcast %reduce_sum3A_59 : i1 to vector<16xi1>
    %reduce_sum3A_61 = tpu.scan <sum>, %select_n3A_58 masked %reduce_sum3A_60 : vector<16xi32>, vector<16xi1> -> vector<16xi32>
    %reduce_sum3A_62 = vector.extract %reduce_sum3A_61[15] : i32 from vector<16xi32>
    %broadcast_in_dim3A_63 = arith.constant 512 : i32
    %broadcast_in_dim3A_64 = vector.broadcast %broadcast_in_dim3A_63 : i32 to vector<16xi32>
    %add3A_65 = vector.broadcast %add3A : i32 to vector<16xi32>
    %add3A_66 = arith.addi %broadcast_in_dim3A_64, %add3A_65 : vector<16xi32>
    %gather3A_67 = tpu.vector_load_idx %arg9[%add3A_66] : memref<1024xi32, #tpu.memory_space<vmem>>[vector<16xi32>], vector<16xi32>,
    %eq3A_68 = arith.constant 0 : i32
    %eq3A_69 = vector.broadcast %eq3A_68 : i32 to vector<16xi32>
    %eq3A_70 = arith.cmpi eq, %iota3A, %eq3A_69 : vector<16xi32>
    %jit3A_71 = arith.constant 0 : i32
    %broadcast_in_dim3A_72 = vector.broadcast %jit3A_71 : i32 to vector<16xi32>
    %select_n3A_73 = arith.select %eq3A_70, %gather3A_67, %broadcast_in_dim3A_72 : vector<16xi1>, vector<16xi32>
    %reduce_sum3A_74 = arith.constant true
    %reduce_sum3A_75 = vector.broadcast %reduce_sum3A_74 : i1 to vector<16xi1>
    %reduce_sum3A_76 = tpu.scan <sum>, %select_n3A_73 masked %reduce_sum3A_75 : vector<16xi32>, vector<16xi1> -> vector<16xi32>
    %reduce_sum3A_77 = vector.extract %reduce_sum3A_76[15] : i32 from vector<16xi32>
    %sub3A = arith.subi %reduce_sum3A_18, %reduce_sum3A_77 : i32
    %jit3A_78 = arith.constant 0 : i32
    %max3A = arith.maxsi %jit3A_78, %sub3A : i32
    %min3A = arith.minsi %reduce_sum3A_62, %max3A : i32
    %min3A_79 = arith.minsi %reduce_sum3A_77, %reduce_sum3A_18 : i32
    %broadcast_in_dim3A_80 = arith.constant 0 : i32
    %broadcast_in_dim3A_81 = vector.broadcast %broadcast_in_dim3A_80 : i32 to vector<16xi32>
    %scan3A = arith.constant 0 : i32
    %scan3A_82 = arith.constant 784 : i32
    %scan3A_83 = arith.addi %scan3A, %scan3A_82 : i32
    %scan3A_84 = arith.constant 1 : i32
    %scan3A_85:2 = scf.for %scan3A_259 = %scan3A to %scan3A_83 step %scan3A_84 iter_args(%scan3A_260 = %broadcast_in_dim3A_81, %scan3A_261 = %broadcast_in_dim3A_81) -> (vector<16xi32>, vector<16xi32>)  : i32 {
      %mul3A_262 = arith.constant 16 : i32
      %mul3A_263 = arith.muli %scan3A_259, %mul3A_262 : i32
      %get3A_264 = arith.index_cast %mul3A_263 : i32 to index
      %get3A_265 = tpu.vector_load %arg7[%get3A_264] {strides = array<i32>} : memref<12544xf32, #tpu.memory_space<vmem>>, vector<16xf32>,
      %gt3A = arith.constant 1.000000e-03 : f32
      %gt3A_266 = vector.broadcast %gt3A : f32 to vector<16xf32>
      %gt3A_267 = arith.cmpf ogt, %get3A_265, %gt3A_266 : vector<16xf32>
      %jit3A_268 = arith.constant -1.000000e+00 : f32
      %broadcast_in_dim3A_269 = vector.broadcast %jit3A_268 : f32 to vector<16xf32>
      %select_n3A_270 = arith.select %gt3A_267, %get3A_265, %broadcast_in_dim3A_269 : vector<16xi1>, vector<16xf32>
      %gt3A_271 = arith.constant 1.000000e-03 : f32
      %gt3A_272 = vector.broadcast %gt3A_271 : f32 to vector<16xf32>
      %gt3A_273 = arith.cmpf ogt, %get3A_265, %gt3A_272 : vector<16xf32>
      %jit3A_274 = arith.constant -1.000000e+00 : f32
      %broadcast_in_dim3A_275 = vector.broadcast %jit3A_274 : f32 to vector<16xf32>
      %select_n3A_276 = arith.select %gt3A_273, %get3A_265, %broadcast_in_dim3A_275 : vector<16xi1>, vector<16xf32>
      %bitcast_convert_type3A = tpu.bitcast %select_n3A_276 : vector<16xf32> -> vector<16xi32>
      %ge3A = arith.constant 0 : i32
      %ge3A_277 = vector.broadcast %ge3A : i32 to vector<16xi32>
      %ge3A_278 = arith.cmpi sge, %bitcast_convert_type3A, %ge3A_277 : vector<16xi32>
      %sub3A_279 = arith.constant -2147483648 : i32
      %sub3A_280 = vector.broadcast %sub3A_279 : i32 to vector<16xi32>
      %sub3A_281 = arith.subi %sub3A_280, %bitcast_convert_type3A : vector<16xi32>
      %select_n3A_282 = arith.select %ge3A_278, %bitcast_convert_type3A, %sub3A_281 : vector<16xi1>, vector<16xi32>
      %bitcast_convert_type3A_283 = tpu.bitcast %get3A_265 : vector<16xf32> -> vector<16xi32>
      %eq3A_284 = arith.constant -8388608 : i32
      %eq3A_285 = vector.broadcast %eq3A_284 : i32 to vector<16xi32>
      %eq3A_286 = arith.cmpi eq, %bitcast_convert_type3A_283, %eq3A_285 : vector<16xi32>
      %jit3A_287 = arith.constant -2147483648 : i32
      %broadcast_in_dim3A_288 = vector.broadcast %jit3A_287 : i32 to vector<16xi32>
      %select_n3A_289 = arith.select %eq3A_286, %broadcast_in_dim3A_288, %select_n3A_282 : vector<16xi1>, vector<16xi32>
      %mul3A_290 = arith.constant 16 : i32
      %mul3A_291 = arith.muli %scan3A_259, %mul3A_290 : i32
      %add3A_292 = arith.addi %mul3A_2, %mul3A_291 : i32
      %add3A_293 = vector.broadcast %add3A_292 : i32 to vector<16xi32>
      %add3A_294 = arith.addi %add3A_293, %iota3A : vector<16xi32>
      %gt3A_295 = vector.broadcast %reduce_sum3A_8 : i32 to vector<16xi32>
      %gt3A_296 = arith.cmpi sgt, %select_n3A_289, %gt3A_295 : vector<16xi32>
      %eq3A_297 = vector.broadcast %reduce_sum3A_8 : i32 to vector<16xi32>
      %eq3A_298 = arith.cmpi eq, %select_n3A_289, %eq3A_297 : vector<16xi32>
      %jit3A_299 = arith.constant 1 : i32
      %jit3A_300 = arith.constant 0 : i32
      %broadcast_in_dim3A_301 = vector.broadcast %jit3A_299 : i32 to vector<16xi32>
      %broadcast_in_dim3A_302 = vector.broadcast %jit3A_300 : i32 to vector<16xi32>
      %select_n3A_303 = arith.select %gt3A_296, %broadcast_in_dim3A_301, %broadcast_in_dim3A_302 : vector<16xi1>, vector<16xi32>
      %jit3A_304 = arith.constant 1 : i32
      %jit3A_305 = arith.constant 0 : i32
      %broadcast_in_dim3A_306 = vector.broadcast %jit3A_304 : i32 to vector<16xi32>
      %broadcast_in_dim3A_307 = vector.broadcast %jit3A_305 : i32 to vector<16xi32>
      %select_n3A_308 = arith.select %eq3A_298, %broadcast_in_dim3A_306, %broadcast_in_dim3A_307 : vector<16xi1>, vector<16xi32>
      %broadcast_in_dim3A_309 = arith.constant true
      %broadcast_in_dim3A_310 = vector.broadcast %broadcast_in_dim3A_309 : i1 to vector<16xi1>
      %masked_cumsum3A = tpu.scan <sum>, %select_n3A_303 masked %broadcast_in_dim3A_310 : vector<16xi32>, vector<16xi1> -> vector<16xi32>
      %add3A_311 = arith.addi %scan3A_260, %masked_cumsum3A : vector<16xi32>
      %sub3A_312 = arith.subi %add3A_311, %select_n3A_303 : vector<16xi32>
      tpu.vector_store_idx %arg10[%sub3A_312], %add3A_294 masked %gt3A_296 : memref<1024xi32, #tpu.memory_space<vmem>>[vector<16xi32>], vector<16xi32>, vector<16xi1>
      tpu.vector_store_idx %arg11[%sub3A_312], %select_n3A_270 masked %gt3A_296 : memref<1024xf32, #tpu.memory_space<vmem>>[vector<16xi32>], vector<16xf32>, vector<16xi1>
      %broadcast_in_dim3A_313 = arith.constant true
      %broadcast_in_dim3A_314 = vector.broadcast %broadcast_in_dim3A_313 : i1 to vector<16xi1>
      %masked_cumsum3A_315 = tpu.scan <sum>, %select_n3A_308 masked %broadcast_in_dim3A_314 : vector<16xi32>, vector<16xi1> -> vector<16xi32>
      %add3A_316 = arith.addi %scan3A_261, %masked_cumsum3A_315 : vector<16xi32>
      %sub3A_317 = arith.subi %add3A_316, %select_n3A_308 : vector<16xi32>
      %lt3A = vector.broadcast %min3A : i32 to vector<16xi32>
      %lt3A_318 = arith.cmpi slt, %sub3A_317, %lt3A : vector<16xi32>
      %and3A_319 = arith.andi %eq3A_298, %lt3A_318 : vector<16xi1>
      tpu.vector_store_idx %arg12[%sub3A_317], %add3A_294 masked %and3A_319 : memref<1024xi32, #tpu.memory_space<vmem>>[vector<16xi32>], vector<16xi32>, vector<16xi1>
      tpu.vector_store_idx %arg13[%sub3A_317], %select_n3A_270 masked %and3A_319 : memref<1024xf32, #tpu.memory_space<vmem>>[vector<16xi32>], vector<16xf32>, vector<16xi1>
      %all_reduce_population_count3A = tpu.all_reduce %gt3A_296 {dim = 0 : i64, kind = #tpu.reduction_kind<sum>} : vector<16xi1> -> vector<16xi32>
      %add3A_320 = arith.addi %scan3A_260, %all_reduce_population_count3A : vector<16xi32>
      %all_reduce_population_count3A_321 = tpu.all_reduce %eq3A_298 {dim = 0 : i64, kind = #tpu.reduction_kind<sum>} : vector<16xi1> -> vector<16xi32>
      %add3A_322 = arith.addi %scan3A_261, %all_reduce_population_count3A_321 : vector<16xi32>
      scf.yield %add3A_320, %add3A_322 : vector<16xi32>, vector<16xi32>
    }
    %scan3A_86 = arith.constant 784 : i32
    %add3A_87 = arith.constant 15 : i32
    %add3A_88 = arith.addi %reduce_sum3A_32, %add3A_87 : i32
    %jit3A_89 = arith.constant 16 : i32
    %div3A = arith.divsi %add3A_88, %jit3A_89 : i32
    %sign3A = arith.constant 0 : i32
    %sign3A_90 = arith.cmpi sgt, %add3A_88, %sign3A : i32
    %sign3A_91 = arith.extui %sign3A_90 : i1 to i32
    %sign3A_92 = arith.constant 0 : i32
    %sign3A_93 = arith.cmpi slt, %add3A_88, %sign3A_92 : i32
    %sign3A_94 = arith.extui %sign3A_93 : i1 to i32
    %sign3A_95 = arith.subi %sign3A_91, %sign3A_94 : i32
    %sign3A_96 = arith.constant 0 : i32
    %sign3A_97 = arith.cmpi sgt, %jit3A_89, %sign3A_96 : i32
    %sign3A_98 = arith.extui %sign3A_97 : i1 to i32
    %sign3A_99 = arith.constant 0 : i32
    %sign3A_100 = arith.cmpi slt, %jit3A_89, %sign3A_99 : i32
    %sign3A_101 = arith.extui %sign3A_100 : i1 to i32
    %sign3A_102 = arith.subi %sign3A_98, %sign3A_101 : i32
    %ne3A = arith.cmpi ne, %sign3A_95, %sign3A_102 : i32
    %rem3A = arith.remsi %add3A_88, %jit3A_89 : i32
    %ne3A_103 = arith.constant 0 : i32
    %ne3A_104 = arith.cmpi ne, %rem3A, %ne3A_103 : i32
    %and3A = arith.andi %ne3A, %ne3A_104 : i1
    %sub3A_105 = arith.constant 1 : i32
    %sub3A_106 = arith.subi %div3A, %sub3A_105 : i32
    %select_n3A_107 = arith.select %and3A, %sub3A_106, %div3A : i32
    %while3A = arith.constant 0 : i32
    %while3A_108 = arith.constant 0 : i32
    %while3A_109 = arith.subi %select_n3A_107, %while3A : i32
    %while3A_110 = arith.addi %while3A, %while3A_109 : i32
    %while3A_111 = arith.constant 1 : i32
    %while3A_112 = arith.divsi %while3A_109, %while3A_111 : i32
    %while3A_113 = arith.muli %while3A_112, %while3A_111 : i32
    %while3A_114 = arith.addi %while3A, %while3A_113 : i32
    %while3A_115 = arith.constant 1 : i32
    %while3A_116 = scf.for %while3A_259 = %while3A to %while3A_114 step %while3A_115 iter_args(%while3A_260 = %while3A_108) -> (i32)  : i32 {
      %mul3A_261 = arith.constant 16 : i32
      %mul3A_262 = arith.muli %while3A_259, %mul3A_261 : i32
      %get3A_263 = arith.index_cast %mul3A_262 : i32 to index
      %get3A_264 = tpu.vector_load %arg10[%get3A_263] {strides = array<i32>} : memref<1024xi32, #tpu.memory_space<vmem>>, vector<16xi32>,
      %mul3A_265 = arith.constant 16 : i32
      %mul3A_266 = arith.muli %while3A_259, %mul3A_265 : i32
      %get3A_267 = arith.index_cast %mul3A_266 : i32 to index
      %get3A_268 = tpu.vector_load %arg11[%get3A_267] {strides = array<i32>} : memref<1024xf32, #tpu.memory_space<vmem>>, vector<16xf32>,
      %jit3A_269 = arith.constant 80 : i32
      %div3A_270 = vector.broadcast %jit3A_269 : i32 to vector<16xi32>
      %div3A_271 = arith.divsi %get3A_264, %div3A_270 : vector<16xi32>
      %sign3A_272 = arith.constant 0 : i32
      %sign3A_273 = vector.broadcast %sign3A_272 : i32 to vector<16xi32>
      %sign3A_274 = arith.cmpi sgt, %get3A_264, %sign3A_273 : vector<16xi32>
      %sign3A_275 = arith.extui %sign3A_274 : vector<16xi1> to vector<16xi32>
      %sign3A_276 = arith.constant 0 : i32
      %sign3A_277 = vector.broadcast %sign3A_276 : i32 to vector<16xi32>
      %sign3A_278 = arith.cmpi slt, %get3A_264, %sign3A_277 : vector<16xi32>
      %sign3A_279 = arith.extui %sign3A_278 : vector<16xi1> to vector<16xi32>
      %sign3A_280 = arith.subi %sign3A_275, %sign3A_279 : vector<16xi32>
      %sign3A_281 = arith.constant 0 : i32
      %sign3A_282 = arith.cmpi sgt, %jit3A_269, %sign3A_281 : i32
      %sign3A_283 = arith.extui %sign3A_282 : i1 to i32
      %sign3A_284 = arith.constant 0 : i32
      %sign3A_285 = arith.cmpi slt, %jit3A_269, %sign3A_284 : i32
      %sign3A_286 = arith.extui %sign3A_285 : i1 to i32
      %sign3A_287 = arith.subi %sign3A_283, %sign3A_286 : i32
      %ne3A_288 = vector.broadcast %sign3A_287 : i32 to vector<16xi32>
      %ne3A_289 = arith.cmpi ne, %sign3A_280, %ne3A_288 : vector<16xi32>
      %rem3A_290 = vector.broadcast %jit3A_269 : i32 to vector<16xi32>
      %rem3A_291 = arith.remsi %get3A_264, %rem3A_290 : vector<16xi32>
      %ne3A_292 = arith.constant 0 : i32
      %ne3A_293 = vector.broadcast %ne3A_292 : i32 to vector<16xi32>
      %ne3A_294 = arith.cmpi ne, %rem3A_291, %ne3A_293 : vector<16xi32>
      %and3A_295 = arith.andi %ne3A_289, %ne3A_294 : vector<16xi1>
      %sub3A_296 = arith.constant 1 : i32
      %sub3A_297 = vector.broadcast %sub3A_296 : i32 to vector<16xi32>
      %sub3A_298 = arith.subi %div3A_271, %sub3A_297 : vector<16xi32>
      %select_n3A_299 = arith.select %and3A_295, %sub3A_298, %div3A_271 : vector<16xi1>, vector<16xi32>
      %mul3A_300 = arith.constant 80 : i32
      %mul3A_301 = vector.broadcast %mul3A_300 : i32 to vector<16xi32>
      %mul3A_302 = arith.muli %select_n3A_299, %mul3A_301 : vector<16xi32>
      %sub3A_303 = arith.subi %get3A_264, %mul3A_302 : vector<16xi32>
      %jit3A_304 = arith.constant 0 : i32
      %jit3A_305 = arith.constant 4999 : i32
      %max3A_306 = vector.broadcast %jit3A_304 : i32 to vector<16xi32>
      %max3A_307 = arith.maxsi %max3A_306, %select_n3A_299 : vector<16xi32>
      %min3A_308 = vector.broadcast %jit3A_305 : i32 to vector<16xi32>
      %min3A_309 = arith.minsi %min3A_308, %max3A_307 : vector<16xi32>
      %mul3A_310 = arith.constant 4 : i32
      %mul3A_311 = vector.broadcast %mul3A_310 : i32 to vector<16xi32>
      %mul3A_312 = arith.muli %min3A_309, %mul3A_311 : vector<16xi32>
      %gather3A_313 = tpu.vector_load_idx %arg8[%mul3A_312] : memref<20000xf32, #tpu.memory_space<vmem>>[vector<16xi32>], vector<16xf32>,
      %mul3A_314 = arith.constant 4 : i32
      %mul3A_315 = vector.broadcast %mul3A_314 : i32 to vector<16xi32>
      %mul3A_316 = arith.muli %min3A_309, %mul3A_315 : vector<16xi32>
      %add3A_317 = arith.constant 1 : i32
      %add3A_318 = vector.broadcast %add3A_317 : i32 to vector<16xi32>
      %add3A_319 = arith.addi %mul3A_316, %add3A_318 : vector<16xi32>
      %gather3A_320 = tpu.vector_load_idx %arg8[%add3A_319] : memref<20000xf32, #tpu.memory_space<vmem>>[vector<16xi32>], vector<16xf32>,
      %mul3A_321 = arith.constant 4 : i32
      %mul3A_322 = vector.broadcast %mul3A_321 : i32 to vector<16xi32>
      %mul3A_323 = arith.muli %min3A_309, %mul3A_322 : vector<16xi32>
      %add3A_324 = arith.constant 2 : i32
      %add3A_325 = vector.broadcast %add3A_324 : i32 to vector<16xi32>
      %add3A_326 = arith.addi %mul3A_323, %add3A_325 : vector<16xi32>
      %gather3A_327 = tpu.vector_load_idx %arg8[%add3A_326] : memref<20000xf32, #tpu.memory_space<vmem>>[vector<16xi32>], vector<16xf32>,
      %mul3A_328 = arith.constant 4 : i32
      %mul3A_329 = vector.broadcast %mul3A_328 : i32 to vector<16xi32>
      %mul3A_330 = arith.muli %min3A_309, %mul3A_329 : vector<16xi32>
      %add3A_331 = arith.constant 3 : i32
      %add3A_332 = vector.broadcast %add3A_331 : i32 to vector<16xi32>
      %add3A_333 = arith.addi %mul3A_330, %add3A_332 : vector<16xi32>
      %gather3A_334 = tpu.vector_load_idx %arg8[%add3A_333] : memref<20000xf32, #tpu.memory_space<vmem>>[vector<16xi32>], vector<16xf32>,
      %mul3A_335 = arith.constant 16 : i32
      %mul3A_336 = arith.muli %while3A_259, %mul3A_335 : i32
      %add3A_337 = vector.broadcast %mul3A_336 : i32 to vector<16xi32>
      %add3A_338 = arith.addi %add3A_337, %iota3A : vector<16xi32>
      %mul3A_339 = arith.constant 16 : i32
      %mul3A_340 = vector.broadcast %mul3A_339 : i32 to vector<16xi32>
      %mul3A_341 = arith.muli %add3A_338, %mul3A_340 : vector<16xi32>
      %add3A_342 = arith.constant 0 : i32
      %add3A_343 = vector.broadcast %add3A_342 : i32 to vector<16xi32>
      %add3A_344 = arith.addi %mul3A_341, %add3A_343 : vector<16xi32>
      tpu.vector_store_idx %arg14[%add3A_344], %get3A_268 : memref<16384xf32, #tpu.memory_space<vmem>>[vector<16xi32>], vector<16xf32>,
      %add3A_345 = arith.constant 1 : i32
      %add3A_346 = vector.broadcast %add3A_345 : i32 to vector<16xi32>
      %add3A_347 = arith.addi %mul3A_341, %add3A_346 : vector<16xi32>
      tpu.vector_store_idx %arg14[%add3A_347], %gather3A_313 : memref<16384xf32, #tpu.memory_space<vmem>>[vector<16xi32>], vector<16xf32>,
      %add3A_348 = arith.constant 2 : i32
      %add3A_349 = vector.broadcast %add3A_348 : i32 to vector<16xi32>
      %add3A_350 = arith.addi %mul3A_341, %add3A_349 : vector<16xi32>
      tpu.vector_store_idx %arg14[%add3A_350], %gather3A_320 : memref<16384xf32, #tpu.memory_space<vmem>>[vector<16xi32>], vector<16xf32>,
      %add3A_351 = arith.constant 3 : i32
      %add3A_352 = vector.broadcast %add3A_351 : i32 to vector<16xi32>
      %add3A_353 = arith.addi %mul3A_341, %add3A_352 : vector<16xi32>
      tpu.vector_store_idx %arg14[%add3A_353], %gather3A_327 : memref<16384xf32, #tpu.memory_space<vmem>>[vector<16xi32>], vector<16xf32>,
      %add3A_354 = arith.constant 4 : i32
      %add3A_355 = vector.broadcast %add3A_354 : i32 to vector<16xi32>
      %add3A_356 = arith.addi %mul3A_341, %add3A_355 : vector<16xi32>
      tpu.vector_store_idx %arg14[%add3A_356], %gather3A_334 : memref<16384xf32, #tpu.memory_space<vmem>>[vector<16xi32>], vector<16xf32>,
      %add3A_357 = arith.constant 5 : i32
      %add3A_358 = vector.broadcast %add3A_357 : i32 to vector<16xi32>
      %add3A_359 = arith.addi %mul3A_341, %add3A_358 : vector<16xi32>
      %convert_element_type3A = arith.sitofp %sub3A_303 : vector<16xi32> to vector<16xf32>
      tpu.vector_store_idx %arg14[%add3A_359], %convert_element_type3A : memref<16384xf32, #tpu.memory_space<vmem>>[vector<16xi32>], vector<16xf32>,
      %add3A_360 = arith.constant 6 : i32
      %add3A_361 = vector.broadcast %add3A_360 : i32 to vector<16xi32>
      %add3A_362 = arith.addi %mul3A_341, %add3A_361 : vector<16xi32>
      %convert_element_type3A_363 = arith.sitofp %get3A_264 : vector<16xi32> to vector<16xf32>
      tpu.vector_store_idx %arg14[%add3A_362], %convert_element_type3A_363 : memref<16384xf32, #tpu.memory_space<vmem>>[vector<16xi32>], vector<16xf32>,
      %while3A_364 = arith.constant 0 : i32
      scf.yield %while3A_364 : i32
    }
    %while3A_117 = arith.constant 1 : i32
    %while3A_118 = scf.for %while3A_259 = %while3A_114 to %while3A_110 step %while3A_117 iter_args(%while3A_260 = %while3A_116) -> (i32)  : i32 {
      %mul3A_261 = arith.constant 16 : i32
      %mul3A_262 = arith.muli %while3A_259, %mul3A_261 : i32
      %get3A_263 = arith.index_cast %mul3A_262 : i32 to index
      %get3A_264 = tpu.vector_load %arg10[%get3A_263] {strides = array<i32>} : memref<1024xi32, #tpu.memory_space<vmem>>, vector<16xi32>,
      %mul3A_265 = arith.constant 16 : i32
      %mul3A_266 = arith.muli %while3A_259, %mul3A_265 : i32
      %get3A_267 = arith.index_cast %mul3A_266 : i32 to index
      %get3A_268 = tpu.vector_load %arg11[%get3A_267] {strides = array<i32>} : memref<1024xf32, #tpu.memory_space<vmem>>, vector<16xf32>,
      %jit3A_269 = arith.constant 80 : i32
      %div3A_270 = vector.broadcast %jit3A_269 : i32 to vector<16xi32>
      %div3A_271 = arith.divsi %get3A_264, %div3A_270 : vector<16xi32>
      %sign3A_272 = arith.constant 0 : i32
      %sign3A_273 = vector.broadcast %sign3A_272 : i32 to vector<16xi32>
      %sign3A_274 = arith.cmpi sgt, %get3A_264, %sign3A_273 : vector<16xi32>
      %sign3A_275 = arith.extui %sign3A_274 : vector<16xi1> to vector<16xi32>
      %sign3A_276 = arith.constant 0 : i32
      %sign3A_277 = vector.broadcast %sign3A_276 : i32 to vector<16xi32>
      %sign3A_278 = arith.cmpi slt, %get3A_264, %sign3A_277 : vector<16xi32>
      %sign3A_279 = arith.extui %sign3A_278 : vector<16xi1> to vector<16xi32>
      %sign3A_280 = arith.subi %sign3A_275, %sign3A_279 : vector<16xi32>
      %sign3A_281 = arith.constant 0 : i32
      %sign3A_282 = arith.cmpi sgt, %jit3A_269, %sign3A_281 : i32
      %sign3A_283 = arith.extui %sign3A_282 : i1 to i32
      %sign3A_284 = arith.constant 0 : i32
      %sign3A_285 = arith.cmpi slt, %jit3A_269, %sign3A_284 : i32
      %sign3A_286 = arith.extui %sign3A_285 : i1 to i32
      %sign3A_287 = arith.subi %sign3A_283, %sign3A_286 : i32
      %ne3A_288 = vector.broadcast %sign3A_287 : i32 to vector<16xi32>
      %ne3A_289 = arith.cmpi ne, %sign3A_280, %ne3A_288 : vector<16xi32>
      %rem3A_290 = vector.broadcast %jit3A_269 : i32 to vector<16xi32>
      %rem3A_291 = arith.remsi %get3A_264, %rem3A_290 : vector<16xi32>
      %ne3A_292 = arith.constant 0 : i32
      %ne3A_293 = vector.broadcast %ne3A_292 : i32 to vector<16xi32>
      %ne3A_294 = arith.cmpi ne, %rem3A_291, %ne3A_293 : vector<16xi32>
      %and3A_295 = arith.andi %ne3A_289, %ne3A_294 : vector<16xi1>
      %sub3A_296 = arith.constant 1 : i32
      %sub3A_297 = vector.broadcast %sub3A_296 : i32 to vector<16xi32>
      %sub3A_298 = arith.subi %div3A_271, %sub3A_297 : vector<16xi32>
      %select_n3A_299 = arith.select %and3A_295, %sub3A_298, %div3A_271 : vector<16xi1>, vector<16xi32>
      %mul3A_300 = arith.constant 80 : i32
      %mul3A_301 = vector.broadcast %mul3A_300 : i32 to vector<16xi32>
      %mul3A_302 = arith.muli %select_n3A_299, %mul3A_301 : vector<16xi32>
      %sub3A_303 = arith.subi %get3A_264, %mul3A_302 : vector<16xi32>
      %jit3A_304 = arith.constant 0 : i32
      %jit3A_305 = arith.constant 4999 : i32
      %max3A_306 = vector.broadcast %jit3A_304 : i32 to vector<16xi32>
      %max3A_307 = arith.maxsi %max3A_306, %select_n3A_299 : vector<16xi32>
      %min3A_308 = vector.broadcast %jit3A_305 : i32 to vector<16xi32>
      %min3A_309 = arith.minsi %min3A_308, %max3A_307 : vector<16xi32>
      %mul3A_310 = arith.constant 4 : i32
      %mul3A_311 = vector.broadcast %mul3A_310 : i32 to vector<16xi32>
      %mul3A_312 = arith.muli %min3A_309, %mul3A_311 : vector<16xi32>
      %gather3A_313 = tpu.vector_load_idx %arg8[%mul3A_312] : memref<20000xf32, #tpu.memory_space<vmem>>[vector<16xi32>], vector<16xf32>,
      %mul3A_314 = arith.constant 4 : i32
      %mul3A_315 = vector.broadcast %mul3A_314 : i32 to vector<16xi32>
      %mul3A_316 = arith.muli %min3A_309, %mul3A_315 : vector<16xi32>
      %add3A_317 = arith.constant 1 : i32
      %add3A_318 = vector.broadcast %add3A_317 : i32 to vector<16xi32>
      %add3A_319 = arith.addi %mul3A_316, %add3A_318 : vector<16xi32>
      %gather3A_320 = tpu.vector_load_idx %arg8[%add3A_319] : memref<20000xf32, #tpu.memory_space<vmem>>[vector<16xi32>], vector<16xf32>,
      %mul3A_321 = arith.constant 4 : i32
      %mul3A_322 = vector.broadcast %mul3A_321 : i32 to vector<16xi32>
      %mul3A_323 = arith.muli %min3A_309, %mul3A_322 : vector<16xi32>
      %add3A_324 = arith.constant 2 : i32
      %add3A_325 = vector.broadcast %add3A_324 : i32 to vector<16xi32>
      %add3A_326 = arith.addi %mul3A_323, %add3A_325 : vector<16xi32>
      %gather3A_327 = tpu.vector_load_idx %arg8[%add3A_326] : memref<20000xf32, #tpu.memory_space<vmem>>[vector<16xi32>], vector<16xf32>,
      %mul3A_328 = arith.constant 4 : i32
      %mul3A_329 = vector.broadcast %mul3A_328 : i32 to vector<16xi32>
      %mul3A_330 = arith.muli %min3A_309, %mul3A_329 : vector<16xi32>
      %add3A_331 = arith.constant 3 : i32
      %add3A_332 = vector.broadcast %add3A_331 : i32 to vector<16xi32>
      %add3A_333 = arith.addi %mul3A_330, %add3A_332 : vector<16xi32>
      %gather3A_334 = tpu.vector_load_idx %arg8[%add3A_333] : memref<20000xf32, #tpu.memory_space<vmem>>[vector<16xi32>], vector<16xf32>,
      %mul3A_335 = arith.constant 16 : i32
      %mul3A_336 = arith.muli %while3A_259, %mul3A_335 : i32
      %add3A_337 = vector.broadcast %mul3A_336 : i32 to vector<16xi32>
      %add3A_338 = arith.addi %add3A_337, %iota3A : vector<16xi32>
      %mul3A_339 = arith.constant 16 : i32
      %mul3A_340 = vector.broadcast %mul3A_339 : i32 to vector<16xi32>
      %mul3A_341 = arith.muli %add3A_338, %mul3A_340 : vector<16xi32>
      %add3A_342 = arith.constant 0 : i32
      %add3A_343 = vector.broadcast %add3A_342 : i32 to vector<16xi32>
      %add3A_344 = arith.addi %mul3A_341, %add3A_343 : vector<16xi32>
      tpu.vector_store_idx %arg14[%add3A_344], %get3A_268 : memref<16384xf32, #tpu.memory_space<vmem>>[vector<16xi32>], vector<16xf32>,
      %add3A_345 = arith.constant 1 : i32
      %add3A_346 = vector.broadcast %add3A_345 : i32 to vector<16xi32>
      %add3A_347 = arith.addi %mul3A_341, %add3A_346 : vector<16xi32>
      tpu.vector_store_idx %arg14[%add3A_347], %gather3A_313 : memref<16384xf32, #tpu.memory_space<vmem>>[vector<16xi32>], vector<16xf32>,
      %add3A_348 = arith.constant 2 : i32
      %add3A_349 = vector.broadcast %add3A_348 : i32 to vector<16xi32>
      %add3A_350 = arith.addi %mul3A_341, %add3A_349 : vector<16xi32>
      tpu.vector_store_idx %arg14[%add3A_350], %gather3A_320 : memref<16384xf32, #tpu.memory_space<vmem>>[vector<16xi32>], vector<16xf32>,
      %add3A_351 = arith.constant 3 : i32
      %add3A_352 = vector.broadcast %add3A_351 : i32 to vector<16xi32>
      %add3A_353 = arith.addi %mul3A_341, %add3A_352 : vector<16xi32>
      tpu.vector_store_idx %arg14[%add3A_353], %gather3A_327 : memref<16384xf32, #tpu.memory_space<vmem>>[vector<16xi32>], vector<16xf32>,
      %add3A_354 = arith.constant 4 : i32
      %add3A_355 = vector.broadcast %add3A_354 : i32 to vector<16xi32>
      %add3A_356 = arith.addi %mul3A_341, %add3A_355 : vector<16xi32>
      tpu.vector_store_idx %arg14[%add3A_356], %gather3A_334 : memref<16384xf32, #tpu.memory_space<vmem>>[vector<16xi32>], vector<16xf32>,
      %add3A_357 = arith.constant 5 : i32
      %add3A_358 = vector.broadcast %add3A_357 : i32 to vector<16xi32>
      %add3A_359 = arith.addi %mul3A_341, %add3A_358 : vector<16xi32>
      %convert_element_type3A = arith.sitofp %sub3A_303 : vector<16xi32> to vector<16xf32>
      tpu.vector_store_idx %arg14[%add3A_359], %convert_element_type3A : memref<16384xf32, #tpu.memory_space<vmem>>[vector<16xi32>], vector<16xf32>,
      %add3A_360 = arith.constant 6 : i32
      %add3A_361 = vector.broadcast %add3A_360 : i32 to vector<16xi32>
      %add3A_362 = arith.addi %mul3A_341, %add3A_361 : vector<16xi32>
      %convert_element_type3A_363 = arith.sitofp %get3A_264 : vector<16xi32> to vector<16xf32>
      tpu.vector_store_idx %arg14[%add3A_362], %convert_element_type3A_363 : memref<16384xf32, #tpu.memory_space<vmem>>[vector<16xi32>], vector<16xf32>,
      %while3A_364 = arith.constant 0 : i32
      scf.yield %while3A_364 : i32
    }
    %jit3A_119 = arith.constant 16 : i32
    %div3A_120 = arith.divsi %reduce_sum3A_32, %jit3A_119 : i32
    %sign3A_121 = arith.constant 0 : i32
    %sign3A_122 = arith.cmpi sgt, %reduce_sum3A_32, %sign3A_121 : i32
    %sign3A_123 = arith.extui %sign3A_122 : i1 to i32
    %sign3A_124 = arith.constant 0 : i32
    %sign3A_125 = arith.cmpi slt, %reduce_sum3A_32, %sign3A_124 : i32
    %sign3A_126 = arith.extui %sign3A_125 : i1 to i32
    %sign3A_127 = arith.subi %sign3A_123, %sign3A_126 : i32
    %sign3A_128 = arith.constant 0 : i32
    %sign3A_129 = arith.cmpi sgt, %jit3A_119, %sign3A_128 : i32
    %sign3A_130 = arith.extui %sign3A_129 : i1 to i32
    %sign3A_131 = arith.constant 0 : i32
    %sign3A_132 = arith.cmpi slt, %jit3A_119, %sign3A_131 : i32
    %sign3A_133 = arith.extui %sign3A_132 : i1 to i32
    %sign3A_134 = arith.subi %sign3A_130, %sign3A_133 : i32
    %ne3A_135 = arith.cmpi ne, %sign3A_127, %sign3A_134 : i32
    %rem3A_136 = arith.remsi %reduce_sum3A_32, %jit3A_119 : i32
    %ne3A_137 = arith.constant 0 : i32
    %ne3A_138 = arith.cmpi ne, %rem3A_136, %ne3A_137 : i32
    %and3A_139 = arith.andi %ne3A_135, %ne3A_138 : i1
    %sub3A_140 = arith.constant 1 : i32
    %sub3A_141 = arith.subi %div3A_120, %sub3A_140 : i32
    %select_n3A_142 = arith.select %and3A_139, %sub3A_141, %div3A_120 : i32
    %mul3A_143 = arith.constant 16 : i32
    %mul3A_144 = arith.muli %select_n3A_142, %mul3A_143 : i32
    %sub3A_145 = arith.subi %reduce_sum3A_32, %mul3A_144 : i32
    %while3A_146 = arith.constant 0 : i32
    %while3A_147 = arith.constant 0 : i32
    %while3A_148 = arith.subi %select_n3A_142, %while3A_146 : i32
    %while3A_149 = arith.addi %while3A_146, %while3A_148 : i32
    %while3A_150 = arith.constant 1 : i32
    %while3A_151 = arith.divsi %while3A_148, %while3A_150 : i32
    %while3A_152 = arith.muli %while3A_151, %while3A_150 : i32
    %while3A_153 = arith.addi %while3A_146, %while3A_152 : i32
    %while3A_154 = arith.constant 1 : i32
    %while3A_155 = scf.for %while3A_259 = %while3A_146 to %while3A_153 step %while3A_154 iter_args(%while3A_260 = %while3A_147) -> (i32)  : i32 {
      %mul3A_261 = arith.constant 256 : i32
      %mul3A_262 = arith.muli %while3A_259, %mul3A_261 : i32
      %mul3A_263 = arith.constant 16 : i32
      %mul3A_264 = arith.muli %while3A_259, %mul3A_263 : i32
      %add3A_265 = arith.addi %reduce_sum3A_47, %mul3A_264 : i32
      %mul3A_266 = arith.constant 16 : i32
      %mul3A_267 = arith.muli %add3A_265, %mul3A_266 : i32
      %multiple_of3A = tpu.assume_multiple %mul3A_267, 8 : i32
      "tpu.region"() ({
        %run_scoped3A = tpu.sem_alloc : memref<!tpu.dma_semaphore, #tpu.memory_space<semaphore_mem>>
        %dma_start3A = tpu.memref_slice %arg14[%mul3A_262] : memref<16384xf32, #tpu.memory_space<vmem>> -> memref<256xf32, #tpu.memory_space<vmem>>
        %dma_start3A_269 = tpu.memref_slice %arg5[%multiple_of3A] : memref<32768xf32, #tpu.memory_space<hbm>> -> memref<256xf32, #tpu.memory_space<hbm>>
        %dma_start3A_270 = tpu.memref_slice %arg5[%multiple_of3A] : memref<32768xf32, #tpu.memory_space<hbm>> -> memref<256xf32, #tpu.memory_space<hbm>>
        %dma_start3A_271 = tpu.memref_slice %arg14[%mul3A_262] : memref<16384xf32, #tpu.memory_space<vmem>> -> memref<256xf32, #tpu.memory_space<vmem>>
        tpu.enqueue_dma source(%dma_start3A_271 : memref<256xf32, #tpu.memory_space<vmem>>) target(%dma_start3A_270 : memref<256xf32, #tpu.memory_space<hbm>>) target_semaphore(%run_scoped3A : memref<!tpu.dma_semaphore, #tpu.memory_space<semaphore_mem>>)
        %dma_wait3A = tpu.memref_slice %arg14[%mul3A_262] : memref<16384xf32, #tpu.memory_space<vmem>> -> memref<256xf32, #tpu.memory_space<vmem>>
        %dma_wait3A_272 = tpu.memref_slice %arg5[%multiple_of3A] : memref<32768xf32, #tpu.memory_space<hbm>> -> memref<256xf32, #tpu.memory_space<hbm>>
        %dma_wait3A_273 = tpu.memref_slice %arg5[%multiple_of3A] : memref<32768xf32, #tpu.memory_space<hbm>> -> memref<256xf32, #tpu.memory_space<hbm>>
        %dma_wait3A_274 = tpu.memref_slice %arg14[%mul3A_262] : memref<16384xf32, #tpu.memory_space<vmem>> -> memref<256xf32, #tpu.memory_space<vmem>>
        tpu.wait_dma2 semaphore(%run_scoped3A : memref<!tpu.dma_semaphore, #tpu.memory_space<semaphore_mem>>) src(%dma_wait3A_274 : memref<256xf32, #tpu.memory_space<vmem>>) dst(%dma_wait3A_273 : memref<256xf32, #tpu.memory_space<hbm>>)
        tpu.yield
      }) : () -> ()
      %while3A_268 = arith.constant 0 : i32
      scf.yield %while3A_268 : i32
    }
    %while3A_156 = arith.constant 1 : i32
    %while3A_157 = scf.for %while3A_259 = %while3A_153 to %while3A_149 step %while3A_156 iter_args(%while3A_260 = %while3A_155) -> (i32)  : i32 {
      %mul3A_261 = arith.constant 256 : i32
      %mul3A_262 = arith.muli %while3A_259, %mul3A_261 : i32
      %mul3A_263 = arith.constant 16 : i32
      %mul3A_264 = arith.muli %while3A_259, %mul3A_263 : i32
      %add3A_265 = arith.addi %reduce_sum3A_47, %mul3A_264 : i32
      %mul3A_266 = arith.constant 16 : i32
      %mul3A_267 = arith.muli %add3A_265, %mul3A_266 : i32
      %multiple_of3A = tpu.assume_multiple %mul3A_267, 8 : i32
      "tpu.region"() ({
        %run_scoped3A = tpu.sem_alloc : memref<!tpu.dma_semaphore, #tpu.memory_space<semaphore_mem>>
        %dma_start3A = tpu.memref_slice %arg14[%mul3A_262] : memref<16384xf32, #tpu.memory_space<vmem>> -> memref<256xf32, #tpu.memory_space<vmem>>
        %dma_start3A_269 = tpu.memref_slice %arg5[%multiple_of3A] : memref<32768xf32, #tpu.memory_space<hbm>> -> memref<256xf32, #tpu.memory_space<hbm>>
        %dma_start3A_270 = tpu.memref_slice %arg5[%multiple_of3A] : memref<32768xf32, #tpu.memory_space<hbm>> -> memref<256xf32, #tpu.memory_space<hbm>>
        %dma_start3A_271 = tpu.memref_slice %arg14[%mul3A_262] : memref<16384xf32, #tpu.memory_space<vmem>> -> memref<256xf32, #tpu.memory_space<vmem>>
        tpu.enqueue_dma source(%dma_start3A_271 : memref<256xf32, #tpu.memory_space<vmem>>) target(%dma_start3A_270 : memref<256xf32, #tpu.memory_space<hbm>>) target_semaphore(%run_scoped3A : memref<!tpu.dma_semaphore, #tpu.memory_space<semaphore_mem>>)
        %dma_wait3A = tpu.memref_slice %arg14[%mul3A_262] : memref<16384xf32, #tpu.memory_space<vmem>> -> memref<256xf32, #tpu.memory_space<vmem>>
        %dma_wait3A_272 = tpu.memref_slice %arg5[%multiple_of3A] : memref<32768xf32, #tpu.memory_space<hbm>> -> memref<256xf32, #tpu.memory_space<hbm>>
        %dma_wait3A_273 = tpu.memref_slice %arg5[%multiple_of3A] : memref<32768xf32, #tpu.memory_space<hbm>> -> memref<256xf32, #tpu.memory_space<hbm>>
        %dma_wait3A_274 = tpu.memref_slice %arg14[%mul3A_262] : memref<16384xf32, #tpu.memory_space<vmem>> -> memref<256xf32, #tpu.memory_space<vmem>>
        tpu.wait_dma2 semaphore(%run_scoped3A : memref<!tpu.dma_semaphore, #tpu.memory_space<semaphore_mem>>) src(%dma_wait3A_274 : memref<256xf32, #tpu.memory_space<vmem>>) dst(%dma_wait3A_273 : memref<256xf32, #tpu.memory_space<hbm>>)
        tpu.yield
      }) : () -> ()
      %while3A_268 = arith.constant 0 : i32
      scf.yield %while3A_268 : i32
    }
    %while3A_158 = arith.constant 0 : i32
    %while3A_159 = arith.constant 0 : i32
    %while3A_160 = arith.subi %sub3A_145, %while3A_158 : i32
    %while3A_161 = arith.addi %while3A_158, %while3A_160 : i32
    %while3A_162 = arith.constant 1 : i32
    %while3A_163 = arith.divsi %while3A_160, %while3A_162 : i32
    %while3A_164 = arith.muli %while3A_163, %while3A_162 : i32
    %while3A_165 = arith.addi %while3A_158, %while3A_164 : i32
    %while3A_166 = arith.constant 1 : i32
    %while3A_167 = scf.for %while3A_259 = %while3A_158 to %while3A_165 step %while3A_166 iter_args(%while3A_260 = %while3A_159) -> (i32)  : i32 {
      %mul3A_261 = arith.constant 16 : i32
      %mul3A_262 = arith.muli %select_n3A_142, %mul3A_261 : i32
      %add3A_263 = arith.addi %mul3A_262, %while3A_259 : i32
      %mul3A_264 = arith.constant 16 : i32
      %mul3A_265 = arith.muli %add3A_263, %mul3A_264 : i32
      %mul3A_266 = arith.constant 16 : i32
      %mul3A_267 = arith.muli %select_n3A_142, %mul3A_266 : i32
      %add3A_268 = arith.addi %reduce_sum3A_47, %mul3A_267 : i32
      %add3A_269 = arith.addi %add3A_268, %while3A_259 : i32
      %mul3A_270 = arith.constant 16 : i32
      %mul3A_271 = arith.muli %add3A_269, %mul3A_270 : i32
      %multiple_of3A = tpu.assume_multiple %mul3A_271, 8 : i32
      "tpu.region"() ({
        %run_scoped3A = tpu.sem_alloc : memref<!tpu.dma_semaphore, #tpu.memory_space<semaphore_mem>>
        %dma_start3A = tpu.memref_slice %arg14[%mul3A_265] : memref<16384xf32, #tpu.memory_space<vmem>> -> memref<16xf32, #tpu.memory_space<vmem>>
        %dma_start3A_273 = tpu.memref_slice %arg5[%multiple_of3A] : memref<32768xf32, #tpu.memory_space<hbm>> -> memref<16xf32, #tpu.memory_space<hbm>>
        %dma_start3A_274 = tpu.memref_slice %arg5[%multiple_of3A] : memref<32768xf32, #tpu.memory_space<hbm>> -> memref<16xf32, #tpu.memory_space<hbm>>
        %dma_start3A_275 = tpu.memref_slice %arg14[%mul3A_265] : memref<16384xf32, #tpu.memory_space<vmem>> -> memref<16xf32, #tpu.memory_space<vmem>>
        tpu.enqueue_dma source(%dma_start3A_275 : memref<16xf32, #tpu.memory_space<vmem>>) target(%dma_start3A_274 : memref<16xf32, #tpu.memory_space<hbm>>) target_semaphore(%run_scoped3A : memref<!tpu.dma_semaphore, #tpu.memory_space<semaphore_mem>>)
        %dma_wait3A = tpu.memref_slice %arg14[%mul3A_265] : memref<16384xf32, #tpu.memory_space<vmem>> -> memref<16xf32, #tpu.memory_space<vmem>>
        %dma_wait3A_276 = tpu.memref_slice %arg5[%multiple_of3A] : memref<32768xf32, #tpu.memory_space<hbm>> -> memref<16xf32, #tpu.memory_space<hbm>>
        %dma_wait3A_277 = tpu.memref_slice %arg5[%multiple_of3A] : memref<32768xf32, #tpu.memory_space<hbm>> -> memref<16xf32, #tpu.memory_space<hbm>>
        %dma_wait3A_278 = tpu.memref_slice %arg14[%mul3A_265] : memref<16384xf32, #tpu.memory_space<vmem>> -> memref<16xf32, #tpu.memory_space<vmem>>
        tpu.wait_dma2 semaphore(%run_scoped3A : memref<!tpu.dma_semaphore, #tpu.memory_space<semaphore_mem>>) src(%dma_wait3A_278 : memref<16xf32, #tpu.memory_space<vmem>>) dst(%dma_wait3A_277 : memref<16xf32, #tpu.memory_space<hbm>>)
        tpu.yield
      }) : () -> ()
      %while3A_272 = arith.constant 0 : i32
      scf.yield %while3A_272 : i32
    }
    %while3A_168 = arith.constant 1 : i32
    %while3A_169 = scf.for %while3A_259 = %while3A_165 to %while3A_161 step %while3A_168 iter_args(%while3A_260 = %while3A_167) -> (i32)  : i32 {
      %mul3A_261 = arith.constant 16 : i32
      %mul3A_262 = arith.muli %select_n3A_142, %mul3A_261 : i32
      %add3A_263 = arith.addi %mul3A_262, %while3A_259 : i32
      %mul3A_264 = arith.constant 16 : i32
      %mul3A_265 = arith.muli %add3A_263, %mul3A_264 : i32
      %mul3A_266 = arith.constant 16 : i32
      %mul3A_267 = arith.muli %select_n3A_142, %mul3A_266 : i32
      %add3A_268 = arith.addi %reduce_sum3A_47, %mul3A_267 : i32
      %add3A_269 = arith.addi %add3A_268, %while3A_259 : i32
      %mul3A_270 = arith.constant 16 : i32
      %mul3A_271 = arith.muli %add3A_269, %mul3A_270 : i32
      %multiple_of3A = tpu.assume_multiple %mul3A_271, 8 : i32
      "tpu.region"() ({
        %run_scoped3A = tpu.sem_alloc : memref<!tpu.dma_semaphore, #tpu.memory_space<semaphore_mem>>
        %dma_start3A = tpu.memref_slice %arg14[%mul3A_265] : memref<16384xf32, #tpu.memory_space<vmem>> -> memref<16xf32, #tpu.memory_space<vmem>>
        %dma_start3A_273 = tpu.memref_slice %arg5[%multiple_of3A] : memref<32768xf32, #tpu.memory_space<hbm>> -> memref<16xf32, #tpu.memory_space<hbm>>
        %dma_start3A_274 = tpu.memref_slice %arg5[%multiple_of3A] : memref<32768xf32, #tpu.memory_space<hbm>> -> memref<16xf32, #tpu.memory_space<hbm>>
        %dma_start3A_275 = tpu.memref_slice %arg14[%mul3A_265] : memref<16384xf32, #tpu.memory_space<vmem>> -> memref<16xf32, #tpu.memory_space<vmem>>
        tpu.enqueue_dma source(%dma_start3A_275 : memref<16xf32, #tpu.memory_space<vmem>>) target(%dma_start3A_274 : memref<16xf32, #tpu.memory_space<hbm>>) target_semaphore(%run_scoped3A : memref<!tpu.dma_semaphore, #tpu.memory_space<semaphore_mem>>)
        %dma_wait3A = tpu.memref_slice %arg14[%mul3A_265] : memref<16384xf32, #tpu.memory_space<vmem>> -> memref<16xf32, #tpu.memory_space<vmem>>
        %dma_wait3A_276 = tpu.memref_slice %arg5[%multiple_of3A] : memref<32768xf32, #tpu.memory_space<hbm>> -> memref<16xf32, #tpu.memory_space<hbm>>
        %dma_wait3A_277 = tpu.memref_slice %arg5[%multiple_of3A] : memref<32768xf32, #tpu.memory_space<hbm>> -> memref<16xf32, #tpu.memory_space<hbm>>
        %dma_wait3A_278 = tpu.memref_slice %arg14[%mul3A_265] : memref<16384xf32, #tpu.memory_space<vmem>> -> memref<16xf32, #tpu.memory_space<vmem>>
        tpu.wait_dma2 semaphore(%run_scoped3A : memref<!tpu.dma_semaphore, #tpu.memory_space<semaphore_mem>>) src(%dma_wait3A_278 : memref<16xf32, #tpu.memory_space<vmem>>) dst(%dma_wait3A_277 : memref<16xf32, #tpu.memory_space<hbm>>)
        tpu.yield
      }) : () -> ()
      %while3A_272 = arith.constant 0 : i32
      scf.yield %while3A_272 : i32
    }
    %add3A_170 = arith.constant 15 : i32
    %add3A_171 = arith.addi %min3A, %add3A_170 : i32
    %jit3A_172 = arith.constant 16 : i32
    %div3A_173 = arith.divsi %add3A_171, %jit3A_172 : i32
    %sign3A_174 = arith.constant 0 : i32
    %sign3A_175 = arith.cmpi sgt, %add3A_171, %sign3A_174 : i32
    %sign3A_176 = arith.extui %sign3A_175 : i1 to i32
    %sign3A_177 = arith.constant 0 : i32
    %sign3A_178 = arith.cmpi slt, %add3A_171, %sign3A_177 : i32
    %sign3A_179 = arith.extui %sign3A_178 : i1 to i32
    %sign3A_180 = arith.subi %sign3A_176, %sign3A_179 : i32
    %sign3A_181 = arith.constant 0 : i32
    %sign3A_182 = arith.cmpi sgt, %jit3A_172, %sign3A_181 : i32
    %sign3A_183 = arith.extui %sign3A_182 : i1 to i32
    %sign3A_184 = arith.constant 0 : i32
    %sign3A_185 = arith.cmpi slt, %jit3A_172, %sign3A_184 : i32
    %sign3A_186 = arith.extui %sign3A_185 : i1 to i32
    %sign3A_187 = arith.subi %sign3A_183, %sign3A_186 : i32
    %ne3A_188 = arith.cmpi ne, %sign3A_180, %sign3A_187 : i32
    %rem3A_189 = arith.remsi %add3A_171, %jit3A_172 : i32
    %ne3A_190 = arith.constant 0 : i32
    %ne3A_191 = arith.cmpi ne, %rem3A_189, %ne3A_190 : i32
    %and3A_192 = arith.andi %ne3A_188, %ne3A_191 : i1
    %sub3A_193 = arith.constant 1 : i32
    %sub3A_194 = arith.subi %div3A_173, %sub3A_193 : i32
    %select_n3A_195 = arith.select %and3A_192, %sub3A_194, %div3A_173 : i32
    %while3A_196 = arith.constant 0 : i32
    %while3A_197 = arith.constant 0 : i32
    %while3A_198 = arith.subi %select_n3A_195, %while3A_196 : i32
    %while3A_199 = arith.addi %while3A_196, %while3A_198 : i32
    %while3A_200 = arith.constant 1 : i32
    %while3A_201 = arith.divsi %while3A_198, %while3A_200 : i32
    %while3A_202 = arith.muli %while3A_201, %while3A_200 : i32
    %while3A_203 = arith.addi %while3A_196, %while3A_202 : i32
    %while3A_204 = arith.constant 1 : i32
    %while3A_205 = scf.for %while3A_259 = %while3A_196 to %while3A_203 step %while3A_204 iter_args(%while3A_260 = %while3A_197) -> (i32)  : i32 {
      %mul3A_261 = arith.constant 16 : i32
      %mul3A_262 = arith.muli %while3A_259, %mul3A_261 : i32
      %get3A_263 = arith.index_cast %mul3A_262 : i32 to index
      %get3A_264 = tpu.vector_load %arg12[%get3A_263] {strides = array<i32>} : memref<1024xi32, #tpu.memory_space<vmem>>, vector<16xi32>,
      %mul3A_265 = arith.constant 16 : i32
      %mul3A_266 = arith.muli %while3A_259, %mul3A_265 : i32
      %get3A_267 = arith.index_cast %mul3A_266 : i32 to index
      %get3A_268 = tpu.vector_load %arg13[%get3A_267] {strides = array<i32>} : memref<1024xf32, #tpu.memory_space<vmem>>, vector<16xf32>,
      %jit3A_269 = arith.constant 80 : i32
      %div3A_270 = vector.broadcast %jit3A_269 : i32 to vector<16xi32>
      %div3A_271 = arith.divsi %get3A_264, %div3A_270 : vector<16xi32>
      %sign3A_272 = arith.constant 0 : i32
      %sign3A_273 = vector.broadcast %sign3A_272 : i32 to vector<16xi32>
      %sign3A_274 = arith.cmpi sgt, %get3A_264, %sign3A_273 : vector<16xi32>
      %sign3A_275 = arith.extui %sign3A_274 : vector<16xi1> to vector<16xi32>
      %sign3A_276 = arith.constant 0 : i32
      %sign3A_277 = vector.broadcast %sign3A_276 : i32 to vector<16xi32>
      %sign3A_278 = arith.cmpi slt, %get3A_264, %sign3A_277 : vector<16xi32>
      %sign3A_279 = arith.extui %sign3A_278 : vector<16xi1> to vector<16xi32>
      %sign3A_280 = arith.subi %sign3A_275, %sign3A_279 : vector<16xi32>
      %sign3A_281 = arith.constant 0 : i32
      %sign3A_282 = arith.cmpi sgt, %jit3A_269, %sign3A_281 : i32
      %sign3A_283 = arith.extui %sign3A_282 : i1 to i32
      %sign3A_284 = arith.constant 0 : i32
      %sign3A_285 = arith.cmpi slt, %jit3A_269, %sign3A_284 : i32
      %sign3A_286 = arith.extui %sign3A_285 : i1 to i32
      %sign3A_287 = arith.subi %sign3A_283, %sign3A_286 : i32
      %ne3A_288 = vector.broadcast %sign3A_287 : i32 to vector<16xi32>
      %ne3A_289 = arith.cmpi ne, %sign3A_280, %ne3A_288 : vector<16xi32>
      %rem3A_290 = vector.broadcast %jit3A_269 : i32 to vector<16xi32>
      %rem3A_291 = arith.remsi %get3A_264, %rem3A_290 : vector<16xi32>
      %ne3A_292 = arith.constant 0 : i32
      %ne3A_293 = vector.broadcast %ne3A_292 : i32 to vector<16xi32>
      %ne3A_294 = arith.cmpi ne, %rem3A_291, %ne3A_293 : vector<16xi32>
      %and3A_295 = arith.andi %ne3A_289, %ne3A_294 : vector<16xi1>
      %sub3A_296 = arith.constant 1 : i32
      %sub3A_297 = vector.broadcast %sub3A_296 : i32 to vector<16xi32>
      %sub3A_298 = arith.subi %div3A_271, %sub3A_297 : vector<16xi32>
      %select_n3A_299 = arith.select %and3A_295, %sub3A_298, %div3A_271 : vector<16xi1>, vector<16xi32>
      %mul3A_300 = arith.constant 80 : i32
      %mul3A_301 = vector.broadcast %mul3A_300 : i32 to vector<16xi32>
      %mul3A_302 = arith.muli %select_n3A_299, %mul3A_301 : vector<16xi32>
      %sub3A_303 = arith.subi %get3A_264, %mul3A_302 : vector<16xi32>
      %jit3A_304 = arith.constant 0 : i32
      %jit3A_305 = arith.constant 4999 : i32
      %max3A_306 = vector.broadcast %jit3A_304 : i32 to vector<16xi32>
      %max3A_307 = arith.maxsi %max3A_306, %select_n3A_299 : vector<16xi32>
      %min3A_308 = vector.broadcast %jit3A_305 : i32 to vector<16xi32>
      %min3A_309 = arith.minsi %min3A_308, %max3A_307 : vector<16xi32>
      %mul3A_310 = arith.constant 4 : i32
      %mul3A_311 = vector.broadcast %mul3A_310 : i32 to vector<16xi32>
      %mul3A_312 = arith.muli %min3A_309, %mul3A_311 : vector<16xi32>
      %gather3A_313 = tpu.vector_load_idx %arg8[%mul3A_312] : memref<20000xf32, #tpu.memory_space<vmem>>[vector<16xi32>], vector<16xf32>,
      %mul3A_314 = arith.constant 4 : i32
      %mul3A_315 = vector.broadcast %mul3A_314 : i32 to vector<16xi32>
      %mul3A_316 = arith.muli %min3A_309, %mul3A_315 : vector<16xi32>
      %add3A_317 = arith.constant 1 : i32
      %add3A_318 = vector.broadcast %add3A_317 : i32 to vector<16xi32>
      %add3A_319 = arith.addi %mul3A_316, %add3A_318 : vector<16xi32>
      %gather3A_320 = tpu.vector_load_idx %arg8[%add3A_319] : memref<20000xf32, #tpu.memory_space<vmem>>[vector<16xi32>], vector<16xf32>,
      %mul3A_321 = arith.constant 4 : i32
      %mul3A_322 = vector.broadcast %mul3A_321 : i32 to vector<16xi32>
      %mul3A_323 = arith.muli %min3A_309, %mul3A_322 : vector<16xi32>
      %add3A_324 = arith.constant 2 : i32
      %add3A_325 = vector.broadcast %add3A_324 : i32 to vector<16xi32>
      %add3A_326 = arith.addi %mul3A_323, %add3A_325 : vector<16xi32>
      %gather3A_327 = tpu.vector_load_idx %arg8[%add3A_326] : memref<20000xf32, #tpu.memory_space<vmem>>[vector<16xi32>], vector<16xf32>,
      %mul3A_328 = arith.constant 4 : i32
      %mul3A_329 = vector.broadcast %mul3A_328 : i32 to vector<16xi32>
      %mul3A_330 = arith.muli %min3A_309, %mul3A_329 : vector<16xi32>
      %add3A_331 = arith.constant 3 : i32
      %add3A_332 = vector.broadcast %add3A_331 : i32 to vector<16xi32>
      %add3A_333 = arith.addi %mul3A_330, %add3A_332 : vector<16xi32>
      %gather3A_334 = tpu.vector_load_idx %arg8[%add3A_333] : memref<20000xf32, #tpu.memory_space<vmem>>[vector<16xi32>], vector<16xf32>,
      %mul3A_335 = arith.constant 16 : i32
      %mul3A_336 = arith.muli %while3A_259, %mul3A_335 : i32
      %add3A_337 = vector.broadcast %mul3A_336 : i32 to vector<16xi32>
      %add3A_338 = arith.addi %add3A_337, %iota3A : vector<16xi32>
      %mul3A_339 = arith.constant 16 : i32
      %mul3A_340 = vector.broadcast %mul3A_339 : i32 to vector<16xi32>
      %mul3A_341 = arith.muli %add3A_338, %mul3A_340 : vector<16xi32>
      %add3A_342 = arith.constant 0 : i32
      %add3A_343 = vector.broadcast %add3A_342 : i32 to vector<16xi32>
      %add3A_344 = arith.addi %mul3A_341, %add3A_343 : vector<16xi32>
      tpu.vector_store_idx %arg15[%add3A_344], %get3A_268 : memref<16384xf32, #tpu.memory_space<vmem>>[vector<16xi32>], vector<16xf32>,
      %add3A_345 = arith.constant 1 : i32
      %add3A_346 = vector.broadcast %add3A_345 : i32 to vector<16xi32>
      %add3A_347 = arith.addi %mul3A_341, %add3A_346 : vector<16xi32>
      tpu.vector_store_idx %arg15[%add3A_347], %gather3A_313 : memref<16384xf32, #tpu.memory_space<vmem>>[vector<16xi32>], vector<16xf32>,
      %add3A_348 = arith.constant 2 : i32
      %add3A_349 = vector.broadcast %add3A_348 : i32 to vector<16xi32>
      %add3A_350 = arith.addi %mul3A_341, %add3A_349 : vector<16xi32>
      tpu.vector_store_idx %arg15[%add3A_350], %gather3A_320 : memref<16384xf32, #tpu.memory_space<vmem>>[vector<16xi32>], vector<16xf32>,
      %add3A_351 = arith.constant 3 : i32
      %add3A_352 = vector.broadcast %add3A_351 : i32 to vector<16xi32>
      %add3A_353 = arith.addi %mul3A_341, %add3A_352 : vector<16xi32>
      tpu.vector_store_idx %arg15[%add3A_353], %gather3A_327 : memref<16384xf32, #tpu.memory_space<vmem>>[vector<16xi32>], vector<16xf32>,
      %add3A_354 = arith.constant 4 : i32
      %add3A_355 = vector.broadcast %add3A_354 : i32 to vector<16xi32>
      %add3A_356 = arith.addi %mul3A_341, %add3A_355 : vector<16xi32>
      tpu.vector_store_idx %arg15[%add3A_356], %gather3A_334 : memref<16384xf32, #tpu.memory_space<vmem>>[vector<16xi32>], vector<16xf32>,
      %add3A_357 = arith.constant 5 : i32
      %add3A_358 = vector.broadcast %add3A_357 : i32 to vector<16xi32>
      %add3A_359 = arith.addi %mul3A_341, %add3A_358 : vector<16xi32>
      %convert_element_type3A = arith.sitofp %sub3A_303 : vector<16xi32> to vector<16xf32>
      tpu.vector_store_idx %arg15[%add3A_359], %convert_element_type3A : memref<16384xf32, #tpu.memory_space<vmem>>[vector<16xi32>], vector<16xf32>,
      %add3A_360 = arith.constant 6 : i32
      %add3A_361 = vector.broadcast %add3A_360 : i32 to vector<16xi32>
      %add3A_362 = arith.addi %mul3A_341, %add3A_361 : vector<16xi32>
      %convert_element_type3A_363 = arith.sitofp %get3A_264 : vector<16xi32> to vector<16xf32>
      tpu.vector_store_idx %arg15[%add3A_362], %convert_element_type3A_363 : memref<16384xf32, #tpu.memory_space<vmem>>[vector<16xi32>], vector<16xf32>,
      %while3A_364 = arith.constant 0 : i32
      scf.yield %while3A_364 : i32
    }
    %while3A_206 = arith.constant 1 : i32
    %while3A_207 = scf.for %while3A_259 = %while3A_203 to %while3A_199 step %while3A_206 iter_args(%while3A_260 = %while3A_205) -> (i32)  : i32 {
      %mul3A_261 = arith.constant 16 : i32
      %mul3A_262 = arith.muli %while3A_259, %mul3A_261 : i32
      %get3A_263 = arith.index_cast %mul3A_262 : i32 to index
      %get3A_264 = tpu.vector_load %arg12[%get3A_263] {strides = array<i32>} : memref<1024xi32, #tpu.memory_space<vmem>>, vector<16xi32>,
      %mul3A_265 = arith.constant 16 : i32
      %mul3A_266 = arith.muli %while3A_259, %mul3A_265 : i32
      %get3A_267 = arith.index_cast %mul3A_266 : i32 to index
      %get3A_268 = tpu.vector_load %arg13[%get3A_267] {strides = array<i32>} : memref<1024xf32, #tpu.memory_space<vmem>>, vector<16xf32>,
      %jit3A_269 = arith.constant 80 : i32
      %div3A_270 = vector.broadcast %jit3A_269 : i32 to vector<16xi32>
      %div3A_271 = arith.divsi %get3A_264, %div3A_270 : vector<16xi32>
      %sign3A_272 = arith.constant 0 : i32
      %sign3A_273 = vector.broadcast %sign3A_272 : i32 to vector<16xi32>
      %sign3A_274 = arith.cmpi sgt, %get3A_264, %sign3A_273 : vector<16xi32>
      %sign3A_275 = arith.extui %sign3A_274 : vector<16xi1> to vector<16xi32>
      %sign3A_276 = arith.constant 0 : i32
      %sign3A_277 = vector.broadcast %sign3A_276 : i32 to vector<16xi32>
      %sign3A_278 = arith.cmpi slt, %get3A_264, %sign3A_277 : vector<16xi32>
      %sign3A_279 = arith.extui %sign3A_278 : vector<16xi1> to vector<16xi32>
      %sign3A_280 = arith.subi %sign3A_275, %sign3A_279 : vector<16xi32>
      %sign3A_281 = arith.constant 0 : i32
      %sign3A_282 = arith.cmpi sgt, %jit3A_269, %sign3A_281 : i32
      %sign3A_283 = arith.extui %sign3A_282 : i1 to i32
      %sign3A_284 = arith.constant 0 : i32
      %sign3A_285 = arith.cmpi slt, %jit3A_269, %sign3A_284 : i32
      %sign3A_286 = arith.extui %sign3A_285 : i1 to i32
      %sign3A_287 = arith.subi %sign3A_283, %sign3A_286 : i32
      %ne3A_288 = vector.broadcast %sign3A_287 : i32 to vector<16xi32>
      %ne3A_289 = arith.cmpi ne, %sign3A_280, %ne3A_288 : vector<16xi32>
      %rem3A_290 = vector.broadcast %jit3A_269 : i32 to vector<16xi32>
      %rem3A_291 = arith.remsi %get3A_264, %rem3A_290 : vector<16xi32>
      %ne3A_292 = arith.constant 0 : i32
      %ne3A_293 = vector.broadcast %ne3A_292 : i32 to vector<16xi32>
      %ne3A_294 = arith.cmpi ne, %rem3A_291, %ne3A_293 : vector<16xi32>
      %and3A_295 = arith.andi %ne3A_289, %ne3A_294 : vector<16xi1>
      %sub3A_296 = arith.constant 1 : i32
      %sub3A_297 = vector.broadcast %sub3A_296 : i32 to vector<16xi32>
      %sub3A_298 = arith.subi %div3A_271, %sub3A_297 : vector<16xi32>
      %select_n3A_299 = arith.select %and3A_295, %sub3A_298, %div3A_271 : vector<16xi1>, vector<16xi32>
      %mul3A_300 = arith.constant 80 : i32
      %mul3A_301 = vector.broadcast %mul3A_300 : i32 to vector<16xi32>
      %mul3A_302 = arith.muli %select_n3A_299, %mul3A_301 : vector<16xi32>
      %sub3A_303 = arith.subi %get3A_264, %mul3A_302 : vector<16xi32>
      %jit3A_304 = arith.constant 0 : i32
      %jit3A_305 = arith.constant 4999 : i32
      %max3A_306 = vector.broadcast %jit3A_304 : i32 to vector<16xi32>
      %max3A_307 = arith.maxsi %max3A_306, %select_n3A_299 : vector<16xi32>
      %min3A_308 = vector.broadcast %jit3A_305 : i32 to vector<16xi32>
      %min3A_309 = arith.minsi %min3A_308, %max3A_307 : vector<16xi32>
      %mul3A_310 = arith.constant 4 : i32
      %mul3A_311 = vector.broadcast %mul3A_310 : i32 to vector<16xi32>
      %mul3A_312 = arith.muli %min3A_309, %mul3A_311 : vector<16xi32>
      %gather3A_313 = tpu.vector_load_idx %arg8[%mul3A_312] : memref<20000xf32, #tpu.memory_space<vmem>>[vector<16xi32>], vector<16xf32>,
      %mul3A_314 = arith.constant 4 : i32
      %mul3A_315 = vector.broadcast %mul3A_314 : i32 to vector<16xi32>
      %mul3A_316 = arith.muli %min3A_309, %mul3A_315 : vector<16xi32>
      %add3A_317 = arith.constant 1 : i32
      %add3A_318 = vector.broadcast %add3A_317 : i32 to vector<16xi32>
      %add3A_319 = arith.addi %mul3A_316, %add3A_318 : vector<16xi32>
      %gather3A_320 = tpu.vector_load_idx %arg8[%add3A_319] : memref<20000xf32, #tpu.memory_space<vmem>>[vector<16xi32>], vector<16xf32>,
      %mul3A_321 = arith.constant 4 : i32
      %mul3A_322 = vector.broadcast %mul3A_321 : i32 to vector<16xi32>
      %mul3A_323 = arith.muli %min3A_309, %mul3A_322 : vector<16xi32>
      %add3A_324 = arith.constant 2 : i32
      %add3A_325 = vector.broadcast %add3A_324 : i32 to vector<16xi32>
      %add3A_326 = arith.addi %mul3A_323, %add3A_325 : vector<16xi32>
      %gather3A_327 = tpu.vector_load_idx %arg8[%add3A_326] : memref<20000xf32, #tpu.memory_space<vmem>>[vector<16xi32>], vector<16xf32>,
      %mul3A_328 = arith.constant 4 : i32
      %mul3A_329 = vector.broadcast %mul3A_328 : i32 to vector<16xi32>
      %mul3A_330 = arith.muli %min3A_309, %mul3A_329 : vector<16xi32>
      %add3A_331 = arith.constant 3 : i32
      %add3A_332 = vector.broadcast %add3A_331 : i32 to vector<16xi32>
      %add3A_333 = arith.addi %mul3A_330, %add3A_332 : vector<16xi32>
      %gather3A_334 = tpu.vector_load_idx %arg8[%add3A_333] : memref<20000xf32, #tpu.memory_space<vmem>>[vector<16xi32>], vector<16xf32>,
      %mul3A_335 = arith.constant 16 : i32
      %mul3A_336 = arith.muli %while3A_259, %mul3A_335 : i32
      %add3A_337 = vector.broadcast %mul3A_336 : i32 to vector<16xi32>
      %add3A_338 = arith.addi %add3A_337, %iota3A : vector<16xi32>
      %mul3A_339 = arith.constant 16 : i32
      %mul3A_340 = vector.broadcast %mul3A_339 : i32 to vector<16xi32>
      %mul3A_341 = arith.muli %add3A_338, %mul3A_340 : vector<16xi32>
      %add3A_342 = arith.constant 0 : i32
      %add3A_343 = vector.broadcast %add3A_342 : i32 to vector<16xi32>
      %add3A_344 = arith.addi %mul3A_341, %add3A_343 : vector<16xi32>
      tpu.vector_store_idx %arg15[%add3A_344], %get3A_268 : memref<16384xf32, #tpu.memory_space<vmem>>[vector<16xi32>], vector<16xf32>,
      %add3A_345 = arith.constant 1 : i32
      %add3A_346 = vector.broadcast %add3A_345 : i32 to vector<16xi32>
      %add3A_347 = arith.addi %mul3A_341, %add3A_346 : vector<16xi32>
      tpu.vector_store_idx %arg15[%add3A_347], %gather3A_313 : memref<16384xf32, #tpu.memory_space<vmem>>[vector<16xi32>], vector<16xf32>,
      %add3A_348 = arith.constant 2 : i32
      %add3A_349 = vector.broadcast %add3A_348 : i32 to vector<16xi32>
      %add3A_350 = arith.addi %mul3A_341, %add3A_349 : vector<16xi32>
      tpu.vector_store_idx %arg15[%add3A_350], %gather3A_320 : memref<16384xf32, #tpu.memory_space<vmem>>[vector<16xi32>], vector<16xf32>,
      %add3A_351 = arith.constant 3 : i32
      %add3A_352 = vector.broadcast %add3A_351 : i32 to vector<16xi32>
      %add3A_353 = arith.addi %mul3A_341, %add3A_352 : vector<16xi32>
      tpu.vector_store_idx %arg15[%add3A_353], %gather3A_327 : memref<16384xf32, #tpu.memory_space<vmem>>[vector<16xi32>], vector<16xf32>,
      %add3A_354 = arith.constant 4 : i32
      %add3A_355 = vector.broadcast %add3A_354 : i32 to vector<16xi32>
      %add3A_356 = arith.addi %mul3A_341, %add3A_355 : vector<16xi32>
      tpu.vector_store_idx %arg15[%add3A_356], %gather3A_334 : memref<16384xf32, #tpu.memory_space<vmem>>[vector<16xi32>], vector<16xf32>,
      %add3A_357 = arith.constant 5 : i32
      %add3A_358 = vector.broadcast %add3A_357 : i32 to vector<16xi32>
      %add3A_359 = arith.addi %mul3A_341, %add3A_358 : vector<16xi32>
      %convert_element_type3A = arith.sitofp %sub3A_303 : vector<16xi32> to vector<16xf32>
      tpu.vector_store_idx %arg15[%add3A_359], %convert_element_type3A : memref<16384xf32, #tpu.memory_space<vmem>>[vector<16xi32>], vector<16xf32>,
      %add3A_360 = arith.constant 6 : i32
      %add3A_361 = vector.broadcast %add3A_360 : i32 to vector<16xi32>
      %add3A_362 = arith.addi %mul3A_341, %add3A_361 : vector<16xi32>
      %convert_element_type3A_363 = arith.sitofp %get3A_264 : vector<16xi32> to vector<16xf32>
      tpu.vector_store_idx %arg15[%add3A_362], %convert_element_type3A_363 : memref<16384xf32, #tpu.memory_space<vmem>>[vector<16xi32>], vector<16xf32>,
      %while3A_364 = arith.constant 0 : i32
      scf.yield %while3A_364 : i32
    }
    %jit3A_208 = arith.constant 16 : i32
    %div3A_209 = arith.divsi %min3A, %jit3A_208 : i32
    %sign3A_210 = arith.constant 0 : i32
    %sign3A_211 = arith.cmpi sgt, %min3A, %sign3A_210 : i32
    %sign3A_212 = arith.extui %sign3A_211 : i1 to i32
    %sign3A_213 = arith.constant 0 : i32
    %sign3A_214 = arith.cmpi slt, %min3A, %sign3A_213 : i32
    %sign3A_215 = arith.extui %sign3A_214 : i1 to i32
    %sign3A_216 = arith.subi %sign3A_212, %sign3A_215 : i32
    %sign3A_217 = arith.constant 0 : i32
    %sign3A_218 = arith.cmpi sgt, %jit3A_208, %sign3A_217 : i32
    %sign3A_219 = arith.extui %sign3A_218 : i1 to i32
    %sign3A_220 = arith.constant 0 : i32
    %sign3A_221 = arith.cmpi slt, %jit3A_208, %sign3A_220 : i32
    %sign3A_222 = arith.extui %sign3A_221 : i1 to i32
    %sign3A_223 = arith.subi %sign3A_219, %sign3A_222 : i32
    %ne3A_224 = arith.cmpi ne, %sign3A_216, %sign3A_223 : i32
    %rem3A_225 = arith.remsi %min3A, %jit3A_208 : i32
    %ne3A_226 = arith.constant 0 : i32
    %ne3A_227 = arith.cmpi ne, %rem3A_225, %ne3A_226 : i32
    %and3A_228 = arith.andi %ne3A_224, %ne3A_227 : i1
    %sub3A_229 = arith.constant 1 : i32
    %sub3A_230 = arith.subi %div3A_209, %sub3A_229 : i32
    %select_n3A_231 = arith.select %and3A_228, %sub3A_230, %div3A_209 : i32
    %mul3A_232 = arith.constant 16 : i32
    %mul3A_233 = arith.muli %select_n3A_231, %mul3A_232 : i32
    %sub3A_234 = arith.subi %min3A, %mul3A_233 : i32
    %while3A_235 = arith.constant 0 : i32
    %while3A_236 = arith.constant 0 : i32
    %while3A_237 = arith.subi %select_n3A_231, %while3A_235 : i32
    %while3A_238 = arith.addi %while3A_235, %while3A_237 : i32
    %while3A_239 = arith.constant 1 : i32
    %while3A_240 = arith.divsi %while3A_237, %while3A_239 : i32
    %while3A_241 = arith.muli %while3A_240, %while3A_239 : i32
    %while3A_242 = arith.addi %while3A_235, %while3A_241 : i32
    %while3A_243 = arith.constant 1 : i32
    %while3A_244 = scf.for %while3A_259 = %while3A_235 to %while3A_242 step %while3A_243 iter_args(%while3A_260 = %while3A_236) -> (i32)  : i32 {
      %mul3A_261 = arith.constant 256 : i32
      %mul3A_262 = arith.muli %while3A_259, %mul3A_261 : i32
      %mul3A_263 = arith.constant 16 : i32
      %mul3A_264 = arith.muli %while3A_259, %mul3A_263 : i32
      %add3A_265 = arith.addi %min3A_79, %mul3A_264 : i32
      %mul3A_266 = arith.constant 16 : i32
      %mul3A_267 = arith.muli %add3A_265, %mul3A_266 : i32
      %multiple_of3A = tpu.assume_multiple %mul3A_267, 8 : i32
      "tpu.region"() ({
        %run_scoped3A = tpu.sem_alloc : memref<!tpu.dma_semaphore, #tpu.memory_space<semaphore_mem>>
        %dma_start3A = tpu.memref_slice %arg15[%mul3A_262] : memref<16384xf32, #tpu.memory_space<vmem>> -> memref<256xf32, #tpu.memory_space<vmem>>
        %dma_start3A_269 = tpu.memref_slice %arg6[%multiple_of3A] : memref<32768xf32, #tpu.memory_space<hbm>> -> memref<256xf32, #tpu.memory_space<hbm>>
        %dma_start3A_270 = tpu.memref_slice %arg6[%multiple_of3A] : memref<32768xf32, #tpu.memory_space<hbm>> -> memref<256xf32, #tpu.memory_space<hbm>>
        %dma_start3A_271 = tpu.memref_slice %arg15[%mul3A_262] : memref<16384xf32, #tpu.memory_space<vmem>> -> memref<256xf32, #tpu.memory_space<vmem>>
        tpu.enqueue_dma source(%dma_start3A_271 : memref<256xf32, #tpu.memory_space<vmem>>) target(%dma_start3A_270 : memref<256xf32, #tpu.memory_space<hbm>>) target_semaphore(%run_scoped3A : memref<!tpu.dma_semaphore, #tpu.memory_space<semaphore_mem>>)
        %dma_wait3A = tpu.memref_slice %arg15[%mul3A_262] : memref<16384xf32, #tpu.memory_space<vmem>> -> memref<256xf32, #tpu.memory_space<vmem>>
        %dma_wait3A_272 = tpu.memref_slice %arg6[%multiple_of3A] : memref<32768xf32, #tpu.memory_space<hbm>> -> memref<256xf32, #tpu.memory_space<hbm>>
        %dma_wait3A_273 = tpu.memref_slice %arg6[%multiple_of3A] : memref<32768xf32, #tpu.memory_space<hbm>> -> memref<256xf32, #tpu.memory_space<hbm>>
        %dma_wait3A_274 = tpu.memref_slice %arg15[%mul3A_262] : memref<16384xf32, #tpu.memory_space<vmem>> -> memref<256xf32, #tpu.memory_space<vmem>>
        tpu.wait_dma2 semaphore(%run_scoped3A : memref<!tpu.dma_semaphore, #tpu.memory_space<semaphore_mem>>) src(%dma_wait3A_274 : memref<256xf32, #tpu.memory_space<vmem>>) dst(%dma_wait3A_273 : memref<256xf32, #tpu.memory_space<hbm>>)
        tpu.yield
      }) : () -> ()
      %while3A_268 = arith.constant 0 : i32
      scf.yield %while3A_268 : i32
    }
    %while3A_245 = arith.constant 1 : i32
    %while3A_246 = scf.for %while3A_259 = %while3A_242 to %while3A_238 step %while3A_245 iter_args(%while3A_260 = %while3A_244) -> (i32)  : i32 {
      %mul3A_261 = arith.constant 256 : i32
      %mul3A_262 = arith.muli %while3A_259, %mul3A_261 : i32
      %mul3A_263 = arith.constant 16 : i32
      %mul3A_264 = arith.muli %while3A_259, %mul3A_263 : i32
      %add3A_265 = arith.addi %min3A_79, %mul3A_264 : i32
      %mul3A_266 = arith.constant 16 : i32
      %mul3A_267 = arith.muli %add3A_265, %mul3A_266 : i32
      %multiple_of3A = tpu.assume_multiple %mul3A_267, 8 : i32
      "tpu.region"() ({
        %run_scoped3A = tpu.sem_alloc : memref<!tpu.dma_semaphore, #tpu.memory_space<semaphore_mem>>
        %dma_start3A = tpu.memref_slice %arg15[%mul3A_262] : memref<16384xf32, #tpu.memory_space<vmem>> -> memref<256xf32, #tpu.memory_space<vmem>>
        %dma_start3A_269 = tpu.memref_slice %arg6[%multiple_of3A] : memref<32768xf32, #tpu.memory_space<hbm>> -> memref<256xf32, #tpu.memory_space<hbm>>
        %dma_start3A_270 = tpu.memref_slice %arg6[%multiple_of3A] : memref<32768xf32, #tpu.memory_space<hbm>> -> memref<256xf32, #tpu.memory_space<hbm>>
        %dma_start3A_271 = tpu.memref_slice %arg15[%mul3A_262] : memref<16384xf32, #tpu.memory_space<vmem>> -> memref<256xf32, #tpu.memory_space<vmem>>
        tpu.enqueue_dma source(%dma_start3A_271 : memref<256xf32, #tpu.memory_space<vmem>>) target(%dma_start3A_270 : memref<256xf32, #tpu.memory_space<hbm>>) target_semaphore(%run_scoped3A : memref<!tpu.dma_semaphore, #tpu.memory_space<semaphore_mem>>)
        %dma_wait3A = tpu.memref_slice %arg15[%mul3A_262] : memref<16384xf32, #tpu.memory_space<vmem>> -> memref<256xf32, #tpu.memory_space<vmem>>
        %dma_wait3A_272 = tpu.memref_slice %arg6[%multiple_of3A] : memref<32768xf32, #tpu.memory_space<hbm>> -> memref<256xf32, #tpu.memory_space<hbm>>
        %dma_wait3A_273 = tpu.memref_slice %arg6[%multiple_of3A] : memref<32768xf32, #tpu.memory_space<hbm>> -> memref<256xf32, #tpu.memory_space<hbm>>
        %dma_wait3A_274 = tpu.memref_slice %arg15[%mul3A_262] : memref<16384xf32, #tpu.memory_space<vmem>> -> memref<256xf32, #tpu.memory_space<vmem>>
        tpu.wait_dma2 semaphore(%run_scoped3A : memref<!tpu.dma_semaphore, #tpu.memory_space<semaphore_mem>>) src(%dma_wait3A_274 : memref<256xf32, #tpu.memory_space<vmem>>) dst(%dma_wait3A_273 : memref<256xf32, #tpu.memory_space<hbm>>)
        tpu.yield
      }) : () -> ()
      %while3A_268 = arith.constant 0 : i32
      scf.yield %while3A_268 : i32
    }
    %while3A_247 = arith.constant 0 : i32
    %while3A_248 = arith.constant 0 : i32
    %while3A_249 = arith.subi %sub3A_234, %while3A_247 : i32
    %while3A_250 = arith.addi %while3A_247, %while3A_249 : i32
    %while3A_251 = arith.constant 1 : i32
    %while3A_252 = arith.divsi %while3A_249, %while3A_251 : i32
    %while3A_253 = arith.muli %while3A_252, %while3A_251 : i32
    %while3A_254 = arith.addi %while3A_247, %while3A_253 : i32
    %while3A_255 = arith.constant 1 : i32
    %while3A_256 = scf.for %while3A_259 = %while3A_247 to %while3A_254 step %while3A_255 iter_args(%while3A_260 = %while3A_248) -> (i32)  : i32 {
      %mul3A_261 = arith.constant 16 : i32
      %mul3A_262 = arith.muli %select_n3A_231, %mul3A_261 : i32
      %add3A_263 = arith.addi %mul3A_262, %while3A_259 : i32
      %mul3A_264 = arith.constant 16 : i32
      %mul3A_265 = arith.muli %add3A_263, %mul3A_264 : i32
      %mul3A_266 = arith.constant 16 : i32
      %mul3A_267 = arith.muli %select_n3A_231, %mul3A_266 : i32
      %add3A_268 = arith.addi %min3A_79, %mul3A_267 : i32
      %add3A_269 = arith.addi %add3A_268, %while3A_259 : i32
      %mul3A_270 = arith.constant 16 : i32
      %mul3A_271 = arith.muli %add3A_269, %mul3A_270 : i32
      %multiple_of3A = tpu.assume_multiple %mul3A_271, 8 : i32
      "tpu.region"() ({
        %run_scoped3A = tpu.sem_alloc : memref<!tpu.dma_semaphore, #tpu.memory_space<semaphore_mem>>
        %dma_start3A = tpu.memref_slice %arg15[%mul3A_265] : memref<16384xf32, #tpu.memory_space<vmem>> -> memref<16xf32, #tpu.memory_space<vmem>>
        %dma_start3A_273 = tpu.memref_slice %arg6[%multiple_of3A] : memref<32768xf32, #tpu.memory_space<hbm>> -> memref<16xf32, #tpu.memory_space<hbm>>
        %dma_start3A_274 = tpu.memref_slice %arg6[%multiple_of3A] : memref<32768xf32, #tpu.memory_space<hbm>> -> memref<16xf32, #tpu.memory_space<hbm>>
        %dma_start3A_275 = tpu.memref_slice %arg15[%mul3A_265] : memref<16384xf32, #tpu.memory_space<vmem>> -> memref<16xf32, #tpu.memory_space<vmem>>
        tpu.enqueue_dma source(%dma_start3A_275 : memref<16xf32, #tpu.memory_space<vmem>>) target(%dma_start3A_274 : memref<16xf32, #tpu.memory_space<hbm>>) target_semaphore(%run_scoped3A : memref<!tpu.dma_semaphore, #tpu.memory_space<semaphore_mem>>)
        %dma_wait3A = tpu.memref_slice %arg15[%mul3A_265] : memref<16384xf32, #tpu.memory_space<vmem>> -> memref<16xf32, #tpu.memory_space<vmem>>
        %dma_wait3A_276 = tpu.memref_slice %arg6[%multiple_of3A] : memref<32768xf32, #tpu.memory_space<hbm>> -> memref<16xf32, #tpu.memory_space<hbm>>
        %dma_wait3A_277 = tpu.memref_slice %arg6[%multiple_of3A] : memref<32768xf32, #tpu.memory_space<hbm>> -> memref<16xf32, #tpu.memory_space<hbm>>
        %dma_wait3A_278 = tpu.memref_slice %arg15[%mul3A_265] : memref<16384xf32, #tpu.memory_space<vmem>> -> memref<16xf32, #tpu.memory_space<vmem>>
        tpu.wait_dma2 semaphore(%run_scoped3A : memref<!tpu.dma_semaphore, #tpu.memory_space<semaphore_mem>>) src(%dma_wait3A_278 : memref<16xf32, #tpu.memory_space<vmem>>) dst(%dma_wait3A_277 : memref<16xf32, #tpu.memory_space<hbm>>)
        tpu.yield
      }) : () -> ()
      %while3A_272 = arith.constant 0 : i32
      scf.yield %while3A_272 : i32
    }
    %while3A_257 = arith.constant 1 : i32
    %while3A_258 = scf.for %while3A_259 = %while3A_254 to %while3A_250 step %while3A_257 iter_args(%while3A_260 = %while3A_256) -> (i32)  : i32 {
      %mul3A_261 = arith.constant 16 : i32
      %mul3A_262 = arith.muli %select_n3A_231, %mul3A_261 : i32
      %add3A_263 = arith.addi %mul3A_262, %while3A_259 : i32
      %mul3A_264 = arith.constant 16 : i32
      %mul3A_265 = arith.muli %add3A_263, %mul3A_264 : i32
      %mul3A_266 = arith.constant 16 : i32
      %mul3A_267 = arith.muli %select_n3A_231, %mul3A_266 : i32
      %add3A_268 = arith.addi %min3A_79, %mul3A_267 : i32
      %add3A_269 = arith.addi %add3A_268, %while3A_259 : i32
      %mul3A_270 = arith.constant 16 : i32
      %mul3A_271 = arith.muli %add3A_269, %mul3A_270 : i32
      %multiple_of3A = tpu.assume_multiple %mul3A_271, 8 : i32
      "tpu.region"() ({
        %run_scoped3A = tpu.sem_alloc : memref<!tpu.dma_semaphore, #tpu.memory_space<semaphore_mem>>
        %dma_start3A = tpu.memref_slice %arg15[%mul3A_265] : memref<16384xf32, #tpu.memory_space<vmem>> -> memref<16xf32, #tpu.memory_space<vmem>>
        %dma_start3A_273 = tpu.memref_slice %arg6[%multiple_of3A] : memref<32768xf32, #tpu.memory_space<hbm>> -> memref<16xf32, #tpu.memory_space<hbm>>
        %dma_start3A_274 = tpu.memref_slice %arg6[%multiple_of3A] : memref<32768xf32, #tpu.memory_space<hbm>> -> memref<16xf32, #tpu.memory_space<hbm>>
        %dma_start3A_275 = tpu.memref_slice %arg15[%mul3A_265] : memref<16384xf32, #tpu.memory_space<vmem>> -> memref<16xf32, #tpu.memory_space<vmem>>
        tpu.enqueue_dma source(%dma_start3A_275 : memref<16xf32, #tpu.memory_space<vmem>>) target(%dma_start3A_274 : memref<16xf32, #tpu.memory_space<hbm>>) target_semaphore(%run_scoped3A : memref<!tpu.dma_semaphore, #tpu.memory_space<semaphore_mem>>)
        %dma_wait3A = tpu.memref_slice %arg15[%mul3A_265] : memref<16384xf32, #tpu.memory_space<vmem>> -> memref<16xf32, #tpu.memory_space<vmem>>
        %dma_wait3A_276 = tpu.memref_slice %arg6[%multiple_of3A] : memref<32768xf32, #tpu.memory_space<hbm>> -> memref<16xf32, #tpu.memory_space<hbm>>
        %dma_wait3A_277 = tpu.memref_slice %arg6[%multiple_of3A] : memref<32768xf32, #tpu.memory_space<hbm>> -> memref<16xf32, #tpu.memory_space<hbm>>
        %dma_wait3A_278 = tpu.memref_slice %arg15[%mul3A_265] : memref<16384xf32, #tpu.memory_space<vmem>> -> memref<16xf32, #tpu.memory_space<vmem>>
        tpu.wait_dma2 semaphore(%run_scoped3A : memref<!tpu.dma_semaphore, #tpu.memory_space<semaphore_mem>>) src(%dma_wait3A_278 : memref<16xf32, #tpu.memory_space<vmem>>) dst(%dma_wait3A_277 : memref<16xf32, #tpu.memory_space<hbm>>)
        tpu.yield
      }) : () -> ()
      %while3A_272 = arith.constant 0 : i32
      scf.yield %while3A_272 : i32
    }
    return
  }
}

module attributes {stable_mosaic.version = 14 : i64} {
  func.func @_s1_body(%arg0: memref<3136x128xf32, #tpu.memory_space<vmem>>, %arg1: memref<8x128xi32, #tpu.memory_space<vmem>>, %arg2: memref<3136x128xi32, #tpu.memory_space<vmem>>) attributes {dimension_semantics = [], scalar_prefetch = 0 : i64, scratch_operands = 1 : i64, tpu.core_type = #tpu.core_type<tc>} {
    %get3A = arith.constant 0 : index
    %get3A_0 = arith.constant 0 : index
    %get3A_1 = vector.load %arg0[%get3A, %get3A_0] : memref<3136x128xf32, #tpu.memory_space<vmem>>, vector<3136x128xf32>
    %gt3A = arith.constant 1.000000e-03 : f32
    %gt3A_2 = vector.broadcast %gt3A : f32 to vector<3136x128xf32>
    %gt3A_3 = arith.cmpf ogt, %get3A_1, %gt3A_2 : vector<3136x128xf32>
    %jit3A = arith.constant -1.000000e+00 : f32
    %broadcast_in_dim3A = vector.broadcast %jit3A : f32 to vector<3136x128xf32>
    %select_n3A = arith.select %gt3A_3, %get3A_1, %broadcast_in_dim3A : vector<3136x128xi1>, vector<3136x128xf32>
    %bitcast_convert_type3A = tpu.bitcast %select_n3A : vector<3136x128xf32> -> vector<3136x128xi32>
    %ge3A = arith.constant 0 : i32
    %ge3A_4 = vector.broadcast %ge3A : i32 to vector<3136x128xi32>
    %ge3A_5 = arith.cmpi sge, %bitcast_convert_type3A, %ge3A_4 : vector<3136x128xi32>
    %sub3A = arith.constant -2147483648 : i32
    %sub3A_6 = vector.broadcast %sub3A : i32 to vector<3136x128xi32>
    %sub3A_7 = arith.subi %sub3A_6, %bitcast_convert_type3A : vector<3136x128xi32>
    %select_n3A_8 = arith.select %ge3A_5, %bitcast_convert_type3A, %sub3A_7 : vector<3136x128xi1>, vector<3136x128xi32>
    %bitcast_convert_type3A_9 = tpu.bitcast %get3A_1 : vector<3136x128xf32> -> vector<3136x128xi32>
    %eq3A = arith.constant -8388608 : i32
    %eq3A_10 = vector.broadcast %eq3A : i32 to vector<3136x128xi32>
    %eq3A_11 = arith.cmpi eq, %bitcast_convert_type3A_9, %eq3A_10 : vector<3136x128xi32>
    %jit3A_12 = arith.constant -2147483648 : i32
    %broadcast_in_dim3A_13 = vector.broadcast %jit3A_12 : i32 to vector<3136x128xi32>
    %select_n3A_14 = arith.select %eq3A_11, %broadcast_in_dim3A_13, %select_n3A_8 : vector<3136x128xi1>, vector<3136x128xi32>
    %swap3A = arith.constant 0 : index
    %swap3A_15 = arith.constant 0 : index
    %swap3A_16 = vector.load %arg2[%swap3A, %swap3A_15] : memref<3136x128xi32, #tpu.memory_space<vmem>>, vector<3136x128xi32>
    tpu.vector_store %arg2[%swap3A, %swap3A_15], %select_n3A_14 {strides = array<i32>} : memref<3136x128xi32, #tpu.memory_space<vmem>>, vector<3136x128xi32>,
    %scan3A = arith.constant 0 : i32
    %scan3A_17 = arith.constant 0 : i32
    %scan3A_18 = arith.constant 32 : i32
    %scan3A_19 = arith.addi %scan3A_17, %scan3A_18 : i32
    %scan3A_20 = arith.constant 1 : i32
    %scan3A_21 = scf.for %scan3A_145 = %scan3A_17 to %scan3A_19 step %scan3A_20 iter_args(%scan3A_146 = %scan3A) -> (i32)  : i32 {
      %sub3A_147 = arith.constant 31 : i32
      %sub3A_148 = arith.subi %sub3A_147, %scan3A_145 : i32
      %shift_left3A = arith.constant 1 : i32
      %shift_left3A_149 = arith.shli %shift_left3A, %sub3A_148 : i32
      %or3A = arith.ori %scan3A_146, %shift_left3A_149 : i32
      %xor3A_150 = arith.constant -2147483648 : i32
      %xor3A_151 = arith.xori %or3A, %xor3A_150 : i32
      %get3A_152 = arith.constant 0 : index
      %get3A_153 = arith.constant 0 : index
      %get3A_154 = vector.load %arg2[%get3A_152, %get3A_153] : memref<3136x128xi32, #tpu.memory_space<vmem>>, vector<3136x128xi32>
      %ge3A_155 = vector.broadcast %xor3A_151 : i32 to vector<3136x128xi32>
      %ge3A_156 = arith.cmpi sge, %get3A_154, %ge3A_155 : vector<3136x128xi32>
      %convert_element_type3A_157 = arith.extui %ge3A_156 : vector<3136x128xi1> to vector<3136x128xi32>
      %reduce_sum3A_158 = vector.shape_cast %convert_element_type3A_157 : vector<3136x128xi32> to vector<1x3136x128xi32>
      %reduce_sum3A_159 = arith.constant dense<0> : vector<1xi32>
      %reduce_sum3A_160 = vector.multi_reduction <add>, %reduce_sum3A_158, %reduce_sum3A_159 [1, 2] : vector<1x3136x128xi32> to vector<1xi32>
      %reduce_sum3A_161 = vector.shape_cast %reduce_sum3A_160 : vector<1xi32> to vector<1x1x1xi32>
      %reduce_sum3A_162 = vector.extract %reduce_sum3A_161[0, 0, 0] : i32 from vector<1x1x1xi32>
      %ge3A_163 = arith.constant 1000 : i32
      %ge3A_164 = arith.cmpi sge, %reduce_sum3A_162, %ge3A_163 : i32
      %select_n3A_165 = arith.select %ge3A_164, %or3A, %scan3A_146 : i32
      scf.yield %select_n3A_165 : i32
    }
    %scan3A_22 = arith.constant 32 : i32
    %xor3A = arith.constant -2147483648 : i32
    %xor3A_23 = arith.xori %scan3A_21, %xor3A : i32
    %get3A_24 = arith.constant 0 : index
    %get3A_25 = arith.constant 0 : index
    %get3A_26 = vector.load %arg2[%get3A_24, %get3A_25] : memref<3136x128xi32, #tpu.memory_space<vmem>>, vector<3136x128xi32>
    %gt3A_27 = vector.broadcast %xor3A_23 : i32 to vector<3136x128xi32>
    %gt3A_28 = arith.cmpi sgt, %get3A_26, %gt3A_27 : vector<3136x128xi32>
    %convert_element_type3A = arith.extui %gt3A_28 : vector<3136x128xi1> to vector<3136x128xi32>
    %reduce_sum3A = vector.shape_cast %convert_element_type3A : vector<3136x128xi32> to vector<1x3136x128xi32>
    %reduce_sum3A_29 = arith.constant dense<0> : vector<1xi32>
    %reduce_sum3A_30 = vector.multi_reduction <add>, %reduce_sum3A, %reduce_sum3A_29 [1, 2] : vector<1x3136x128xi32> to vector<1xi32>
    %reduce_sum3A_31 = vector.shape_cast %reduce_sum3A_30 : vector<1xi32> to vector<1x1x1xi32>
    %reduce_sum3A_32 = vector.extract %reduce_sum3A_31[0, 0, 0] : i32 from vector<1x1x1xi32>
    %sub3A_33 = arith.constant 1000 : i32
    %sub3A_34 = arith.subi %sub3A_33, %reduce_sum3A_32 : i32
    %get3A_35 = arith.constant 0 : index
    %get3A_36 = arith.constant 0 : index
    %get3A_37 = vector.load %arg2[%get3A_35, %get3A_36] : memref<3136x128xi32, #tpu.memory_space<vmem>>, vector<3136x128xi32>
    %gt3A_38 = vector.broadcast %xor3A_23 : i32 to vector<3136x128xi32>
    %gt3A_39 = arith.cmpi sgt, %get3A_37, %gt3A_38 : vector<3136x128xi32>
    %jit3A_40 = arith.constant 1.000000e+00 : f32
    %jit3A_41 = arith.constant 0.000000e+00 : f32
    %broadcast_in_dim3A_42 = vector.broadcast %jit3A_40 : f32 to vector<3136x128xf32>
    %broadcast_in_dim3A_43 = vector.broadcast %jit3A_41 : f32 to vector<3136x128xf32>
    %select_n3A_44 = arith.select %gt3A_39, %broadcast_in_dim3A_42, %broadcast_in_dim3A_43 : vector<3136x128xi1>, vector<3136x128xf32>
    %reduce_sum3A_45 = arith.constant dense<0.000000e+00> : vector<3136xf32>
    %reduce_sum3A_46 = vector.multi_reduction <add>, %select_n3A_44, %reduce_sum3A_45 [1] : vector<3136x128xf32> to vector<3136xf32>
    %broadcast_in_dim3A_47 = vector.shape_cast %reduce_sum3A_46 : vector<3136xf32> to vector<3136x1xf32>
    %eq3A_48 = vector.broadcast %xor3A_23 : i32 to vector<3136x128xi32>
    %eq3A_49 = arith.cmpi eq, %get3A_37, %eq3A_48 : vector<3136x128xi32>
    %jit3A_50 = arith.constant 1.000000e+00 : f32
    %jit3A_51 = arith.constant 0.000000e+00 : f32
    %broadcast_in_dim3A_52 = vector.broadcast %jit3A_50 : f32 to vector<3136x128xf32>
    %broadcast_in_dim3A_53 = vector.broadcast %jit3A_51 : f32 to vector<3136x128xf32>
    %select_n3A_54 = arith.select %eq3A_49, %broadcast_in_dim3A_52, %broadcast_in_dim3A_53 : vector<3136x128xi1>, vector<3136x128xf32>
    %reduce_sum3A_55 = arith.constant dense<0.000000e+00> : vector<3136xf32>
    %reduce_sum3A_56 = vector.multi_reduction <add>, %select_n3A_54, %reduce_sum3A_55 [1] : vector<3136x128xf32> to vector<3136xf32>
    %broadcast_in_dim3A_57 = vector.shape_cast %reduce_sum3A_56 : vector<3136xf32> to vector<3136x1xf32>
    %iota3A = tpu.iota {dimensions = array<i32: 0>} : vector<128x3136xi32>
    %iota3A_58 = tpu.iota {dimensions = array<i32: 1>} : vector<128x3136xi32>
    %lt3A = arith.constant 32 : i32
    %lt3A_59 = vector.broadcast %lt3A : i32 to vector<128x3136xi32>
    %lt3A_60 = arith.cmpi slt, %iota3A, %lt3A_59 : vector<128x3136xi32>
    %mul3A = arith.constant 98 : i32
    %mul3A_61 = vector.broadcast %mul3A : i32 to vector<128x3136xi32>
    %mul3A_62 = arith.muli %iota3A, %mul3A_61 : vector<128x3136xi32>
    %ge3A_63 = arith.cmpi sge, %iota3A_58, %mul3A_62 : vector<128x3136xi32>
    %and3A = arith.andi %lt3A_60, %ge3A_63 : vector<128x3136xi1>
    %add3A = arith.constant 1 : i32
    %add3A_64 = vector.broadcast %add3A : i32 to vector<128x3136xi32>
    %add3A_65 = arith.addi %iota3A, %add3A_64 : vector<128x3136xi32>
    %mul3A_66 = arith.constant 98 : i32
    %mul3A_67 = vector.broadcast %mul3A_66 : i32 to vector<128x3136xi32>
    %mul3A_68 = arith.muli %add3A_65, %mul3A_67 : vector<128x3136xi32>
    %lt3A_69 = arith.cmpi slt, %iota3A_58, %mul3A_68 : vector<128x3136xi32>
    %and3A_70 = arith.andi %and3A, %lt3A_69 : vector<128x3136xi1>
    %jit3A_71 = arith.constant 1.000000e+00 : f32
    %jit3A_72 = arith.constant 0.000000e+00 : f32
    %broadcast_in_dim3A_73 = vector.broadcast %jit3A_71 : f32 to vector<128x3136xf32>
    %broadcast_in_dim3A_74 = vector.broadcast %jit3A_72 : f32 to vector<128x3136xf32>
    %select_n3A_75 = arith.select %and3A_70, %broadcast_in_dim3A_73, %broadcast_in_dim3A_74 : vector<128x3136xi1>, vector<128x3136xf32>
    %dot_general3A = arith.constant dense<0.000000e+00> : vector<1x128xf32>
    %dot_general3A_76 = tpu.matmul %broadcast_in_dim3A_47, %select_n3A_75, %dot_general3A {dimension_numbers = #tpu.dot_dimension_numbers<[0], [1], [1], [0], [0, 1, 1, 0], [], []>, precision = #tpu.contract_precision<fp32>, transpose_lhs_hint = false} : vector<3136x1xf32>, vector<128x3136xf32>, vector<1x128xf32> -> vector<1x128xf32>
    %dot_general3A_77 = arith.constant dense<0.000000e+00> : vector<1x128xf32>
    %dot_general3A_78 = tpu.matmul %broadcast_in_dim3A_57, %select_n3A_75, %dot_general3A_77 {dimension_numbers = #tpu.dot_dimension_numbers<[0], [1], [1], [0], [0, 1, 1, 0], [], []>, precision = #tpu.contract_precision<fp32>, transpose_lhs_hint = false} : vector<3136x1xf32>, vector<128x3136xf32>, vector<1x128xf32> -> vector<1x128xf32>
    %iota3A_79 = tpu.iota {dimensions = array<i32: 0>} : vector<128x128xi32>
    %iota3A_80 = tpu.iota {dimensions = array<i32: 1>} : vector<128x128xi32>
    %lt3A_81 = arith.cmpi slt, %iota3A_79, %iota3A_80 : vector<128x128xi32>
    %lt3A_82 = arith.constant 32 : i32
    %lt3A_83 = vector.broadcast %lt3A_82 : i32 to vector<128x128xi32>
    %lt3A_84 = arith.cmpi slt, %iota3A_80, %lt3A_83 : vector<128x128xi32>
    %and3A_85 = arith.andi %lt3A_81, %lt3A_84 : vector<128x128xi1>
    %jit3A_86 = arith.constant 1.000000e+00 : f32
    %jit3A_87 = arith.constant 0.000000e+00 : f32
    %broadcast_in_dim3A_88 = vector.broadcast %jit3A_86 : f32 to vector<128x128xf32>
    %broadcast_in_dim3A_89 = vector.broadcast %jit3A_87 : f32 to vector<128x128xf32>
    %select_n3A_90 = arith.select %and3A_85, %broadcast_in_dim3A_88, %broadcast_in_dim3A_89 : vector<128x128xi1>, vector<128x128xf32>
    %dot_general3A_91 = arith.constant dense<0.000000e+00> : vector<1x128xf32>
    %dot_general3A_92 = tpu.matmul %dot_general3A_76, %select_n3A_90, %dot_general3A_91 {dimension_numbers = #tpu.dot_dimension_numbers<[1], [0], [0], [1], [0, 0, 1, 1], [], []>, precision = #tpu.contract_precision<fp32>, transpose_lhs_hint = false} : vector<1x128xf32>, vector<128x128xf32>, vector<1x128xf32> -> vector<1x128xf32>
    %dot_general3A_93 = arith.constant dense<0.000000e+00> : vector<1x128xf32>
    %dot_general3A_94 = tpu.matmul %dot_general3A_78, %select_n3A_90, %dot_general3A_93 {dimension_numbers = #tpu.dot_dimension_numbers<[1], [0], [0], [1], [0, 0, 1, 1], [], []>, precision = #tpu.contract_precision<fp32>, transpose_lhs_hint = false} : vector<1x128xf32>, vector<128x128xf32>, vector<1x128xf32> -> vector<1x128xf32>
    %iota3A_95 = tpu.iota {dimensions = array<i32: 0>} : vector<8x128xi32>
    %iota3A_96 = tpu.iota {dimensions = array<i32: 1>} : vector<8x128xi32>
    %eq3A_97 = arith.constant 0 : i32
    %eq3A_98 = vector.broadcast %eq3A_97 : i32 to vector<8x128xi32>
    %eq3A_99 = arith.cmpi eq, %iota3A_96, %eq3A_98 : vector<8x128xi32>
    %eq3A_100 = arith.constant 1 : i32
    %eq3A_101 = vector.broadcast %eq3A_100 : i32 to vector<8x128xi32>
    %eq3A_102 = arith.cmpi eq, %iota3A_96, %eq3A_101 : vector<8x128xi32>
    %eq3A_103 = arith.constant 2 : i32
    %eq3A_104 = vector.broadcast %eq3A_103 : i32 to vector<8x128xi32>
    %eq3A_105 = arith.cmpi eq, %iota3A_96, %eq3A_104 : vector<8x128xi32>
    %jit3A_106 = arith.constant 0 : i32
    %broadcast_in_dim3A_107 = vector.broadcast %sub3A_34 : i32 to vector<8x128xi32>
    %broadcast_in_dim3A_108 = vector.broadcast %jit3A_106 : i32 to vector<8x128xi32>
    %select_n3A_109 = arith.select %eq3A_105, %broadcast_in_dim3A_107, %broadcast_in_dim3A_108 : vector<8x128xi1>, vector<8x128xi32>
    %broadcast_in_dim3A_110 = vector.broadcast %reduce_sum3A_32 : i32 to vector<8x128xi32>
    %select_n3A_111 = arith.select %eq3A_102, %broadcast_in_dim3A_110, %select_n3A_109 : vector<8x128xi1>, vector<8x128xi32>
    %broadcast_in_dim3A_112 = vector.broadcast %xor3A_23 : i32 to vector<8x128xi32>
    %select_n3A_113 = arith.select %eq3A_99, %broadcast_in_dim3A_112, %select_n3A_111 : vector<8x128xi1>, vector<8x128xi32>
    %eq3A_114 = arith.constant 1 : i32
    %eq3A_115 = vector.broadcast %eq3A_114 : i32 to vector<8x128xi32>
    %eq3A_116 = arith.cmpi eq, %iota3A_95, %eq3A_115 : vector<8x128xi32>
    %convert_element_type3A_117 = arith.fptosi %dot_general3A_76 : vector<1x128xf32> to vector<1x128xi32>
    %broadcast_in_dim3A_118 = vector.shape_cast %convert_element_type3A_117 : vector<1x128xi32> to vector<1x128xi32>
    %broadcast_in_dim3A_119 = vector.broadcast %broadcast_in_dim3A_118 : vector<1x128xi32> to vector<8x128xi32>
    %select_n3A_120 = arith.select %eq3A_116, %broadcast_in_dim3A_119, %select_n3A_113 : vector<8x128xi1>, vector<8x128xi32>
    %eq3A_121 = arith.constant 2 : i32
    %eq3A_122 = vector.broadcast %eq3A_121 : i32 to vector<8x128xi32>
    %eq3A_123 = arith.cmpi eq, %iota3A_95, %eq3A_122 : vector<8x128xi32>
    %convert_element_type3A_124 = arith.fptosi %dot_general3A_92 : vector<1x128xf32> to vector<1x128xi32>
    %broadcast_in_dim3A_125 = vector.shape_cast %convert_element_type3A_124 : vector<1x128xi32> to vector<1x128xi32>
    %broadcast_in_dim3A_126 = vector.broadcast %broadcast_in_dim3A_125 : vector<1x128xi32> to vector<8x128xi32>
    %select_n3A_127 = arith.select %eq3A_123, %broadcast_in_dim3A_126, %select_n3A_120 : vector<8x128xi1>, vector<8x128xi32>
    %eq3A_128 = arith.constant 3 : i32
    %eq3A_129 = vector.broadcast %eq3A_128 : i32 to vector<8x128xi32>
    %eq3A_130 = arith.cmpi eq, %iota3A_95, %eq3A_129 : vector<8x128xi32>
    %convert_element_type3A_131 = arith.fptosi %dot_general3A_78 : vector<1x128xf32> to vector<1x128xi32>
    %broadcast_in_dim3A_132 = vector.shape_cast %convert_element_type3A_131 : vector<1x128xi32> to vector<1x128xi32>
    %broadcast_in_dim3A_133 = vector.broadcast %broadcast_in_dim3A_132 : vector<1x128xi32> to vector<8x128xi32>
    %select_n3A_134 = arith.select %eq3A_130, %broadcast_in_dim3A_133, %select_n3A_127 : vector<8x128xi1>, vector<8x128xi32>
    %eq3A_135 = arith.constant 4 : i32
    %eq3A_136 = vector.broadcast %eq3A_135 : i32 to vector<8x128xi32>
    %eq3A_137 = arith.cmpi eq, %iota3A_95, %eq3A_136 : vector<8x128xi32>
    %convert_element_type3A_138 = arith.fptosi %dot_general3A_94 : vector<1x128xf32> to vector<1x128xi32>
    %broadcast_in_dim3A_139 = vector.shape_cast %convert_element_type3A_138 : vector<1x128xi32> to vector<1x128xi32>
    %broadcast_in_dim3A_140 = vector.broadcast %broadcast_in_dim3A_139 : vector<1x128xi32> to vector<8x128xi32>
    %select_n3A_141 = arith.select %eq3A_137, %broadcast_in_dim3A_140, %select_n3A_134 : vector<8x128xi1>, vector<8x128xi32>
    %swap3A_142 = arith.constant 0 : index
    %swap3A_143 = arith.constant 0 : index
    %swap3A_144 = vector.load %arg1[%swap3A_142, %swap3A_143] : memref<8x128xi32, #tpu.memory_space<vmem>>, vector<8x128xi32>
    tpu.vector_store %arg1[%swap3A_142, %swap3A_143], %select_n3A_141 {strides = array<i32>} : memref<8x128xi32, #tpu.memory_space<vmem>>, vector<8x128xi32>,
    return
  }
}

module attributes {stable_mosaic.version = 14 : i64} {
  func.func @_s3_body(%arg0: memref<1024x16xf32, #tpu.memory_space<vmem>>, %arg1: memref<1024x16xf32, #tpu.memory_space<vmem>>, %arg2: memref<8x128xi32, #tpu.memory_space<vmem>>, %arg3: memref<512x16xf32, #tpu.memory_space<vmem>>, %arg4: memref<8x128xi32, #tpu.memory_space<vmem>>) attributes {dimension_semantics = [], scalar_prefetch = 0 : i64, scratch_operands = 0 : i64, tpu.core_type = #tpu.core_type<tc>} {
    %get3A = arith.constant 0 : index
    %get3A_0 = arith.constant 1 : index
    %get3A_1 = vector.load %arg2[%get3A, %get3A_0] : memref<8x128xi32, #tpu.memory_space<vmem>>, vector<1x1xi32>
    %get3A_2 = vector.extract %get3A_1[0, 0] : i32 from vector<1x1xi32>
    %get3A_3 = arith.constant 0 : index
    %get3A_4 = arith.constant 2 : index
    %get3A_5 = vector.load %arg2[%get3A_3, %get3A_4] : memref<8x128xi32, #tpu.memory_space<vmem>>, vector<1x1xi32>
    %get3A_6 = vector.extract %get3A_5[0, 0] : i32 from vector<1x1xi32>
    %iota3A = tpu.iota {dimensions = array<i32: 0>} : vector<1024x1024xi32>
    %iota3A_7 = tpu.iota {dimensions = array<i32: 1>} : vector<1024x1024xi32>
    %iota3A_8 = tpu.iota {dimensions = array<i32: 0>} : vector<1024x16xi32>
    %iota3A_9 = tpu.iota {dimensions = array<i32: 1>} : vector<1024x16xi32>
    %lt3A = vector.broadcast %get3A_2 : i32 to vector<1024x16xi32>
    %lt3A_10 = arith.cmpi slt, %iota3A_8, %lt3A : vector<1024x16xi32>
    %lt3A_11 = arith.constant 7 : i32
    %lt3A_12 = vector.broadcast %lt3A_11 : i32 to vector<1024x16xi32>
    %lt3A_13 = arith.cmpi slt, %iota3A_9, %lt3A_12 : vector<1024x16xi32>
    %and3A = arith.andi %lt3A_10, %lt3A_13 : vector<1024x16xi1>
    %get3A_14 = arith.constant 0 : index
    %get3A_15 = arith.constant 0 : index
    %get3A_16 = vector.load %arg0[%get3A_14, %get3A_15] : memref<1024x16xf32, #tpu.memory_space<vmem>>, vector<1024x16xf32>
    %jit3A = arith.constant 0.000000e+00 : f32
    %broadcast_in_dim3A = vector.broadcast %jit3A : f32 to vector<1024x16xf32>
    %select_n3A = arith.select %and3A, %get3A_16, %broadcast_in_dim3A : vector<1024x16xi1>, vector<1024x16xf32>
    %lt3A_17 = vector.broadcast %get3A_6 : i32 to vector<1024x16xi32>
    %lt3A_18 = arith.cmpi slt, %iota3A_8, %lt3A_17 : vector<1024x16xi32>
    %lt3A_19 = arith.constant 7 : i32
    %lt3A_20 = vector.broadcast %lt3A_19 : i32 to vector<1024x16xi32>
    %lt3A_21 = arith.cmpi slt, %iota3A_9, %lt3A_20 : vector<1024x16xi32>
    %and3A_22 = arith.andi %lt3A_18, %lt3A_21 : vector<1024x16xi1>
    %get3A_23 = arith.constant 0 : index
    %get3A_24 = arith.constant 0 : index
    %get3A_25 = vector.load %arg1[%get3A_23, %get3A_24] : memref<1024x16xf32, #tpu.memory_space<vmem>>, vector<1024x16xf32>
    %jit3A_26 = arith.constant 0.000000e+00 : f32
    %broadcast_in_dim3A_27 = vector.broadcast %jit3A_26 : f32 to vector<1024x16xf32>
    %select_n3A_28 = arith.select %and3A_22, %get3A_25, %broadcast_in_dim3A_27 : vector<1024x16xi1>, vector<1024x16xf32>
    %eq3A = arith.cmpi eq, %iota3A, %iota3A_7 : vector<1024x1024xi32>
    %lt3A_29 = vector.broadcast %get3A_2 : i32 to vector<1024x1024xi32>
    %lt3A_30 = arith.cmpi slt, %iota3A, %lt3A_29 : vector<1024x1024xi32>
    %and3A_31 = arith.andi %eq3A, %lt3A_30 : vector<1024x1024xi1>
    %jit3A_32 = arith.constant 1.000000e+00 : f32
    %jit3A_33 = arith.constant 0.000000e+00 : f32
    %broadcast_in_dim3A_34 = vector.broadcast %jit3A_32 : f32 to vector<1024x1024xf32>
    %broadcast_in_dim3A_35 = vector.broadcast %jit3A_33 : f32 to vector<1024x1024xf32>
    %select_n3A_36 = arith.select %and3A_31, %broadcast_in_dim3A_34, %broadcast_in_dim3A_35 : vector<1024x1024xi1>, vector<1024x1024xf32>
    %sub3A = vector.broadcast %get3A_2 : i32 to vector<1024x1024xi32>
    %sub3A_37 = arith.subi %iota3A, %sub3A : vector<1024x1024xi32>
    %eq3A_38 = arith.cmpi eq, %iota3A_7, %sub3A_37 : vector<1024x1024xi32>
    %ge3A = vector.broadcast %get3A_2 : i32 to vector<1024x1024xi32>
    %ge3A_39 = arith.cmpi sge, %iota3A, %ge3A : vector<1024x1024xi32>
    %and3A_40 = arith.andi %eq3A_38, %ge3A_39 : vector<1024x1024xi1>
    %lt3A_41 = arith.constant 1000 : i32
    %lt3A_42 = vector.broadcast %lt3A_41 : i32 to vector<1024x1024xi32>
    %lt3A_43 = arith.cmpi slt, %iota3A, %lt3A_42 : vector<1024x1024xi32>
    %and3A_44 = arith.andi %and3A_40, %lt3A_43 : vector<1024x1024xi1>
    %jit3A_45 = arith.constant 1.000000e+00 : f32
    %jit3A_46 = arith.constant 0.000000e+00 : f32
    %broadcast_in_dim3A_47 = vector.broadcast %jit3A_45 : f32 to vector<1024x1024xf32>
    %broadcast_in_dim3A_48 = vector.broadcast %jit3A_46 : f32 to vector<1024x1024xf32>
    %select_n3A_49 = arith.select %and3A_44, %broadcast_in_dim3A_47, %broadcast_in_dim3A_48 : vector<1024x1024xi1>, vector<1024x1024xf32>
    %dot_general3A = arith.constant dense<0.000000e+00> : vector<1024x16xf32>
    %dot_general3A_50 = tpu.matmul %select_n3A_36, %select_n3A, %dot_general3A {dimension_numbers = #tpu.dot_dimension_numbers<[1], [0], [0], [1], [0, 0, 1, 1], [], []>, precision = #tpu.contract_precision<fp32>, transpose_lhs_hint = false} : vector<1024x1024xf32>, vector<1024x16xf32>, vector<1024x16xf32> -> vector<1024x16xf32>
    %dot_general3A_51 = arith.constant dense<0.000000e+00> : vector<1024x16xf32>
    %dot_general3A_52 = tpu.matmul %select_n3A_49, %select_n3A_28, %dot_general3A_51 {dimension_numbers = #tpu.dot_dimension_numbers<[1], [0], [0], [1], [0, 0, 1, 1], [], []>, precision = #tpu.contract_precision<fp32>, transpose_lhs_hint = false} : vector<1024x1024xf32>, vector<1024x16xf32>, vector<1024x16xf32> -> vector<1024x16xf32>
    %add3A = arith.addf %dot_general3A_50, %dot_general3A_52 : vector<1024x16xf32>
    %iota3A_53 = tpu.iota {dimensions = array<i32: 0>} : vector<16x1xi32>
    %iota3A_54 = tpu.iota {dimensions = array<i32: 1>} : vector<1x16xi32>
    %eq3A_55 = arith.constant 0 : i32
    %eq3A_56 = vector.broadcast %eq3A_55 : i32 to vector<16x1xi32>
    %eq3A_57 = arith.cmpi eq, %iota3A_53, %eq3A_56 : vector<16x1xi32>
    %jit3A_58 = arith.constant 1.000000e+00 : f32
    %jit3A_59 = arith.constant 0.000000e+00 : f32
    %broadcast_in_dim3A_60 = vector.broadcast %jit3A_58 : f32 to vector<16x1xf32>
    %broadcast_in_dim3A_61 = vector.broadcast %jit3A_59 : f32 to vector<16x1xf32>
    %select_n3A_62 = arith.select %eq3A_57, %broadcast_in_dim3A_60, %broadcast_in_dim3A_61 : vector<16x1xi1>, vector<16x1xf32>
    %dot_general3A_63 = arith.constant dense<0.000000e+00> : vector<1024x1xf32>
    %dot_general3A_64 = tpu.matmul %add3A, %select_n3A_62, %dot_general3A_63 {dimension_numbers = #tpu.dot_dimension_numbers<[1], [0], [0], [1], [0, 0, 1, 1], [], []>, precision = #tpu.contract_precision<fp32>, transpose_lhs_hint = false} : vector<1024x16xf32>, vector<16x1xf32>, vector<1024x1xf32> -> vector<1024x1xf32>
    %eq3A_65 = arith.constant 0 : i32
    %eq3A_66 = vector.broadcast %eq3A_65 : i32 to vector<1x16xi32>
    %eq3A_67 = arith.cmpi eq, %iota3A_54, %eq3A_66 : vector<1x16xi32>
    %jit3A_68 = arith.constant 1.000000e+00 : f32
    %jit3A_69 = arith.constant 0.000000e+00 : f32
    %broadcast_in_dim3A_70 = vector.broadcast %jit3A_68 : f32 to vector<1x16xf32>
    %broadcast_in_dim3A_71 = vector.broadcast %jit3A_69 : f32 to vector<1x16xf32>
    %select_n3A_72 = arith.select %eq3A_67, %broadcast_in_dim3A_70, %broadcast_in_dim3A_71 : vector<1x16xi1>, vector<1x16xf32>
    %dot_general3A_73 = arith.constant dense<0.000000e+00> : vector<1x1024xf32>
    %dot_general3A_74 = tpu.matmul %select_n3A_72, %add3A, %dot_general3A_73 {dimension_numbers = #tpu.dot_dimension_numbers<[1], [1], [0], [0], [0, 0, 1, 0], [], []>, precision = #tpu.contract_precision<fp32>, transpose_lhs_hint = false} : vector<1x16xf32>, vector<1024x16xf32>, vector<1x1024xf32> -> vector<1x1024xf32>
    %eq3A_75 = arith.constant 1 : i32
    %eq3A_76 = vector.broadcast %eq3A_75 : i32 to vector<16x1xi32>
    %eq3A_77 = arith.cmpi eq, %iota3A_53, %eq3A_76 : vector<16x1xi32>
    %jit3A_78 = arith.constant 1.000000e+00 : f32
    %jit3A_79 = arith.constant 0.000000e+00 : f32
    %broadcast_in_dim3A_80 = vector.broadcast %jit3A_78 : f32 to vector<16x1xf32>
    %broadcast_in_dim3A_81 = vector.broadcast %jit3A_79 : f32 to vector<16x1xf32>
    %select_n3A_82 = arith.select %eq3A_77, %broadcast_in_dim3A_80, %broadcast_in_dim3A_81 : vector<16x1xi1>, vector<16x1xf32>
    %dot_general3A_83 = arith.constant dense<0.000000e+00> : vector<1024x1xf32>
    %dot_general3A_84 = tpu.matmul %add3A, %select_n3A_82, %dot_general3A_83 {dimension_numbers = #tpu.dot_dimension_numbers<[1], [0], [0], [1], [0, 0, 1, 1], [], []>, precision = #tpu.contract_precision<fp32>, transpose_lhs_hint = false} : vector<1024x16xf32>, vector<16x1xf32>, vector<1024x1xf32> -> vector<1024x1xf32>
    %eq3A_85 = arith.constant 2 : i32
    %eq3A_86 = vector.broadcast %eq3A_85 : i32 to vector<16x1xi32>
    %eq3A_87 = arith.cmpi eq, %iota3A_53, %eq3A_86 : vector<16x1xi32>
    %jit3A_88 = arith.constant 1.000000e+00 : f32
    %jit3A_89 = arith.constant 0.000000e+00 : f32
    %broadcast_in_dim3A_90 = vector.broadcast %jit3A_88 : f32 to vector<16x1xf32>
    %broadcast_in_dim3A_91 = vector.broadcast %jit3A_89 : f32 to vector<16x1xf32>
    %select_n3A_92 = arith.select %eq3A_87, %broadcast_in_dim3A_90, %broadcast_in_dim3A_91 : vector<16x1xi1>, vector<16x1xf32>
    %dot_general3A_93 = arith.constant dense<0.000000e+00> : vector<1024x1xf32>
    %dot_general3A_94 = tpu.matmul %add3A, %select_n3A_92, %dot_general3A_93 {dimension_numbers = #tpu.dot_dimension_numbers<[1], [0], [0], [1], [0, 0, 1, 1], [], []>, precision = #tpu.contract_precision<fp32>, transpose_lhs_hint = false} : vector<1024x16xf32>, vector<16x1xf32>, vector<1024x1xf32> -> vector<1024x1xf32>
    %eq3A_95 = arith.constant 3 : i32
    %eq3A_96 = vector.broadcast %eq3A_95 : i32 to vector<16x1xi32>
    %eq3A_97 = arith.cmpi eq, %iota3A_53, %eq3A_96 : vector<16x1xi32>
    %jit3A_98 = arith.constant 1.000000e+00 : f32
    %jit3A_99 = arith.constant 0.000000e+00 : f32
    %broadcast_in_dim3A_100 = vector.broadcast %jit3A_98 : f32 to vector<16x1xf32>
    %broadcast_in_dim3A_101 = vector.broadcast %jit3A_99 : f32 to vector<16x1xf32>
    %select_n3A_102 = arith.select %eq3A_97, %broadcast_in_dim3A_100, %broadcast_in_dim3A_101 : vector<16x1xi1>, vector<16x1xf32>
    %dot_general3A_103 = arith.constant dense<0.000000e+00> : vector<1024x1xf32>
    %dot_general3A_104 = tpu.matmul %add3A, %select_n3A_102, %dot_general3A_103 {dimension_numbers = #tpu.dot_dimension_numbers<[1], [0], [0], [1], [0, 0, 1, 1], [], []>, precision = #tpu.contract_precision<fp32>, transpose_lhs_hint = false} : vector<1024x16xf32>, vector<16x1xf32>, vector<1024x1xf32> -> vector<1024x1xf32>
    %eq3A_105 = arith.constant 4 : i32
    %eq3A_106 = vector.broadcast %eq3A_105 : i32 to vector<16x1xi32>
    %eq3A_107 = arith.cmpi eq, %iota3A_53, %eq3A_106 : vector<16x1xi32>
    %jit3A_108 = arith.constant 1.000000e+00 : f32
    %jit3A_109 = arith.constant 0.000000e+00 : f32
    %broadcast_in_dim3A_110 = vector.broadcast %jit3A_108 : f32 to vector<16x1xf32>
    %broadcast_in_dim3A_111 = vector.broadcast %jit3A_109 : f32 to vector<16x1xf32>
    %select_n3A_112 = arith.select %eq3A_107, %broadcast_in_dim3A_110, %broadcast_in_dim3A_111 : vector<16x1xi1>, vector<16x1xf32>
    %dot_general3A_113 = arith.constant dense<0.000000e+00> : vector<1024x1xf32>
    %dot_general3A_114 = tpu.matmul %add3A, %select_n3A_112, %dot_general3A_113 {dimension_numbers = #tpu.dot_dimension_numbers<[1], [0], [0], [1], [0, 0, 1, 1], [], []>, precision = #tpu.contract_precision<fp32>, transpose_lhs_hint = false} : vector<1024x16xf32>, vector<16x1xf32>, vector<1024x1xf32> -> vector<1024x1xf32>
    %eq3A_115 = arith.constant 1 : i32
    %eq3A_116 = vector.broadcast %eq3A_115 : i32 to vector<1x16xi32>
    %eq3A_117 = arith.cmpi eq, %iota3A_54, %eq3A_116 : vector<1x16xi32>
    %jit3A_118 = arith.constant 1.000000e+00 : f32
    %jit3A_119 = arith.constant 0.000000e+00 : f32
    %broadcast_in_dim3A_120 = vector.broadcast %jit3A_118 : f32 to vector<1x16xf32>
    %broadcast_in_dim3A_121 = vector.broadcast %jit3A_119 : f32 to vector<1x16xf32>
    %select_n3A_122 = arith.select %eq3A_117, %broadcast_in_dim3A_120, %broadcast_in_dim3A_121 : vector<1x16xi1>, vector<1x16xf32>
    %dot_general3A_123 = arith.constant dense<0.000000e+00> : vector<1x1024xf32>
    %dot_general3A_124 = tpu.matmul %select_n3A_122, %add3A, %dot_general3A_123 {dimension_numbers = #tpu.dot_dimension_numbers<[1], [1], [0], [0], [0, 0, 1, 0], [], []>, precision = #tpu.contract_precision<fp32>, transpose_lhs_hint = false} : vector<1x16xf32>, vector<1024x16xf32>, vector<1x1024xf32> -> vector<1x1024xf32>
    %eq3A_125 = arith.constant 2 : i32
    %eq3A_126 = vector.broadcast %eq3A_125 : i32 to vector<1x16xi32>
    %eq3A_127 = arith.cmpi eq, %iota3A_54, %eq3A_126 : vector<1x16xi32>
    %jit3A_128 = arith.constant 1.000000e+00 : f32
    %jit3A_129 = arith.constant 0.000000e+00 : f32
    %broadcast_in_dim3A_130 = vector.broadcast %jit3A_128 : f32 to vector<1x16xf32>
    %broadcast_in_dim3A_131 = vector.broadcast %jit3A_129 : f32 to vector<1x16xf32>
    %select_n3A_132 = arith.select %eq3A_127, %broadcast_in_dim3A_130, %broadcast_in_dim3A_131 : vector<1x16xi1>, vector<1x16xf32>
    %dot_general3A_133 = arith.constant dense<0.000000e+00> : vector<1x1024xf32>
    %dot_general3A_134 = tpu.matmul %select_n3A_132, %add3A, %dot_general3A_133 {dimension_numbers = #tpu.dot_dimension_numbers<[1], [1], [0], [0], [0, 0, 1, 0], [], []>, precision = #tpu.contract_precision<fp32>, transpose_lhs_hint = false} : vector<1x16xf32>, vector<1024x16xf32>, vector<1x1024xf32> -> vector<1x1024xf32>
    %eq3A_135 = arith.constant 3 : i32
    %eq3A_136 = vector.broadcast %eq3A_135 : i32 to vector<1x16xi32>
    %eq3A_137 = arith.cmpi eq, %iota3A_54, %eq3A_136 : vector<1x16xi32>
    %jit3A_138 = arith.constant 1.000000e+00 : f32
    %jit3A_139 = arith.constant 0.000000e+00 : f32
    %broadcast_in_dim3A_140 = vector.broadcast %jit3A_138 : f32 to vector<1x16xf32>
    %broadcast_in_dim3A_141 = vector.broadcast %jit3A_139 : f32 to vector<1x16xf32>
    %select_n3A_142 = arith.select %eq3A_137, %broadcast_in_dim3A_140, %broadcast_in_dim3A_141 : vector<1x16xi1>, vector<1x16xf32>
    %dot_general3A_143 = arith.constant dense<0.000000e+00> : vector<1x1024xf32>
    %dot_general3A_144 = tpu.matmul %select_n3A_142, %add3A, %dot_general3A_143 {dimension_numbers = #tpu.dot_dimension_numbers<[1], [1], [0], [0], [0, 0, 1, 0], [], []>, precision = #tpu.contract_precision<fp32>, transpose_lhs_hint = false} : vector<1x16xf32>, vector<1024x16xf32>, vector<1x1024xf32> -> vector<1x1024xf32>
    %eq3A_145 = arith.constant 4 : i32
    %eq3A_146 = vector.broadcast %eq3A_145 : i32 to vector<1x16xi32>
    %eq3A_147 = arith.cmpi eq, %iota3A_54, %eq3A_146 : vector<1x16xi32>
    %jit3A_148 = arith.constant 1.000000e+00 : f32
    %jit3A_149 = arith.constant 0.000000e+00 : f32
    %broadcast_in_dim3A_150 = vector.broadcast %jit3A_148 : f32 to vector<1x16xf32>
    %broadcast_in_dim3A_151 = vector.broadcast %jit3A_149 : f32 to vector<1x16xf32>
    %select_n3A_152 = arith.select %eq3A_147, %broadcast_in_dim3A_150, %broadcast_in_dim3A_151 : vector<1x16xi1>, vector<1x16xf32>
    %dot_general3A_153 = arith.constant dense<0.000000e+00> : vector<1x1024xf32>
    %dot_general3A_154 = tpu.matmul %select_n3A_152, %add3A, %dot_general3A_153 {dimension_numbers = #tpu.dot_dimension_numbers<[1], [1], [0], [0], [0, 0, 1, 0], [], []>, precision = #tpu.contract_precision<fp32>, transpose_lhs_hint = false} : vector<1x16xf32>, vector<1024x16xf32>, vector<1x1024xf32> -> vector<1x1024xf32>
    %eq3A_155 = arith.constant 5 : i32
    %eq3A_156 = vector.broadcast %eq3A_155 : i32 to vector<16x1xi32>
    %eq3A_157 = arith.cmpi eq, %iota3A_53, %eq3A_156 : vector<16x1xi32>
    %jit3A_158 = arith.constant 1.000000e+00 : f32
    %jit3A_159 = arith.constant 0.000000e+00 : f32
    %broadcast_in_dim3A_160 = vector.broadcast %jit3A_158 : f32 to vector<16x1xf32>
    %broadcast_in_dim3A_161 = vector.broadcast %jit3A_159 : f32 to vector<16x1xf32>
    %select_n3A_162 = arith.select %eq3A_157, %broadcast_in_dim3A_160, %broadcast_in_dim3A_161 : vector<16x1xi1>, vector<16x1xf32>
    %dot_general3A_163 = arith.constant dense<0.000000e+00> : vector<1024x1xf32>
    %dot_general3A_164 = tpu.matmul %add3A, %select_n3A_162, %dot_general3A_163 {dimension_numbers = #tpu.dot_dimension_numbers<[1], [0], [0], [1], [0, 0, 1, 1], [], []>, precision = #tpu.contract_precision<fp32>, transpose_lhs_hint = false} : vector<1024x16xf32>, vector<16x1xf32>, vector<1024x1xf32> -> vector<1024x1xf32>
    %eq3A_165 = arith.constant 5 : i32
    %eq3A_166 = vector.broadcast %eq3A_165 : i32 to vector<1x16xi32>
    %eq3A_167 = arith.cmpi eq, %iota3A_54, %eq3A_166 : vector<1x16xi32>
    %jit3A_168 = arith.constant 1.000000e+00 : f32
    %jit3A_169 = arith.constant 0.000000e+00 : f32
    %broadcast_in_dim3A_170 = vector.broadcast %jit3A_168 : f32 to vector<1x16xf32>
    %broadcast_in_dim3A_171 = vector.broadcast %jit3A_169 : f32 to vector<1x16xf32>
    %select_n3A_172 = arith.select %eq3A_167, %broadcast_in_dim3A_170, %broadcast_in_dim3A_171 : vector<1x16xi1>, vector<1x16xf32>
    %dot_general3A_173 = arith.constant dense<0.000000e+00> : vector<1x1024xf32>
    %dot_general3A_174 = tpu.matmul %select_n3A_172, %add3A, %dot_general3A_173 {dimension_numbers = #tpu.dot_dimension_numbers<[1], [1], [0], [0], [0, 0, 1, 0], [], []>, precision = #tpu.contract_precision<fp32>, transpose_lhs_hint = false} : vector<1x16xf32>, vector<1024x16xf32>, vector<1x1024xf32> -> vector<1x1024xf32>
    %eq3A_175 = arith.constant 6 : i32
    %eq3A_176 = vector.broadcast %eq3A_175 : i32 to vector<16x1xi32>
    %eq3A_177 = arith.cmpi eq, %iota3A_53, %eq3A_176 : vector<16x1xi32>
    %jit3A_178 = arith.constant 1.000000e+00 : f32
    %jit3A_179 = arith.constant 0.000000e+00 : f32
    %broadcast_in_dim3A_180 = vector.broadcast %jit3A_178 : f32 to vector<16x1xf32>
    %broadcast_in_dim3A_181 = vector.broadcast %jit3A_179 : f32 to vector<16x1xf32>
    %select_n3A_182 = arith.select %eq3A_177, %broadcast_in_dim3A_180, %broadcast_in_dim3A_181 : vector<16x1xi1>, vector<16x1xf32>
    %dot_general3A_183 = arith.constant dense<0.000000e+00> : vector<1024x1xf32>
    %dot_general3A_184 = tpu.matmul %add3A, %select_n3A_182, %dot_general3A_183 {dimension_numbers = #tpu.dot_dimension_numbers<[1], [0], [0], [1], [0, 0, 1, 1], [], []>, precision = #tpu.contract_precision<fp32>, transpose_lhs_hint = false} : vector<1024x16xf32>, vector<16x1xf32>, vector<1024x1xf32> -> vector<1024x1xf32>
    %eq3A_185 = arith.constant 6 : i32
    %eq3A_186 = vector.broadcast %eq3A_185 : i32 to vector<1x16xi32>
    %eq3A_187 = arith.cmpi eq, %iota3A_54, %eq3A_186 : vector<1x16xi32>
    %jit3A_188 = arith.constant 1.000000e+00 : f32
    %jit3A_189 = arith.constant 0.000000e+00 : f32
    %broadcast_in_dim3A_190 = vector.broadcast %jit3A_188 : f32 to vector<1x16xf32>
    %broadcast_in_dim3A_191 = vector.broadcast %jit3A_189 : f32 to vector<1x16xf32>
    %select_n3A_192 = arith.select %eq3A_187, %broadcast_in_dim3A_190, %broadcast_in_dim3A_191 : vector<1x16xi1>, vector<1x16xf32>
    %dot_general3A_193 = arith.constant dense<0.000000e+00> : vector<1x1024xf32>
    %dot_general3A_194 = tpu.matmul %select_n3A_192, %add3A, %dot_general3A_193 {dimension_numbers = #tpu.dot_dimension_numbers<[1], [1], [0], [0], [0, 0, 1, 0], [], []>, precision = #tpu.contract_precision<fp32>, transpose_lhs_hint = false} : vector<1x16xf32>, vector<1024x16xf32>, vector<1x1024xf32> -> vector<1x1024xf32>
    %mul3A = arith.constant 4.096000e+03 : f32
    %mul3A_195 = vector.broadcast %mul3A : f32 to vector<1024x1xf32>
    %mul3A_196 = arith.mulf %dot_general3A_164, %mul3A_195 : vector<1024x1xf32>
    %mul3A_197 = arith.constant 4.096000e+03 : f32
    %mul3A_198 = vector.broadcast %mul3A_197 : f32 to vector<1x1024xf32>
    %mul3A_199 = arith.mulf %dot_general3A_174, %mul3A_198 : vector<1x1024xf32>
    %add3A_200 = arith.addf %dot_general3A_84, %mul3A_196 : vector<1024x1xf32>
    %add3A_201 = arith.addf %dot_general3A_94, %mul3A_196 : vector<1024x1xf32>
    %add3A_202 = arith.addf %dot_general3A_104, %mul3A_196 : vector<1024x1xf32>
    %add3A_203 = arith.addf %dot_general3A_114, %mul3A_196 : vector<1024x1xf32>
    %add3A_204 = arith.addf %dot_general3A_124, %mul3A_199 : vector<1x1024xf32>
    %add3A_205 = arith.addf %dot_general3A_134, %mul3A_199 : vector<1x1024xf32>
    %add3A_206 = arith.addf %dot_general3A_144, %mul3A_199 : vector<1x1024xf32>
    %add3A_207 = arith.addf %dot_general3A_154, %mul3A_199 : vector<1x1024xf32>
    %gt3A = arith.constant 1.000000e-03 : f32
    %gt3A_208 = vector.broadcast %gt3A : f32 to vector<1024x1xf32>
    %gt3A_209 = arith.cmpf ogt, %dot_general3A_64, %gt3A_208 : vector<1024x1xf32>
    %jit3A_210 = arith.constant -1.000000e+00 : f32
    %broadcast_in_dim3A_211 = vector.broadcast %jit3A_210 : f32 to vector<1024x1xf32>
    %select_n3A_212 = arith.select %gt3A_209, %dot_general3A_64, %broadcast_in_dim3A_211 : vector<1024x1xi1>, vector<1024x1xf32>
    %bitcast_convert_type3A = tpu.bitcast %select_n3A_212 : vector<1024x1xf32> -> vector<1024x1xi32>
    %ge3A_213 = arith.constant 0 : i32
    %ge3A_214 = vector.broadcast %ge3A_213 : i32 to vector<1024x1xi32>
    %ge3A_215 = arith.cmpi sge, %bitcast_convert_type3A, %ge3A_214 : vector<1024x1xi32>
    %sub3A_216 = arith.constant -2147483648 : i32
    %sub3A_217 = vector.broadcast %sub3A_216 : i32 to vector<1024x1xi32>
    %sub3A_218 = arith.subi %sub3A_217, %bitcast_convert_type3A : vector<1024x1xi32>
    %select_n3A_219 = arith.select %ge3A_215, %bitcast_convert_type3A, %sub3A_218 : vector<1024x1xi1>, vector<1024x1xi32>
    %gt3A_220 = arith.constant 1.000000e-03 : f32
    %gt3A_221 = vector.broadcast %gt3A_220 : f32 to vector<1x1024xf32>
    %gt3A_222 = arith.cmpf ogt, %dot_general3A_74, %gt3A_221 : vector<1x1024xf32>
    %jit3A_223 = arith.constant -1.000000e+00 : f32
    %broadcast_in_dim3A_224 = vector.broadcast %jit3A_223 : f32 to vector<1x1024xf32>
    %select_n3A_225 = arith.select %gt3A_222, %dot_general3A_74, %broadcast_in_dim3A_224 : vector<1x1024xi1>, vector<1x1024xf32>
    %bitcast_convert_type3A_226 = tpu.bitcast %select_n3A_225 : vector<1x1024xf32> -> vector<1x1024xi32>
    %ge3A_227 = arith.constant 0 : i32
    %ge3A_228 = vector.broadcast %ge3A_227 : i32 to vector<1x1024xi32>
    %ge3A_229 = arith.cmpi sge, %bitcast_convert_type3A_226, %ge3A_228 : vector<1x1024xi32>
    %sub3A_230 = arith.constant -2147483648 : i32
    %sub3A_231 = vector.broadcast %sub3A_230 : i32 to vector<1x1024xi32>
    %sub3A_232 = arith.subi %sub3A_231, %bitcast_convert_type3A_226 : vector<1x1024xi32>
    %select_n3A_233 = arith.select %ge3A_229, %bitcast_convert_type3A_226, %sub3A_232 : vector<1x1024xi1>, vector<1x1024xi32>
    %iota3A_234 = tpu.iota {dimensions = array<i32: 0>} : vector<1024x1xi32>
    %iota3A_235 = tpu.iota {dimensions = array<i32: 1>} : vector<1x1024xi32>
    %gt3A_236 = vector.broadcast %select_n3A_233 : vector<1x1024xi32> to vector<1024x1024xi32>
    %gt3A_237 = vector.broadcast %select_n3A_219 : vector<1024x1xi32> to vector<1024x1024xi32>
    %gt3A_238 = arith.cmpi sgt, %gt3A_236, %gt3A_237 : vector<1024x1024xi32>
    %eq3A_239 = vector.broadcast %select_n3A_233 : vector<1x1024xi32> to vector<1024x1024xi32>
    %eq3A_240 = vector.broadcast %select_n3A_219 : vector<1024x1xi32> to vector<1024x1024xi32>
    %eq3A_241 = arith.cmpi eq, %eq3A_239, %eq3A_240 : vector<1024x1024xi32>
    %lt3A_242 = vector.broadcast %dot_general3A_194 : vector<1x1024xf32> to vector<1024x1024xf32>
    %lt3A_243 = vector.broadcast %dot_general3A_184 : vector<1024x1xf32> to vector<1024x1024xf32>
    %lt3A_244 = arith.cmpf olt, %lt3A_242, %lt3A_243 : vector<1024x1024xf32>
    %eq3A_245 = vector.broadcast %dot_general3A_194 : vector<1x1024xf32> to vector<1024x1024xf32>
    %eq3A_246 = vector.broadcast %dot_general3A_184 : vector<1024x1xf32> to vector<1024x1024xf32>
    %eq3A_247 = arith.cmpf oeq, %eq3A_245, %eq3A_246 : vector<1024x1024xf32>
    %lt3A_248 = vector.broadcast %iota3A_235 : vector<1x1024xi32> to vector<1024x1024xi32>
    %lt3A_249 = vector.broadcast %iota3A_234 : vector<1024x1xi32> to vector<1024x1024xi32>
    %lt3A_250 = arith.cmpi slt, %lt3A_248, %lt3A_249 : vector<1024x1024xi32>
    %and3A_251 = arith.andi %eq3A_247, %lt3A_250 : vector<1024x1024xi1>
    %or3A = arith.ori %lt3A_244, %and3A_251 : vector<1024x1024xi1>
    %and3A_252 = arith.andi %eq3A_241, %or3A : vector<1024x1024xi1>
    %or3A_253 = arith.ori %gt3A_238, %and3A_252 : vector<1024x1024xi1>
    %jit3A_254 = arith.constant 1.000000e+00 : f32
    %jit3A_255 = arith.constant 0.000000e+00 : f32
    %broadcast_in_dim3A_256 = vector.broadcast %jit3A_254 : f32 to vector<1024x1024xf32>
    %broadcast_in_dim3A_257 = vector.broadcast %jit3A_255 : f32 to vector<1024x1024xf32>
    %select_n3A_258 = arith.select %or3A_253, %broadcast_in_dim3A_256, %broadcast_in_dim3A_257 : vector<1024x1024xi1>, vector<1024x1024xf32>
    %reduce_sum3A = arith.constant dense<0.000000e+00> : vector<1024xf32>
    %reduce_sum3A_259 = vector.multi_reduction <add>, %select_n3A_258, %reduce_sum3A [1] : vector<1024x1024xf32> to vector<1024xf32>
    %broadcast_in_dim3A_260 = vector.shape_cast %reduce_sum3A_259 : vector<1024xf32> to vector<1024x1xf32>
    %gt3A_261 = vector.broadcast %select_n3A_219 : vector<1024x1xi32> to vector<1024x1024xi32>
    %gt3A_262 = vector.broadcast %select_n3A_233 : vector<1x1024xi32> to vector<1024x1024xi32>
    %gt3A_263 = arith.cmpi sgt, %gt3A_261, %gt3A_262 : vector<1024x1024xi32>
    %eq3A_264 = vector.broadcast %select_n3A_219 : vector<1024x1xi32> to vector<1024x1024xi32>
    %eq3A_265 = vector.broadcast %select_n3A_233 : vector<1x1024xi32> to vector<1024x1024xi32>
    %eq3A_266 = arith.cmpi eq, %eq3A_264, %eq3A_265 : vector<1024x1024xi32>
    %lt3A_267 = vector.broadcast %dot_general3A_184 : vector<1024x1xf32> to vector<1024x1024xf32>
    %lt3A_268 = vector.broadcast %dot_general3A_194 : vector<1x1024xf32> to vector<1024x1024xf32>
    %lt3A_269 = arith.cmpf olt, %lt3A_267, %lt3A_268 : vector<1024x1024xf32>
    %eq3A_270 = vector.broadcast %dot_general3A_184 : vector<1024x1xf32> to vector<1024x1024xf32>
    %eq3A_271 = vector.broadcast %dot_general3A_194 : vector<1x1024xf32> to vector<1024x1024xf32>
    %eq3A_272 = arith.cmpf oeq, %eq3A_270, %eq3A_271 : vector<1024x1024xf32>
    %lt3A_273 = vector.broadcast %iota3A_234 : vector<1024x1xi32> to vector<1024x1024xi32>
    %lt3A_274 = vector.broadcast %iota3A_235 : vector<1x1024xi32> to vector<1024x1024xi32>
    %lt3A_275 = arith.cmpi slt, %lt3A_273, %lt3A_274 : vector<1024x1024xi32>
    %and3A_276 = arith.andi %eq3A_272, %lt3A_275 : vector<1024x1024xi1>
    %or3A_277 = arith.ori %lt3A_269, %and3A_276 : vector<1024x1024xi1>
    %and3A_278 = arith.andi %eq3A_266, %or3A_277 : vector<1024x1024xi1>
    %or3A_279 = arith.ori %gt3A_263, %and3A_278 : vector<1024x1024xi1>
    %jit3A_280 = arith.constant 1.000000e+00 : f32
    %jit3A_281 = arith.constant 0.000000e+00 : f32
    %broadcast_in_dim3A_282 = vector.broadcast %jit3A_280 : f32 to vector<1024x1024xf32>
    %broadcast_in_dim3A_283 = vector.broadcast %jit3A_281 : f32 to vector<1024x1024xf32>
    %select_n3A_284 = arith.select %or3A_279, %broadcast_in_dim3A_282, %broadcast_in_dim3A_283 : vector<1024x1024xi1>, vector<1024x1024xf32>
    %reduce_sum3A_285 = arith.constant dense<0.000000e+00> : vector<1024xf32>
    %reduce_sum3A_286 = vector.multi_reduction <add>, %select_n3A_284, %reduce_sum3A_285 [0] : vector<1024x1024xf32> to vector<1024xf32>
    %broadcast_in_dim3A_287 = vector.shape_cast %reduce_sum3A_286 : vector<1024xf32> to vector<1x1024xf32>
    %sub3A_288 = arith.subf %add3A_202, %add3A_200 : vector<1024x1xf32>
    %max3A = arith.constant 0.000000e+00 : f32
    %max3A_289 = vector.broadcast %max3A : f32 to vector<1024x1xf32>
    %max3A_290 = arith.maximumf %sub3A_288, %max3A_289 : vector<1024x1xf32>
    %sub3A_291 = arith.subf %add3A_203, %add3A_201 : vector<1024x1xf32>
    %max3A_292 = arith.constant 0.000000e+00 : f32
    %max3A_293 = vector.broadcast %max3A_292 : f32 to vector<1024x1xf32>
    %max3A_294 = arith.maximumf %sub3A_291, %max3A_293 : vector<1024x1xf32>
    %mul3A_295 = arith.mulf %max3A_290, %max3A_294 : vector<1024x1xf32>
    %sub3A_296 = arith.subf %add3A_206, %add3A_204 : vector<1x1024xf32>
    %max3A_297 = arith.constant 0.000000e+00 : f32
    %max3A_298 = vector.broadcast %max3A_297 : f32 to vector<1x1024xf32>
    %max3A_299 = arith.maximumf %sub3A_296, %max3A_298 : vector<1x1024xf32>
    %sub3A_300 = arith.subf %add3A_207, %add3A_205 : vector<1x1024xf32>
    %max3A_301 = arith.constant 0.000000e+00 : f32
    %max3A_302 = vector.broadcast %max3A_301 : f32 to vector<1x1024xf32>
    %max3A_303 = arith.maximumf %sub3A_300, %max3A_302 : vector<1x1024xf32>
    %mul3A_304 = arith.mulf %max3A_299, %max3A_303 : vector<1x1024xf32>
    %min3A = vector.broadcast %add3A_202 : vector<1024x1xf32> to vector<1024x1024xf32>
    %min3A_305 = vector.broadcast %add3A_206 : vector<1x1024xf32> to vector<1024x1024xf32>
    %min3A_306 = arith.minimumf %min3A, %min3A_305 : vector<1024x1024xf32>
    %max3A_307 = vector.broadcast %add3A_200 : vector<1024x1xf32> to vector<1024x1024xf32>
    %max3A_308 = vector.broadcast %add3A_204 : vector<1x1024xf32> to vector<1024x1024xf32>
    %max3A_309 = arith.maximumf %max3A_307, %max3A_308 : vector<1024x1024xf32>
    %sub3A_310 = arith.subf %min3A_306, %max3A_309 : vector<1024x1024xf32>
    %max3A_311 = arith.constant 0.000000e+00 : f32
    %max3A_312 = vector.broadcast %max3A_311 : f32 to vector<1024x1024xf32>
    %max3A_313 = arith.maximumf %sub3A_310, %max3A_312 : vector<1024x1024xf32>
    %min3A_314 = vector.broadcast %add3A_203 : vector<1024x1xf32> to vector<1024x1024xf32>
    %min3A_315 = vector.broadcast %add3A_207 : vector<1x1024xf32> to vector<1024x1024xf32>
    %min3A_316 = arith.minimumf %min3A_314, %min3A_315 : vector<1024x1024xf32>
    %max3A_317 = vector.broadcast %add3A_201 : vector<1024x1xf32> to vector<1024x1024xf32>
    %max3A_318 = vector.broadcast %add3A_205 : vector<1x1024xf32> to vector<1024x1024xf32>
    %max3A_319 = arith.maximumf %max3A_317, %max3A_318 : vector<1024x1024xf32>
    %sub3A_320 = arith.subf %min3A_316, %max3A_319 : vector<1024x1024xf32>
    %max3A_321 = arith.constant 0.000000e+00 : f32
    %max3A_322 = vector.broadcast %max3A_321 : f32 to vector<1024x1024xf32>
    %max3A_323 = arith.maximumf %sub3A_320, %max3A_322 : vector<1024x1024xf32>
    %mul3A_324 = arith.mulf %max3A_313, %max3A_323 : vector<1024x1024xf32>
    %add3A_325 = vector.broadcast %mul3A_295 : vector<1024x1xf32> to vector<1024x1024xf32>
    %add3A_326 = vector.broadcast %mul3A_304 : vector<1x1024xf32> to vector<1024x1024xf32>
    %add3A_327 = arith.addf %add3A_325, %add3A_326 : vector<1024x1024xf32>
    %sub3A_328 = arith.subf %add3A_327, %mul3A_324 : vector<1024x1024xf32>
    %max3A_329 = arith.constant 9.99999971E-10 : f32
    %max3A_330 = vector.broadcast %max3A_329 : f32 to vector<1024x1024xf32>
    %max3A_331 = arith.maximumf %sub3A_328, %max3A_330 : vector<1024x1024xf32>
    %div3A = arith.divf %mul3A_324, %max3A_331 : vector<1024x1024xf32>
    %gt3A_332 = arith.constant 0.699999988 : f32
    %gt3A_333 = vector.broadcast %gt3A_332 : f32 to vector<1024x1024xf32>
    %gt3A_334 = arith.cmpf ogt, %div3A, %gt3A_333 : vector<1024x1024xf32>
    %lt3A_335 = vector.broadcast %broadcast_in_dim3A_260 : vector<1024x1xf32> to vector<1024x1024xf32>
    %lt3A_336 = vector.broadcast %broadcast_in_dim3A_287 : vector<1x1024xf32> to vector<1024x1024xf32>
    %lt3A_337 = arith.cmpf olt, %lt3A_335, %lt3A_336 : vector<1024x1024xf32>
    %and3A_338 = arith.andi %gt3A_334, %lt3A_337 : vector<1024x1024xi1>
    %jit3A_339 = arith.constant 1.000000e+00 : f32
    %jit3A_340 = arith.constant 0.000000e+00 : f32
    %broadcast_in_dim3A_341 = vector.broadcast %jit3A_339 : f32 to vector<1024x1024xf32>
    %broadcast_in_dim3A_342 = vector.broadcast %jit3A_340 : f32 to vector<1024x1024xf32>
    %select_n3A_343 = arith.select %and3A_338, %broadcast_in_dim3A_341, %broadcast_in_dim3A_342 : vector<1024x1024xi1>, vector<1024x1024xf32>
    %gt3A_344 = arith.constant 0.000000e+00 : f32
    %gt3A_345 = vector.broadcast %gt3A_344 : f32 to vector<1024x1xf32>
    %gt3A_346 = arith.cmpf ogt, %dot_general3A_64, %gt3A_345 : vector<1024x1xf32>
    %gt3A_347 = arith.constant 0.000000e+00 : f32
    %gt3A_348 = vector.broadcast %gt3A_347 : f32 to vector<1x1024xf32>
    %gt3A_349 = arith.cmpf ogt, %dot_general3A_74, %gt3A_348 : vector<1x1024xf32>
    %jit3A_350 = arith.constant 1.000000e+00 : f32
    %jit3A_351 = arith.constant 0.000000e+00 : f32
    %broadcast_in_dim3A_352 = vector.broadcast %jit3A_350 : f32 to vector<1024x1xf32>
    %broadcast_in_dim3A_353 = vector.broadcast %jit3A_351 : f32 to vector<1024x1xf32>
    %select_n3A_354 = arith.select %gt3A_346, %broadcast_in_dim3A_352, %broadcast_in_dim3A_353 : vector<1024x1xi1>, vector<1024x1xf32>
    %jit3A_355 = arith.constant 1.000000e+00 : f32
    %jit3A_356 = arith.constant 0.000000e+00 : f32
    %broadcast_in_dim3A_357 = vector.broadcast %jit3A_355 : f32 to vector<1x1024xf32>
    %broadcast_in_dim3A_358 = vector.broadcast %jit3A_356 : f32 to vector<1x1024xf32>
    %select_n3A_359 = arith.select %gt3A_349, %broadcast_in_dim3A_357, %broadcast_in_dim3A_358 : vector<1x1024xi1>, vector<1x1024xf32>
    %while3A = arith.constant 1.000000e+00 : f32
    %while3A_360 = arith.constant 0.000000e+00 : f32
    %while3A_361 = arith.constant true
    %while3A_362:3 = scf.while (%while3A_478 = %select_n3A_354, %while3A_479 = %select_n3A_359, %while3A_480 = %while3A_361) : (vector<1024x1xf32>, vector<1x1024xf32>, i1) -> (vector<1024x1xf32>, vector<1x1024xf32>, i1) {
      scf.condition(%while3A_480) %while3A_478, %while3A_479, %while3A_480 : vector<1024x1xf32>, vector<1x1024xf32>, i1
    } do {
    ^bb0(%while3A_478: vector<1024x1xf32>, %while3A_479: vector<1x1024xf32>, %while3A_480: i1):
      %dot_general3A_481 = arith.constant dense<0.000000e+00> : vector<1x1024xf32>
      %dot_general3A_482 = tpu.matmul %while3A_479, %select_n3A_343, %dot_general3A_481 {dimension_numbers = #tpu.dot_dimension_numbers<[1], [0], [0], [1], [0, 0, 1, 1], [], []>, precision = #tpu.contract_precision<fp32>, transpose_lhs_hint = false} : vector<1x1024xf32>, vector<1024x1024xf32>, vector<1x1024xf32> -> vector<1x1024xf32>
      %dot_general3A_483 = arith.constant dense<0.000000e+00> : vector<1024x1xf32>
      %dot_general3A_484 = tpu.matmul %select_n3A_343, %while3A_478, %dot_general3A_483 {dimension_numbers = #tpu.dot_dimension_numbers<[0], [0], [1], [1], [0, 1, 1, 1], [], []>, precision = #tpu.contract_precision<fp32>, transpose_lhs_hint = false} : vector<1024x1024xf32>, vector<1024x1xf32>, vector<1024x1xf32> -> vector<1024x1xf32>
      %lt3A_485 = arith.constant 5.000000e-01 : f32
      %lt3A_486 = vector.broadcast %lt3A_485 : f32 to vector<1024x1xf32>
      %lt3A_487 = arith.cmpf olt, %dot_general3A_484, %lt3A_486 : vector<1024x1xf32>
      %and3A_488 = arith.andi %gt3A_346, %lt3A_487 : vector<1024x1xi1>
      %broadcast_in_dim3A_489 = vector.broadcast %while3A : f32 to vector<1024x1xf32>
      %broadcast_in_dim3A_490 = vector.broadcast %while3A_360 : f32 to vector<1024x1xf32>
      %select_n3A_491 = arith.select %and3A_488, %broadcast_in_dim3A_489, %broadcast_in_dim3A_490 : vector<1024x1xi1>, vector<1024x1xf32>
      %lt3A_492 = arith.constant 5.000000e-01 : f32
      %lt3A_493 = vector.broadcast %lt3A_492 : f32 to vector<1x1024xf32>
      %lt3A_494 = arith.cmpf olt, %dot_general3A_482, %lt3A_493 : vector<1x1024xf32>
      %and3A_495 = arith.andi %gt3A_349, %lt3A_494 : vector<1x1024xi1>
      %broadcast_in_dim3A_496 = vector.broadcast %while3A : f32 to vector<1x1024xf32>
      %broadcast_in_dim3A_497 = vector.broadcast %while3A_360 : f32 to vector<1x1024xf32>
      %select_n3A_498 = arith.select %and3A_495, %broadcast_in_dim3A_496, %broadcast_in_dim3A_497 : vector<1x1024xi1>, vector<1x1024xf32>
      %sub3A_499 = arith.subf %select_n3A_491, %while3A_478 : vector<1024x1xf32>
      %abs3A = math.absf %sub3A_499 : vector<1024x1xf32>
      %reduce_sum3A_500 = vector.shape_cast %abs3A : vector<1024x1xf32> to vector<1x1024x1xf32>
      %reduce_sum3A_501 = arith.constant dense<0.000000e+00> : vector<1xf32>
      %reduce_sum3A_502 = vector.multi_reduction <add>, %reduce_sum3A_500, %reduce_sum3A_501 [1, 2] : vector<1x1024x1xf32> to vector<1xf32>
      %reduce_sum3A_503 = vector.shape_cast %reduce_sum3A_502 : vector<1xf32> to vector<1x1x1xf32>
      %reduce_sum3A_504 = vector.extract %reduce_sum3A_503[0, 0, 0] : f32 from vector<1x1x1xf32>
      %gt3A_505 = arith.cmpf ogt, %reduce_sum3A_504, %while3A_360 : f32
      scf.yield %select_n3A_491, %select_n3A_498, %gt3A_505 : vector<1024x1xf32>, vector<1x1024xf32>, i1
    }
    %gt3A_363 = arith.constant 5.000000e-01 : f32
    %gt3A_364 = vector.broadcast %gt3A_363 : f32 to vector<1024x1xf32>
    %gt3A_365 = arith.cmpf ogt, %while3A_362#0, %gt3A_364 : vector<1024x1xf32>
    %jit3A_366 = arith.constant -1.000000e+00 : f32
    %broadcast_in_dim3A_367 = vector.broadcast %jit3A_366 : f32 to vector<1024x1xf32>
    %select_n3A_368 = arith.select %gt3A_365, %dot_general3A_64, %broadcast_in_dim3A_367 : vector<1024x1xi1>, vector<1024x1xf32>
    %gt3A_369 = arith.constant 5.000000e-01 : f32
    %gt3A_370 = vector.broadcast %gt3A_369 : f32 to vector<1x1024xf32>
    %gt3A_371 = arith.cmpf ogt, %while3A_362#1, %gt3A_370 : vector<1x1024xf32>
    %jit3A_372 = arith.constant -1.000000e+00 : f32
    %broadcast_in_dim3A_373 = vector.broadcast %jit3A_372 : f32 to vector<1x1024xf32>
    %select_n3A_374 = arith.select %gt3A_371, %dot_general3A_74, %broadcast_in_dim3A_373 : vector<1x1024xi1>, vector<1x1024xf32>
    %gt3A_375 = vector.broadcast %select_n3A_374 : vector<1x1024xf32> to vector<1024x1024xf32>
    %gt3A_376 = vector.broadcast %select_n3A_368 : vector<1024x1xf32> to vector<1024x1024xf32>
    %gt3A_377 = arith.cmpf ogt, %gt3A_375, %gt3A_376 : vector<1024x1024xf32>
    %eq3A_378 = vector.broadcast %select_n3A_374 : vector<1x1024xf32> to vector<1024x1024xf32>
    %eq3A_379 = vector.broadcast %select_n3A_368 : vector<1024x1xf32> to vector<1024x1024xf32>
    %eq3A_380 = arith.cmpf oeq, %eq3A_378, %eq3A_379 : vector<1024x1024xf32>
    %lt3A_381 = vector.broadcast %broadcast_in_dim3A_287 : vector<1x1024xf32> to vector<1024x1024xf32>
    %lt3A_382 = vector.broadcast %broadcast_in_dim3A_260 : vector<1024x1xf32> to vector<1024x1024xf32>
    %lt3A_383 = arith.cmpf olt, %lt3A_381, %lt3A_382 : vector<1024x1024xf32>
    %and3A_384 = arith.andi %eq3A_380, %lt3A_383 : vector<1024x1024xi1>
    %or3A_385 = arith.ori %gt3A_377, %and3A_384 : vector<1024x1024xi1>
    %jit3A_386 = arith.constant 1.000000e+00 : f32
    %jit3A_387 = arith.constant 0.000000e+00 : f32
    %broadcast_in_dim3A_388 = vector.broadcast %jit3A_386 : f32 to vector<1024x1024xf32>
    %broadcast_in_dim3A_389 = vector.broadcast %jit3A_387 : f32 to vector<1024x1024xf32>
    %select_n3A_390 = arith.select %or3A_385, %broadcast_in_dim3A_388, %broadcast_in_dim3A_389 : vector<1024x1024xi1>, vector<1024x1024xf32>
    %reduce_sum3A_391 = arith.constant dense<0.000000e+00> : vector<1024xf32>
    %reduce_sum3A_392 = vector.multi_reduction <add>, %select_n3A_390, %reduce_sum3A_391 [1] : vector<1024x1024xf32> to vector<1024xf32>
    %broadcast_in_dim3A_393 = vector.shape_cast %reduce_sum3A_392 : vector<1024xf32> to vector<1024x1xf32>
    %gt3A_394 = vector.broadcast %select_n3A_368 : vector<1024x1xf32> to vector<1024x1024xf32>
    %gt3A_395 = vector.broadcast %select_n3A_374 : vector<1x1024xf32> to vector<1024x1024xf32>
    %gt3A_396 = arith.cmpf ogt, %gt3A_394, %gt3A_395 : vector<1024x1024xf32>
    %eq3A_397 = vector.broadcast %select_n3A_368 : vector<1024x1xf32> to vector<1024x1024xf32>
    %eq3A_398 = vector.broadcast %select_n3A_374 : vector<1x1024xf32> to vector<1024x1024xf32>
    %eq3A_399 = arith.cmpf oeq, %eq3A_397, %eq3A_398 : vector<1024x1024xf32>
    %lt3A_400 = vector.broadcast %broadcast_in_dim3A_260 : vector<1024x1xf32> to vector<1024x1024xf32>
    %lt3A_401 = vector.broadcast %broadcast_in_dim3A_287 : vector<1x1024xf32> to vector<1024x1024xf32>
    %lt3A_402 = arith.cmpf olt, %lt3A_400, %lt3A_401 : vector<1024x1024xf32>
    %and3A_403 = arith.andi %eq3A_399, %lt3A_402 : vector<1024x1024xi1>
    %or3A_404 = arith.ori %gt3A_396, %and3A_403 : vector<1024x1024xi1>
    %jit3A_405 = arith.constant 1.000000e+00 : f32
    %jit3A_406 = arith.constant 0.000000e+00 : f32
    %broadcast_in_dim3A_407 = vector.broadcast %jit3A_405 : f32 to vector<1024x1024xf32>
    %broadcast_in_dim3A_408 = vector.broadcast %jit3A_406 : f32 to vector<1024x1024xf32>
    %select_n3A_409 = arith.select %or3A_404, %broadcast_in_dim3A_407, %broadcast_in_dim3A_408 : vector<1024x1024xi1>, vector<1024x1024xf32>
    %reduce_sum3A_410 = arith.constant dense<0.000000e+00> : vector<1024xf32>
    %reduce_sum3A_411 = vector.multi_reduction <add>, %select_n3A_409, %reduce_sum3A_410 [0] : vector<1024x1024xf32> to vector<1024xf32>
    %broadcast_in_dim3A_412 = vector.shape_cast %reduce_sum3A_411 : vector<1024xf32> to vector<1x1024xf32>
    %iota3A_413 = tpu.iota {dimensions = array<i32: 1>} : vector<1024x16xi32>
    %eq3A_414 = arith.constant 7 : i32
    %eq3A_415 = vector.broadcast %eq3A_414 : i32 to vector<1024x16xi32>
    %eq3A_416 = arith.cmpi eq, %iota3A_413, %eq3A_415 : vector<1024x16xi32>
    %broadcast_in_dim3A_417 = vector.shape_cast %select_n3A_368 : vector<1024x1xf32> to vector<1024x1xf32>
    %broadcast_in_dim3A_418 = vector.broadcast %broadcast_in_dim3A_417 : vector<1024x1xf32> to vector<1024x16xf32>
    %select_n3A_419 = arith.select %eq3A_416, %broadcast_in_dim3A_418, %add3A : vector<1024x16xi1>, vector<1024x16xf32>
    %iota3A_420 = tpu.iota {dimensions = array<i32: 0>} : vector<512x1024xi32>
    %convert_element_type3A = arith.sitofp %iota3A_420 : vector<512x1024xi32> to vector<512x1024xf32>
    %eq3A_421 = vector.broadcast %broadcast_in_dim3A_412 : vector<1x1024xf32> to vector<512x1024xf32>
    %eq3A_422 = arith.cmpf oeq, %convert_element_type3A, %eq3A_421 : vector<512x1024xf32>
    %jit3A_423 = arith.constant 1.000000e+00 : f32
    %jit3A_424 = arith.constant 0.000000e+00 : f32
    %broadcast_in_dim3A_425 = vector.broadcast %jit3A_423 : f32 to vector<512x1024xf32>
    %broadcast_in_dim3A_426 = vector.broadcast %jit3A_424 : f32 to vector<512x1024xf32>
    %select_n3A_427 = arith.select %eq3A_422, %broadcast_in_dim3A_425, %broadcast_in_dim3A_426 : vector<512x1024xi1>, vector<512x1024xf32>
    %dot_general3A_428 = arith.constant dense<0.000000e+00> : vector<512x16xf32>
    %dot_general3A_429 = tpu.matmul %select_n3A_427, %select_n3A_419, %dot_general3A_428 {dimension_numbers = #tpu.dot_dimension_numbers<[1], [0], [0], [1], [0, 0, 1, 1], [], []>, precision = #tpu.contract_precision<fp32>, transpose_lhs_hint = false} : vector<512x1024xf32>, vector<1024x16xf32>, vector<512x16xf32> -> vector<512x16xf32>
    %slice3A = vector.extract_strided_slice %dot_general3A_429 {offsets = [0, 7], sizes = [512, 1], strides = [1, 1]} : vector<512x16xf32> to vector<512x1xf32>
    %gt3A_430 = arith.constant 0.000000e+00 : f32
    %gt3A_431 = vector.broadcast %gt3A_430 : f32 to vector<512x1xf32>
    %gt3A_432 = arith.cmpf ogt, %slice3A, %gt3A_431 : vector<512x1xf32>
    %jit3A_433 = arith.constant 0.000000e+00 : f32
    %broadcast_in_dim3A_434 = vector.shape_cast %gt3A_432 : vector<512x1xi1> to vector<512x1xi1>
    %broadcast_in_dim3A_435 = vector.broadcast %broadcast_in_dim3A_434 : vector<512x1xi1> to vector<512x16xi1>
    %broadcast_in_dim3A_436 = vector.broadcast %jit3A_433 : f32 to vector<512x16xf32>
    %select_n3A_437 = arith.select %broadcast_in_dim3A_435, %dot_general3A_429, %broadcast_in_dim3A_436 : vector<512x16xi1>, vector<512x16xf32>
    %iota3A_438 = tpu.iota {dimensions = array<i32: 1>} : vector<512x16xi32>
    %eq3A_439 = arith.constant 5 : i32
    %eq3A_440 = vector.broadcast %eq3A_439 : i32 to vector<512x16xi32>
    %eq3A_441 = arith.cmpi eq, %iota3A_438, %eq3A_440 : vector<512x16xi32>
    %not3A = arith.constant dense<true> : vector<512x1xi1>
    %not3A_442 = arith.xori %gt3A_432, %not3A : vector<512x1xi1>
    %and3A_443 = vector.broadcast %not3A_442 : vector<512x1xi1> to vector<512x16xi1>
    %and3A_444 = arith.andi %eq3A_441, %and3A_443 : vector<512x16xi1>
    %jit3A_445 = arith.constant -1.000000e+00 : f32
    %broadcast_in_dim3A_446 = vector.broadcast %jit3A_445 : f32 to vector<512x16xf32>
    %select_n3A_447 = arith.select %and3A_444, %broadcast_in_dim3A_446, %select_n3A_437 : vector<512x16xi1>, vector<512x16xf32>
    %swap3A = arith.constant 0 : index
    %swap3A_448 = arith.constant 0 : index
    %swap3A_449 = vector.load %arg3[%swap3A, %swap3A_448] : memref<512x16xf32, #tpu.memory_space<vmem>>, vector<512x16xf32>
    tpu.vector_store %arg3[%swap3A, %swap3A_448], %select_n3A_447 {strides = array<i32>} : memref<512x16xf32, #tpu.memory_space<vmem>>, vector<512x16xf32>,
    %lt3A_450 = arith.constant 3.000000e+02 : f32
    %lt3A_451 = vector.broadcast %lt3A_450 : f32 to vector<1024x1xf32>
    %lt3A_452 = arith.cmpf olt, %broadcast_in_dim3A_393, %lt3A_451 : vector<1024x1xf32>
    %gt3A_453 = arith.constant 0.000000e+00 : f32
    %gt3A_454 = vector.broadcast %gt3A_453 : f32 to vector<1024x1xf32>
    %gt3A_455 = arith.cmpf ogt, %select_n3A_368, %gt3A_454 : vector<1024x1xf32>
    %and3A_456 = arith.andi %lt3A_452, %gt3A_455 : vector<1024x1xi1>
    %jit3A_457 = arith.constant 1 : i32
    %jit3A_458 = arith.constant 0 : i32
    %broadcast_in_dim3A_459 = vector.broadcast %jit3A_457 : i32 to vector<1024x1xi32>
    %broadcast_in_dim3A_460 = vector.broadcast %jit3A_458 : i32 to vector<1024x1xi32>
    %select_n3A_461 = arith.select %and3A_456, %broadcast_in_dim3A_459, %broadcast_in_dim3A_460 : vector<1024x1xi1>, vector<1024x1xi32>
    %reduce_sum3A_462 = vector.shape_cast %select_n3A_461 : vector<1024x1xi32> to vector<1x1024x1xi32>
    %reduce_sum3A_463 = arith.constant dense<0> : vector<1xi32>
    %reduce_sum3A_464 = vector.multi_reduction <add>, %reduce_sum3A_462, %reduce_sum3A_463 [1, 2] : vector<1x1024x1xi32> to vector<1xi32>
    %reduce_sum3A_465 = vector.shape_cast %reduce_sum3A_464 : vector<1xi32> to vector<1x1x1xi32>
    %reduce_sum3A_466 = vector.extract %reduce_sum3A_465[0, 0, 0] : i32 from vector<1x1x1xi32>
    %iota3A_467 = tpu.iota {dimensions = array<i32: 1>} : vector<8x128xi32>
    %eq3A_468 = arith.constant 0 : i32
    %eq3A_469 = vector.broadcast %eq3A_468 : i32 to vector<8x128xi32>
    %eq3A_470 = arith.cmpi eq, %iota3A_467, %eq3A_469 : vector<8x128xi32>
    %jit3A_471 = arith.constant 0 : i32
    %broadcast_in_dim3A_472 = vector.broadcast %reduce_sum3A_466 : i32 to vector<8x128xi32>
    %broadcast_in_dim3A_473 = vector.broadcast %jit3A_471 : i32 to vector<8x128xi32>
    %select_n3A_474 = arith.select %eq3A_470, %broadcast_in_dim3A_472, %broadcast_in_dim3A_473 : vector<8x128xi1>, vector<8x128xi32>
    %swap3A_475 = arith.constant 0 : index
    %swap3A_476 = arith.constant 0 : index
    %swap3A_477 = vector.load %arg4[%swap3A_475, %swap3A_476] : memref<8x128xi32, #tpu.memory_space<vmem>>, vector<8x128xi32>
    tpu.vector_store %arg4[%swap3A_475, %swap3A_476], %select_n3A_474 {strides = array<i32>} : memref<8x128xi32, #tpu.memory_space<vmem>>, vector<8x128xi32>,
    return
  }
}

</mosaic_0001>

<sc_bundles>
// kernel: kernel.5.cloned.1.call-start
scs
__scs_entry_jumppad:
0x0: {  	(pc) =	sbr.rel $0x88, $3  }
0x1: {  	(tag) =	ssettag $0x0;
	lr =	simm.s32 $0x1  }
0x2: {  	[smem:$0x3F9F] =	sst lr;
	_ =	strace $0xD0000000  }
0x3: {  	_ = 	snop  }
0x4: {  	_ = 	snop  }
0x5: {  	_ = 	snop  }
0x6: {  	_ = 	snop  }
0x7: {  	_ = 	snop  }
__scs_overlays_trampoline_lowered:
0x8: {  	[smem:$0x3FAE] =	sst s0  }
0x9: {  	[smem:$0x3FAF] =	sst s1  }
0xa: {  	[smem:$0x3FB0] =	sst s2  }
0xb: {  	[smem:$0x3FB1] =	sst s3  }
0xc: {  	[smem:$0x3FB2] =	sst s4  }
0xd: {  	[smem:$0x3FB3] =	sst s5  }
0xe: {  	[smem:$0x3FB4] =	sst s6  }
0xf: {  	[smem:$0x3FB5] =	sst s7  }
0x10: {  	[smem:$0x3FB6] =	sst s8  }
0x11: {  	[smem:$0x3FB7] =	sst s9;
	s0 =	simm.s32 @!p0 $0x0  }
0x12: {  	s1 =	sld [smem:$0x3F9D];
	s0 =	simm.s32 @p0 $0x1  }
0x13: {  	[smem:$0x3FB8] =	sst s0;
	s0 =	simm.s32 @!p1 $0x0  }
0x14: {  	s2 =	sld [smem:$0x3F9C];
	s0 =	simm.s32 @p1 $0x1  }
0x15: {  	[smem:$0x3FB9] =	sst s0;
	s0 =	simm.s32 @!p2 $0x0  }
0x16: {  	s3 =	sld [smem:$0x3FDB];
	s0 =	simm.s32 @p2 $0x1  }
0x17: {  	s4 =	simm.s32 $0x1BF5;
	[smem:$0x3FBB] =	sst s0  }
0x18: {  	s0 =	sld [smem:$0x3F9E];
	_ =	swait.ge [sflag:s4], $0x0  }
0x19: {  	s7 =	sld [smem:$0x3F9F]  }
0x1a: {  	s8 =	sadd.s32 $0xFFFFE003, lr  }
0x1b: {  	s9 =	sadd.s32 $0xFFFFFEF7, lr;
	s5 =	simm.s32 $0xFFFFFFFF;
	p2 =	slt.u32 s8, $0xFFFFF086  }
0x1c: {  	p1 =	slt.u32 s9, $0xF7A;
	s5 =	simm.s32 @!p2 $0x0  }
0x1d: {  	s5 =	simm.s32 @p1 $0x1;
	p0 =	seq.s32 s7, s2  }
0x1e: {  	s7 =	smul.u32 @!p0 $0xF7A, s2;
	p2 =	seq.s32 @!p0 s5, $0x0  }
0x1f: {  	s9 =	smul.u32 $0xF7A, s1;
	s8 =	simm.s32 @!p0 $0x1BF5;
	p2 =	por !p2, p0  }
0x20: {  	[sflag:s8] =	ssyncset.s32 @!p0 $0xFFFFF086;
	s6 =	sadd.s32 @!p0 s3, s7;
	s7 =	simm.s32 @!p0 $0x108  }
0x21: {  	s3 =	sadd.s32 s3, s9;
	s6 =	sadd.s32 @!p0 $0x88, s6;
	s7 =	simm.s32 @p2 $0x1082  }
0x22: {  	[simem:s7], [sflag:s8] =	dma.local @!p0 [hbm:s6], $0xF7A  }
0x23: {  	s9 =	sor.u32 $0xD0000000, s2;
	s6 =	simm.s32 $0x108;
	_ =	swait.ge @!p0 [sflag:s8], $0x0  }
0x24: {  	s3 =	sadd.s32 $0x88, s3;
	s6 =	simm.s32 @!p1 $0x1082;
	[sflag:s4] =	ssyncset.s32 $0xFFFFF086  }
0x25: {  	[simem:s6], [sflag:s4] =	dma.local [hbm:s3], $0xF7A  }
0x26: {  	[smem:$0x3F9F] =	sst s1;
	(tag) =	ssettag s2;
	_ =	strace s9  }
0x27: {  	s1 =	sld [smem:$0x3FAF]  }
0x28: {  	s2 =	sld [smem:$0x3FB0]  }
0x29: {  	s4 =	sld [smem:$0x3FB2]  }
0x2a: {  	p0 =	seq.s32 s5, $0x0;
	s5 =	sld [smem:$0x3FB3]  }
0x2b: {  	s6 =	sld [smem:$0x3FB4]  }
0x2c: {  	s7 =	sld [smem:$0x3FB5]  }
0x2d: {  	s3 =	simm.s32 $0x108;
	s8 =	sld [smem:$0x3FB6]  }
0x2e: {  	s3 =	simm.s32 @!p0 $0x1082;
	s9 =	sld [smem:$0x3FB7]  }
0x2f: {  	lr =	sadd.s32 s0, s3;
	s0 =	sld [smem:$0x3FAE]  }
0x30: {  	s3 =	sld [smem:$0x3FB1]  }
0x31: {  	[smem:$0x3FBA] =	sst s10  }
0x32: {  	s10 =	sld [smem:$0x3FB8];
	_ =	sdelay $0x3  }
0x33: {  	p0 =	seq.s32 s10, $0x1;
	s10 =	sld [smem:$0x3FBA];
	_ =	sdelay $0x3  }
0x34: {  	[smem:$0x3FBA] =	sst s10  }
0x35: {  	s10 =	sld [smem:$0x3FB9];
	_ =	sdelay $0x3  }
0x36: {  	p1 =	seq.s32 s10, $0x1;
	s10 =	sld [smem:$0x3FBA];
	_ =	sdelay $0x3  }
0x37: {  	[smem:$0x3FBA] =	sst s10  }
0x38: {  	s10 =	sld [smem:$0x3FBB]  }
0x39: {  	_ = 	snop;
	(pc) =	sbr.ind lr, $3  }
0x3a: {  	_ = 	snop  }
0x3b: {  	_ = 	snop  }
0x3c: {  	p2 =	seq.s32 s10, $0x1;
	s10 =	sld [smem:$0x3FBA]  }
0x3d: {  	_ =	shalt  }
0x3e: {  	_ =	shalt  }
0x3f: {  	_ =	shalt  }
0x40: {  	_ =	shalt  }
0x41: {  	_ =	shalt  }
0x42: {  	_ =	shalt  }
0x43: {  	_ =	shalt  }
0x44: {  	_ =	shalt  }
0x45: {  	_ =	shalt  }
0x46: {  	_ =	shalt  }
0x47: {  	_ =	shalt  }
0x48: {  	_ =	shalt  }
0x49: {  	_ =	shalt  }
0x4a: {  	_ =	shalt  }
0x4b: {  	_ =	shalt  }
0x4c: {  	_ =	shalt  }
0x4d: {  	_ =	shalt  }
0x4e: {  	_ =	shalt  }
0x4f: {  	_ =	shalt  }
0x50: {  	_ =	shalt  }
0x51: {  	_ =	shalt  }
0x52: {  	_ =	shalt  }
0x53: {  	_ =	shalt  }
0x54: {  	_ =	shalt  }
0x55: {  	_ =	shalt  }
0x56: {  	_ =	shalt  }
0x57: {  	_ =	shalt  }
0x58: {  	_ =	shalt  }
0x59: {  	_ =	shalt  }
0x5a: {  	_ =	shalt  }
0x5b: {  	_ =	shalt  }
0x5c: {  	_ =	shalt  }
0x5d: {  	_ =	shalt  }
0x5e: {  	_ =	shalt  }
0x5f: {  	_ =	shalt  }
0x60: {  	_ =	shalt  }
0x61: {  	_ =	shalt  }
0x62: {  	_ =	shalt  }
0x63: {  	_ =	shalt  }
0x64: {  	_ =	shalt  }
0x65: {  	_ =	shalt  }
0x66: {  	_ =	shalt  }
0x67: {  	_ =	shalt  }
0x68: {  	_ =	shalt  }
0x69: {  	_ =	shalt  }
0x6a: {  	_ =	shalt  }
0x6b: {  	_ =	shalt  }
0x6c: {  	_ =	shalt  }
0x6d: {  	_ =	shalt  }
0x6e: {  	_ =	shalt  }
0x6f: {  	_ =	shalt  }
0x70: {  	_ =	shalt  }
0x71: {  	_ =	shalt  }
0x72: {  	_ =	shalt  }
0x73: {  	_ =	shalt  }
0x74: {  	_ =	shalt  }
0x75: {  	_ =	shalt  }
0x76: {  	_ =	shalt  }
0x77: {  	_ =	shalt  }
0x78: {  	_ =	shalt  }
0x79: {  	_ =	shalt  }
0x7a: {  	_ =	shalt  }
0x7b: {  	_ =	shalt  }
0x7c: {  	_ =	shalt  }
0x7d: {  	_ =	shalt  }
0x7e: {  	_ =	shalt  }
0x7f: {  	_ =	shalt  }
0x80: {  	_ =	shalt  }
0x81: {  	_ =	shalt  }
0x82: {  	_ =	shalt  }
0x83: {  	_ =	shalt  }
0x84: {  	_ =	shalt  }
0x85: {  	_ =	shalt  }
0x86: {  	_ =	shalt  }
0x87: {  	_ =	shalt  }
.Lfunc_end0:
.L_simem_size_0:
called_computation_lowered:
.L_overlay_start_0:
0x88: {  	s2 =	sld [smem:$0x3FD9]  }
0x89: {  	s3 =	sld [smem:$0x3FFE];
	_ =	sdelay $0x1  }
0x8a: {  	s1 =	srdreg.scid  }
0x8b: {  	s0 =	sand.u32 $0x1, s1  }
0x8c: {  	s14 =	sshll.u32 s0, $0xA;
	s2 =	sadd.s32 s3, s2  }
0x8d: {  	s2 =	sadd.s32 s2, s14  }
0x8e: {  	[smem:$0x3FC6] =	sst s2  }
0x8f: {  	_ = 	snop  }
0x90: {  	s2 =	sld [smem:$0x3FD0];
	_ =	sdelay $0x2  }
0x91: {  	s15 =	simm.s32 $0xA;
	s4 =	simm.s32 $0x10  }
0x92: {  	[smem:s4], [sflag:s15] =	dma.local [hbm:s2], $0x1  }
0x93: {  	_ =	swait.eq [sflag:s15], $0x1  }
0x94: {  	[sflag:s15] =	ssyncset.done $0x0  }
0x95: {  	[sflag:s15] =	ssyncadd.s32 $0xFFFFFFFF  }
0x96: {  	s16 =	sld [smem:$0x10];
	(tm) =	ssettm $0x1  }
0x97: {  	s17 =	sld [smem:$0x3FFB];
	_ =	sdelay $0x3  }
0x98: {  	_ =	strace s17  }
0x99: {  	s3 =	sld [smem:$0x3FFC];
	_ =	sdelay $0x3  }
0x9a: {  	_ =	strace s3  }
0x9b: {  	s3 =	sld [smem:$0x3FFD];
	_ =	sdelay $0x3  }
0x9c: {  	_ =	strace s3  }
0x9d: {  	_ =	strace $0x8FFFFFFF  }
0x9e: {  	s18 =	sld [smem:$0x3FDB];
	_ =	sdelay $0x1  }
0x9f: {  	s19 =	simm.s32 $_scs_section_size  }
0xa0: {  	s5 =	simm.s32 $_size__tile_overlayer_lowered;
	s6 =	simm.s32 $_tile_overlayer_lowered  }
0xa1: {  	s22 =	simm.s32 $0x1BFF;
	s21 =	sshll.u32 s6, $0x1;
	s3 =	sadd.s32 s19, s18  }
0xa2: {  	s7 =	simm.s32 $0x0;
	s20 =	sshll.u32 s5, $0x1;
	s5 =	sadd.s32 s21, s3  }
0xa3: {  	[timem:s7], [sflag:s22] =	dma.local [hbm:s5], s20  }
0xa4: {  	_ =	swait.ge [sflag:s22], s20  }
0xa5: {  	s4 =	ssub.s32 $0x0, s20;
	[sflag:s22] =	ssyncset.done $0x0  }
0xa6: {  	[sflag:s22] =	ssyncadd.s32 s4;
	_ =	sdelay $0x1  }
0xa7: {  	s23 =	simm.s32 $0x1B8B  }
0xa8: {  	_ =	swait.ge [sflag:s23], $0x1  }
0xa9: {  	[sflag:s23] =	ssyncset.done $0x0  }
0xaa: {  	s25 =	simm.s32 $0x1B8E;
	s24 =	sld [smem:$0x3FFE];
	[sflag:s23] =	ssyncadd.s32 $0xFFFFFFFF  }
0xab: {  	s26 =	simm.s32 $execute0_lowered;
	[smem:$0x3FD2] =	sst s25  }
0xac: {  	s5 =	sshll.u32 s26, $0x1;
	_ =	strace $0x80000046;
	[dreg:$0x1] =	wrdreg $0xFFFFFFFF  }
0xad: {  	s28 =	simm.s32 $_size_execute0_lowered;
	s3 =	sadd.s32 s3, s5;
	[dreg:$0x0] =	wrdreg $0x0  }
0xae: {  	s5 =	sshll.u32 s28, $0x1;
	[dreg:$0x2] =	wrdreg s3  }
0xaf: {  	[dreg:$0x3] =	wrdreg s5  }
0xb0: {  	[dreg:$0x4] =	wrdreg $0xC0  }
0xb1: {  	_ =	task [dreg:s7], $0x5FFFF  }
0xb2: {  	[dreg:$0x1] =	wrdreg $0xFFFFFFFF  }
0xb3: {  	[dreg:$0x0] =	wrdreg $0x60  }
0xb4: {  	[dreg:$0x2] =	wrdreg s24  }
0xb5: {  	[dreg:$0x3] =	wrdreg s16  }
0xb6: {  	[dreg:$0x4] =	wrdreg $0x9  }
0xb7: {  	_ =	task.clear_ibuf [dreg:s7], $0x5FFFF;
	_ =	strace $0x90000046  }
0xb8: {  	s29 =	simm.s32 $0x9;
	_ =	strace $0x80000048  }
0xb9: {  	_ =	swait.ge [sflag:s29], $0x1  }
0xba: {  	[sflag:s29] =	ssyncadd.s32 $0xFFFFFFFF  }
0xbb: {  	_ =	strace $0x90000048  }
0xbc: {  	_ =	sfence  }
0xbd: {  	s30 =	sld [smem:$0x0];
	_ =	sdelay $0x2  }
0xbe: {  	s31 =	sshll.u32 s1, $0xD;
	s1 =	sshrl.u32 s1, $0x2  }
0xbf: {  	s3 =	sand.u32 $0x4000, s31;
	s1 =	sadd.s32 s1, s30  }
0xc0: {  	s0 =	sor.u32 s3, s0;
	s1 =	sshll.u32 s1, $0x11  }
0xc1: {  	s0 =	sor.u32 s1, s0  }
0xc2: {  	s0 =	sadd.s32 $0x8F2B, s0  }
0xc3: {  	[sflag:s0] =	ssyncadd.remote.s32 $0x1  }
0xc4: {  	_ =	sfence.sel $0xFFFF  }
0xc5: {  	[dreg:$0x0] =	wrdreg $0xFFFFFFFF;
	(pc) =	sbr.abs _section_cstart, $3  }
0xc6: {  	[dreg:$0x1] =	wrdreg $0xFFFFFFFF  }
0xc7: {  	_ =	task.clear_ibuf [dreg:s7], $0x2FFFF;
	_ =	strace $0x9FFFFFFF  }
0xc8: {  	(tm) =	ssettm $0x7FFFFFFF  }
0xc9: {  	_ =	shalt  }
tec
execute0_lowered:
.L_overlay_start_1:
0x0: {  	(tag) =	ssettag $0x1  }
0x1: {  	s0 =	srdreg.scid;
	s5 =	stileid.u32  }
0x2: {  	s2 =	rddreg [dreg:$0x0];
	s3 =	simm.s32 $0x0;
	s10 =	simm.s32 $0x1  }
0x3: {  	v4 =	vimm.s32 $0xECA86420;
	s9 =	simm.s32 $0x8B80;
	s11 =	simm.s32 $0x8F80;
	s0 =	sand.u32 $0x1, s0  }
0x4: {  	vm0 =	vmmov $0x1;
	v5 =	vimm.s32 $0x0;
	vm2 =	vcmask $0xB08;
	s1 =	sshll.u32 s5, $0x1;
	[smem:$0x7FF] =	sst s3;
	s4 =	sadd.s32 $0xCC00, s2  }
0x5: {  	vm3 =	vcmask $0x1310;
	vm4 =	vcmask $0x1B18;
	vm5 =	vcmask $0x300;
	s7 =	smul.u32 $0x6200, s5;
	s5 =	sadd.s32 $0xD600, s2;
	s6 =	sadd.s32 $0xE600, s2  }
0x6: {  	vm6 =	vcmask $0x2320;
	vm7 =	vcmask $0x2B28;
	vm8 =	vcmask $0x3330;
	s1 =	sor.u32 s0, s1;
	s29 =	ssub.s32 $0x2, s0;
	s0 =	smul.u32 $0x3100, s0  }
0x7: {  	vm9 =	vcmask $0x3B38;
	vm10 =	vmmov $0xff;
	_ =	strace $0x80000047;
	[dreg:$0x3] =	wrdreg s4;
	v0 =	vmov s1;
	s1 =	smul.u32 $0x3100, s1  }
.Ltmp0:
0x8: {  	vm13 =	vcmask $0x1714;
	vm15 =	vcmask $0x1F1C;
	v5 =	vsel vm0, $0xFFFFFFFF, v5;
	s4 =	simm.s32 $0x8380;
	s8 =	sshrl.u32 s29, $0x1;
	(pc) =	sbr.rel .LBB2_1-.Ltmp0, $4  }
0x9: {  	v6 =	vunpack.c.l.s4.s8 v4;
	v4 =	vlaneseq.u32;
	v3 =	vbroadcast v0, $0x0;
	s30 =	ssub.s32 s29, s8;
	s0 =	sadd.s32 s0, s7;
	s1 =	sshrl.u32 s1, $0x3  }
0xa: {  	vm1 =	vcmask $0x2F2C;
	[tilespmem:$0x1FFF0] =	vst v5;
	v5 =	vimm.s32 $0x0;
	v7 =	vmul.u32 $0x2, v4;
	s31 =	smax.u32 s30, $0x1;
	[dreg:$0x6] =	wrdreg s0;
	s1 =	sadd.s32 s1, s2  }
0xb: {  	v8 =	vmul.u32 $0x10, v4;
	v6 =	vunpack.c.0.s8.s32 v6;
	s8 =	simm.s32 $0x3100;
	v0 =	vor.u32 $0x80, v3;
	[dreg:$0x5] =	wrdreg s31;
	s1 =	sadd.s32 $0x800, s1  }
0xc: {  	s7 =	simm.s32 $0x8780;
	v1 =	vor.u32 $0x100, v3;
	v2 =	vor.u32 $0x180, v3;
	v3 =	vor.u32 $0x200, v3;
	s2 =	simm.s32 $0x0;
	[dreg:$0x4] =	wrdreg s1  }
.LBB2_24:
0xd: {  	[sflag:s10] =	ssyncset.done $0x0  }
0xe: {  	s2 =	rddreg [dreg:$0x7];
	[sflag:s10] =	ssyncadd.s32 $0xFFFFFFF0  }
.LBB2_25:
0xf: {  	s2 =	sadd.s32 $0x1, s2;
	s0 =	rddreg [dreg:$0x5]  }
0x10: {  	p0 =	sne.s32 s2, s0  }
.Ltmp1:
0x11: {  	_ = 	snop;
	(pc) =	sbr.rel @!p0 .LBB2_26-.Ltmp1, $2  }
0x12: {  	_ =	sdelay $0x2  }
0x13: {  	s4 =	simm.s32 $0x8380;
	s7 =	simm.s32 $0x8780  }
.LBB2_1:
0x14: {  	[dreg:$0x7] =	wrdreg s2  }
0x15: {  	s0 =	rddreg [dreg:$0x4]  }
0x16: {  	[tilespmem:s3], [sflag:$0x1] =	stream.linear.gather [hbm4b:s0+s3], $0x3100, $0x38;
	[tilespmem:$0x11380] =	vst v63  }
0x17: {  	_ =	swait.ge [sflag:s10], $0x3100  }
0x18: {  	[sflag:s10] =	ssyncset.done $0x0  }
0x19: {  	s25 =	rddreg [dreg:$0x3];
	[sflag:s10] =	ssyncadd.s32 $0xFFFFCF00  }
0x1a: {  	[tilespmem:s8], [sflag:$0x1] =	stream.linear.gather [hbm4b:s25+s3], $0x4E80, $0x38;
	[tilespmem:$0x11380] =	vst v63  }
0x1b: {  	_ =	swait.ge [sflag:s10], $0x4E80  }
0x1c: {  	[sflag:s10] =	ssyncset.done $0x0  }
0x1d: {  	[sflag:s10] =	ssyncadd.s32 $0xFFFFB180  }
0x1e: {  	s1 =	simm.s32 $0x7F80;
	s26 =	rddreg [dreg:$0x1]  }
0x1f: {  	[tilespmem:s1], [sflag:$0x1] =	stream.linear.gather [hbm4b:s26+s3], $0x400, $0x38;
	[tilespmem:$0x11380] =	vst v63  }
0x20: {  	_ =	swait.ge [sflag:s10], $0x400  }
0x21: {  	[sflag:s10] =	ssyncset.done $0x0  }
0x22: {  	v12 =	vld [tilespmem:$0x1FFF0];
	[sflag:s10] =	ssyncadd.s32 $0xFFFFFC00  }
0x23: {  	v9 =	vld [tilespmem:$0x7F80];
	_ =	sdelay $0x1  }
0x24: {  	v10 =	vld.idx.msk [tilespmem:v2+s1+$0x0], $0xffff  }
0x25: {  	v11 =	vld.idx.msk [tilespmem:v3+s1+$0x0], $0xffff  }
0x26: {  	vm11 =	vnez.u8 v12  }
0x27: {  	vm12 =	vcmask $0x70C;
	v12 =	vnsel vm11, $0x0, v9  }
0x28: {  	v9 =	vsel vm12, $0x0, v9;
	(xrf0) =	vadd.scan.msk.s32 $0xffff, v12  }
0x29: {  	(xrf0) =	vadd.scan.msk.s32 $0xffff, v9;
	v9 =	vnsel vm11, $0x0, v10  }
0x2a: {  	(xrf0) =	vadd.scan.msk.s32 $0xffff, v9;
	v9 =	vnsel vm11, $0x0, v11  }
0x2b: {  	(xrf0) =	vadd.scan.msk.s32 $0xffff, v9;
	_ =	sdelay $0x2  }
0x2c: {  	v9, _, _ =	vpop (xrf0)  }
0x2d: {  	v10, _, _ =	vpop (xrf0)  }
0x2e: {  	(v2sf) =	vpush v10, $0xF;
	v10, _, _ =	vpop (xrf0)  }
0x2f: {  	(v2sf) =	vpush v10, $0xF;
	v10, _, _ =	vpop (xrf0)  }
0x30: {  	(v2sf) =	vpush v10, $0xF  }
0x31: {  	s28 =	simm.s32 $0x0  }
0x32: {  	v10 =	vld [tilespmem:s28+$0x0];
	_ =	sdelay $0x4  }
0x33: {  	vm11 =	vgt.f32 v10, $1.000000050e-03  }
0x34: {  	v13 =	vnsel vm11, $0xBF800000, v10  }
0x35: {  	v11 =	vsub.s32 $0x80000000, v13;
	vm11 =	vlt.s32 v13, $0x0  }
0x36: {  	v9 =	vbroadcast v9, $0xF;
	v11 =	vsel vm11, v11, v13;
	vm11 =	veq.f32 v10, $-Inf  }
0x37: {  	v10 =	vsel vm11, $0x80000000, v11  }
0x38: {  	vm11 =	veq.s32 v10, v9  }
0x39: {  	vm12 =	vgt.s32 v10, v9;
	v10 =	vsel vm11, $0x1, v5;
	s29 =	spop (v2sf)  }
0x3a: {  	v11 =	vsel vm12, $0x1, v5;
	(xrf0) =	vadd.scan.msk.s32 $0xffff, v10;
	s12 =	spop (v2sf)  }
0x3b: {  	(xrf0) =	vadd.scan.msk.s32 $0xffff, v11;
	s30 =	spop (v2sf)  }
0x3c: {  	s0 =	ssub.s32 s29, s30  }
0x3d: {  	v10 =	vsel vm11, $0xFFFFFFFF, v5;
	p0 =	sgt.s32 s0, $0x0  }
0x3e: {  	v12 =	vadd.s32 v10, v5;
	s0 =	simm.s32 @!p0 $0x0  }
0x3f: {  	p0 =	slt.s32 s12, s0  }
0x40: {  	v11 =	vsel vm12, $0xFFFFFFFF, v5;
	v14, _, _ =	vpop (xrf0);
	s0 =	smov.u32 @p0 s12  }
0x41: {  	v11 =	vadd.s32 v11, v5;
	v14 =	vadd.s32 v14, v12;
	v12, _, _ =	vpop (xrf0);
	v10 =	vmov s0  }
0x42: {  	vm14 =	vmmov vm13;
	v15 =	vadd.s32 v12, v11;
	vm13 =	vlt.s32 v14, v10  }
0x43: {  	vm13 =	vmand vm11, vm13;
	_ =	sdelay $0x1  }
0x44: {  	s25 =	rddreg [dreg:$0x6]  }
0x45: {  	v16 =	vor.u32 s25, v4;
	v12 =	vld.idx.msk [tilespmem:v0+s1+$0x0], $0xffff  }
0x46: {  	v11 =	vld.idx.msk [tilespmem:v1+s1+$0x0], $0xffff;
	[tilespmem:v15+s4+$0x0] =	vst.idx.msk vm12, v16  }
0x47: {  	v17 =	vmpcnt.ones.xlane vm11;
	v18 =	vmpcnt.ones.xlane vm12;
	[dreg:$0x8] =	wrdreg s29;
	[tilespmem:v15+s7+$0x0] =	vst.idx.msk vm12, v13  }
0x48: {  	[dreg:$0xb] =	wrdreg s12;
	[tilespmem:v14+s9+$0x0] =	vst.idx.msk vm13, v16  }
0x49: {  	s31 =	simm.s32 $0x10;
	[dreg:$0xa] =	wrdreg s30;
	v15 =	vadd.s32 v5, v17;
	v16 =	vadd.s32 v5, v18;
	[tilespmem:v14+s11+$0x0] =	vst.idx.msk vm13, v13  }
0x4a: {  	vm0 =	vmmov vm15;
	[dreg:$0x9] =	wrdreg s0;
	s0 =	simm.s32 $0x80;
	v13 =	vmov v15;
	v14 =	vmov v16;
	v17 =	vld [tilespmem:s31+$0x0]  }
.LBB2_2:
0x4b: {  	p0 =	sne.s32 s0, $0xC3C0;
	_ =	sdelay $0x3  }
0x4c: {  	vm11 =	vgt.f32 v17, $1.000000050e-03  }
0x4d: {  	v18 =	vnsel vm11, $0xBF800000, v17  }
0x4e: {  	v19 =	vsub.s32 $0x80000000, v18;
	vm11 =	vlt.s32 v18, $0x0  }
0x4f: {  	v19 =	vsel vm11, v19, v18;
	vm11 =	veq.f32 v17, $-Inf  }
0x50: {  	v17 =	vsel vm11, $0x80000000, v19  }
0x51: {  	vm12 =	veq.s32 v17, v9  }
0x52: {  	vm11 =	vgt.s32 v17, v9;
	v17 =	vsel vm12, $0x1, v5;
	v19 =	vmpcnt.ones.xlane vm12  }
0x53: {  	v20 =	vsel vm11, $0x1, v5;
	v21 =	vmpcnt.ones.xlane vm11;
	(xrf0) =	vadd.scan.msk.s32 $0xffff, v17  }
0x54: {  	v15 =	vadd.s32 v15, v19;
	(xrf0) =	vadd.scan.msk.s32 $0xffff, v20  }
0x55: {  	v16 =	vadd.s32 v16, v21;
	_ =	sdelay $0x2  }
0x56: {  	v17 =	vsel vm12, $0xFFFFFFFF, v5  }
0x57: {  	v19 =	vsel vm11, $0xFFFFFFFF, v5;
	v17 =	vadd.s32 v17, v13;
	v13 =	vmov v15;
	v20, _, _ =	vpop (xrf0)  }
0x58: {  	v19 =	vadd.s32 v19, v14;
	v14 =	vmov v16;
	v17 =	vadd.s32 v20, v17;
	v20, _, _ =	vpop (xrf0)  }
0x59: {  	v19 =	vadd.s32 v20, v19;
	vm13 =	vlt.s32 v17, v10  }
0x5a: {  	vm12 =	vmand vm12, vm13;
	_ =	sdelay $0x1  }
0x5b: {  	s25 =	sadd.s32 $0x10, s25  }
0x5c: {  	v20 =	vor.u32 s25, v4  }
.Ltmp2:
0x5d: {  	[tilespmem:v19+s4+$0x0] =	vst.idx.msk vm11, v20;
	(pc) =	sbr.rel @p0 .LBB2_2-.Ltmp2, $4  }
0x5e: {  	[tilespmem:v19+s7+$0x0] =	vst.idx.msk vm11, v18  }
0x5f: {  	[tilespmem:v17+s9+$0x0] =	vst.idx.msk vm12, v20  }
0x60: {  	s1 =	sshra.s32 s0, $0x2;
	[tilespmem:v17+s11+$0x0] =	vst.idx.msk vm12, v18  }
0x61: {  	s0 =	sadd.s32 $0x40, s0;
	v17 =	vld [tilespmem:s1+$0x0]  }
0x62: {  	_ =	sdelay $0x3  }
0x63: {  	vm11 =	vgt.f32 v17, $1.000000050e-03  }
0x64: {  	v15 =	vnsel vm11, $0xBF800000, v17  }
0x65: {  	v16 =	vsub.s32 $0x80000000, v15;
	vm11 =	vlt.s32 v15, $0x0  }
0x66: {  	v16 =	vsel vm11, v16, v15;
	vm11 =	veq.f32 v17, $-Inf  }
0x67: {  	v16 =	vsel vm11, $0x80000000, v16  }
0x68: {  	vm12 =	veq.s32 v16, v9  }
0x69: {  	vm11 =	vgt.s32 v16, v9;
	v9 =	vsel vm12, $0x1, v5  }
0x6a: {  	(xrf0) =	vadd.scan.msk.s32 $0xffff, v9;
	v9 =	vld [tilespmem:$0x1FFF0];
	_ =	sdelay $0x4  }
0x6b: {  	v16 =	vsel vm11, $0x1, v5;
	vm13 =	vnez.u8 v9  }
0x6c: {  	(xrf0) =	vadd.scan.msk.s32 $0xffff, v16;
	v9 =	vnsel vm13, $0x0, v12  }
0x6d: {  	(xrf0) =	vadd.scan.msk.s32 $0xffff, v9;
	_ =	sdelay $0x3  }
0x6e: {  	v9, _, _ =	vpop (xrf0)  }
0x6f: {  	v60, _, _ =	vpop (xrf0)  }
0x70: {  	v61, _, _ =	vpop (xrf0)  }
0x71: {  	(v2sf) =	vpush v61, $0xF;
	_ =	sdelay $0x3  }
0x72: {  	v11 =	vnsel vm13, $0x0, v11  }
0x73: {  	(xrf0) =	vadd.scan.msk.s32 $0xffff, v11;
	_ =	sdelay $0x5  }
0x74: {  	v11, _, _ =	vpop (xrf0)  }
0x75: {  	(v2sf) =	vpush v11, $0xF;
	_ =	sdelay $0x2  }
0x76: {  	s0 =	spop (v2sf)  }
0x77: {  	[dreg:$0xc] =	wrdreg s0;
	s0 =	sadd.s32 $0xF, s0  }
0x78: {  	v11 =	vsel vm12, $0xFFFFFFFF, v5;
	s1 =	sand.u32 $0xF, s0  }
0x79: {  	v62 =	vsel vm11, $0xFFFFFFFF, v5;
	v11 =	vadd.s32 v11, v13;
	s30 =	sshra.s32 s0, $0x1F;
	p1 =	slt.s32 s0, $0x1;
	p0 =	sne.s32 s1, $0x0  }
0x7a: {  	v63 =	vadd.s32 v62, v14;
	v9 =	vadd.s32 v9, v11;
	s1 =	sshrl.u32 s30, $0x1C;
	p0 =	por !p1, !p0  }
0x7b: {  	v11 =	vadd.s32 v60, v63;
	vm13 =	vlt.s32 v9, v10;
	s0 =	sadd.s32 s1, s0;
	s1 =	simm.s32 $0x1;
	p0 =	por !p0, !p0  }
0x7c: {  	vm12 =	vmand vm12, vm13;
	s0 =	sshra.s32 s0, $0x4;
	s1 =	simm.s32 @!p0 $0x0  }
0x7d: {  	s1 =	ssub.s32 s0, s1  }
0x7e: {  	s2 =	sadd.s32 $0x10, s25;
	p0 =	slt.s32 s1, $0x1  }
.Ltmp3:
0x7f: {  	v10 =	vor.u32 s2, v4;
	(pc) =	sbr.rel @p0 .LBB2_6-.Ltmp3, $4  }
0x80: {  	[tilespmem:v11+s4+$0x0] =	vst.idx.msk vm11, v10  }
0x81: {  	[tilespmem:v11+s7+$0x0] =	vst.idx.msk vm11, v15  }
0x82: {  	vm15 =	vmmov vm0;
	[tilespmem:v9+s9+$0x0] =	vst.idx.msk vm12, v10;
	s31 =	spop (v2sf)  }
0x83: {  	vm0 =	vcmask $0x2724;
	vm11 =	vcmask $0xF0C;
	[tilespmem:v9+s11+$0x0] =	vst.idx.msk vm12, v15;
	vm12 =	vcmask $0x704;
	[dreg:$0xd] =	wrdreg s31  }
0x84: {  	s0 =	simm.s32 $0x8380;
	s29 =	simm.s32 $0x8780;
	s30 =	simm.s32 $0x0  }
.LBB2_5:
0x85: {  	v9 =	vld [tilespmem:s0+$0x0];
	_ =	sdelay $0x4  }
0x86: {  	(v2sf) =	vpush v9, $0xD;
	_ =	sdelay $0x1  }
0x87: {  	(v2sf) =	vpush v9, $0xC;
	_ =	sdelay $0x1  }
0x88: {  	(v2sf) =	vpush v9, $0xE;
	_ =	sdelay $0x1  }
0x89: {  	(v2sf) =	vpush v9, $0xF;
	_ =	sdelay $0x1  }
0x8a: {  	(v2sf) =	vpush v9, $0x9;
	_ =	sdelay $0x1  }
0x8b: {  	(v2sf) =	vpush v9, $0x8;
	_ =	sdelay $0x1  }
0x8c: {  	(v2sf) =	vpush v9, $0xA;
	_ =	sdelay $0x1  }
0x8d: {  	(v2sf) =	vpush v9, $0xB  }
0x8e: {  	s15 =	spop (v2sf)  }
0x8f: {  	[dreg:$0x10] =	wrdreg s0;
	(v2sf) =	vpush v9, $0x0;
	s16 =	smulhi.u32 $0x66666667, s15;
	s0 =	sshra.s32 s15, $0x1F  }
0x90: {  	s2 =	spop (v2sf);
	s0 =	smul.u32 $0x66666667, s0  }
0x91: {  	(v2sf) =	vpush v9, $0x1;
	s4 =	smulhi.u32 $0x66666667, s2;
	s2 =	sshra.s32 s2, $0x1F  }
0x92: {  	s7 =	spop (v2sf);
	s2 =	smul.u32 $0x66666667, s2  }
0x93: {  	(v2sf) =	vpush v9, $0x2;
	s9 =	smulhi.u32 $0x66666667, s7;
	s7 =	sshra.s32 s7, $0x1F  }
0x94: {  	(v2sf) =	vpush v9, $0x3;
	s8 =	spop (v2sf);
	s7 =	smul.u32 $0x66666667, s7  }
0x95: {  	(v2sf) =	vpush v9, $0x4;
	s31 =	smulhi.u32 $0x66666667, s8;
	s8 =	sshra.s32 s8, $0x1F  }
0x96: {  	(v2sf) =	vpush v9, $0x5;
	s12 =	spop (v2sf);
	s8 =	smul.u32 $0x66666667, s8  }
0x97: {  	(v2sf) =	vpush v9, $0x6;
	s25 =	smulhi.u32 $0x66666667, s12;
	s12 =	sshra.s32 s12, $0x1F  }
0x98: {  	(v2sf) =	vpush v9, $0x7;
	s22 =	spop (v2sf);
	s12 =	smul.u32 $0x66666667, s12  }
0x99: {  	[dreg:$0xe] =	wrdreg s1;
	s24 =	smulhi.u32 $0x66666667, s22;
	s22 =	sshra.s32 s22, $0x1F  }
0x9a: {  	s1 =	sadd.s32 s0, s16;
	s23 =	spop (v2sf);
	s18 =	smul.u32 $0x66666667, s22  }
0x9b: {  	[dreg:$0x12] =	wrdreg s1;
	s13 =	smulhi.u32 $0x66666667, s23;
	s26 =	sshra.s32 s23, $0x1F  }
0x9c: {  	s2 =	sadd.s32 s2, s4;
	s20 =	spop (v2sf);
	s14 =	smul.u32 $0x66666667, s26  }
0x9d: {  	s1 =	sshrl.u32 s1, $0x1F;
	s26 =	smulhi.u32 $0x66666667, s20;
	s20 =	sshra.s32 s20, $0x1F  }
0x9e: {  	s16 =	sshrl.u32 s2, $0x1F;
	s19 =	spop (v2sf);
	s20 =	smul.u32 $0x66666667, s20  }
0x9f: {  	s2 =	sshra.s32 s2, $0x5;
	s0 =	smulhi.u32 $0x66666667, s19;
	s28 =	sshra.s32 s19, $0x1F  }
0xa0: {  	s31 =	sadd.s32 s8, s31;
	s21 =	spop (v2sf);
	s4 =	smul.u32 $0x66666667, s28  }
0xa1: {  	s19 =	sadd.s32 s7, s9;
	s28 =	smulhi.u32 $0x66666667, s21;
	s9 =	sshra.s32 s21, $0x1F  }
0xa2: {  	s17 =	spop (v2sf);
	s21 =	sshrl.u32 s19, $0x1F;
	s8 =	smul.u32 $0x66666667, s9  }
0xa3: {  	s11 =	spop (v2sf);
	s9 =	sadd.s32 s12, s25;
	s25 =	smulhi.u32 $0x66666667, s17  }
0xa4: {  	s7 =	sshra.s32 s17, $0x1F;
	s12 =	sadd.s32 s18, s24;
	s23 =	spop (v2sf)  }
0xa5: {  	s18 =	smul.u32 $0x66666667, s7;
	s7 =	sadd.s32 s14, s13;
	s15 =	spop (v2sf)  }
0xa6: {  	s13 =	smulhi.u32 $0x66666667, s11;
	s24 =	sshra.s32 s11, $0x1F;
	s22 =	spop (v2sf)  }
0xa7: {  	s11 =	sadd.s32 s20, s26;
	s14 =	smul.u32 $0x66666667, s24;
	s26 =	spop (v2sf)  }
0xa8: {  	s0 =	sadd.s32 s4, s0;
	s4 =	smulhi.u32 $0x66666667, s26;
	s20 =	sshra.s32 s26, $0x1F  }
0xa9: {  	s17 =	sshrl.u32 s31, $0x1F;
	s26 =	sadd.s32 s8, s28;
	s28 =	smul.u32 $0x66666667, s20  }
0xaa: {  	s24 =	sshrl.u32 s9, $0x1F;
	s18 =	sadd.s32 s18, s25;
	s25 =	sshrl.u32 s12, $0x1F  }
0xab: {  	v11 =	vmov s16;
	s12 =	sshra.s32 s12, $0x5;
	s13 =	sadd.s32 s14, s13;
	s8 =	sadd.s32 s28, s4  }
0xac: {  	v11 =	vsel vm2, s1, v11;
	v13 =	vmov s25;
	s1 =	smulhi.u32 $0x66666667, s15;
	s15 =	sshra.s32 s15, $0x1F;
	s28 =	sshra.s32 s8, $0x1F  }
0xad: {  	s14 =	sshra.s32 s0, $0x5;
	v13 =	vsel vm2, s24, v13;
	s24 =	sshra.s32 s13, $0x5;
	s15 =	smul.u32 $0x66666667, s15;
	v10 =	vmov s28  }
0xae: {  	v11 =	vsel vm3, s21, v11;
	s21 =	sshra.s32 s22, $0x1F;
	s28 =	sshrl.u32 s0, $0x1F;
	s0 =	sshra.s32 s0, $0x1F;
	v10 =	vsel vm5, s14, v10  }
0xaf: {  	s20 =	smulhi.u32 $0x66666667, s23;
	s23 =	sshra.s32 s23, $0x1F;
	s16 =	sshra.s32 s26, $0x5;
	v12 =	vmov s28;
	v10 =	vsel vm12, s0, v10  }
0xb0: {  	s23 =	smul.u32 $0x66666667, s23;
	s14 =	sshrl.u32 s26, $0x1F;
	s28 =	sshra.s32 s26, $0x1F;
	v12 =	vnsel vm5, $0x0, v12;
	v10 =	vsel vm2, s16, v10  }
0xb1: {  	s4 =	sshrl.u32 s7, $0x1F;
	v12 =	vsel vm2, s14, v12;
	s14 =	smulhi.u32 $0x66666667, s22;
	s22 =	sshra.s32 s18, $0x5;
	v10 =	vsel vm11, s28, v10  }
0xb2: {  	v58 =	vmov s2;
	v11 =	vsel vm4, s17, v11;
	s20 =	sadd.s32 s23, s20;
	s0 =	sshrl.u32 s18, $0x1F;
	s18 =	sshra.s32 s18, $0x1F;
	v10 =	vsel vm3, s22, v10  }
0xb3: {  	v14 =	vmov s12;
	s23 =	sshrl.u32 s11, $0x1F;
	v13 =	vsel vm3, s4, v13;
	s26 =	sshrl.u32 s13, $0x1F;
	s28 =	smul.u32 $0x66666667, s21;
	v10 =	vsel vm14, s18, v10  }
0xb4: {  	v13 =	vsel vm4, s23, v13;
	s13 =	sshra.s32 s13, $0x1F;
	s16 =	sshra.s32 s9, $0x5;
	v12 =	vsel vm3, s0, v12;
	s21 =	sadd.s32 s15, s1;
	v10 =	vsel vm4, s24, v10  }
0xb5: {  	v11 =	vcombine.low v13, v11;
	v12 =	vsel vm4, s26, v12;
	s22 =	sshrl.u32 s20, $0x1F;
	s4 =	sadd.s32 s28, s14;
	s28 =	sshra.s32 s20, $0x5;
	v10 =	vsel vm15, s13, v10  }
0xb6: {  	vm12 =	vcmask $0x3734;
	s15 =	rddreg [dreg:$0x12];
	s25 =	sshrl.u32 s21, $0x1F;
	v12 =	vsel vm6, s22, v12;
	s14 =	sshra.s32 s20, $0x1F;
	v10 =	vsel vm6, s28, v10  }
0xb7: {  	v14 =	vsel vm2, s16, v14;
	s18 =	sshra.s32 s21, $0x5;
	s20 =	sshra.s32 s7, $0x5;
	v12 =	vsel vm7, s25, v12;
	s13 =	sshra.s32 s15, $0x5;
	v10 =	vsel vm0, s14, v10  }
0xb8: {  	s19 =	sshra.s32 s19, $0x5;
	s0 =	sshra.s32 s21, $0x1F;
	s26 =	sshrl.u32 s4, $0x1F;
	v14 =	vsel vm3, s20, v14;
	v13 =	vsel vm2, s13, v58;
	v10 =	vsel vm7, s18, v10  }
0xb9: {  	s21 =	sshra.s32 s31, $0x5;
	s22 =	sshra.s32 s11, $0x5;
	s23 =	sshra.s32 s4, $0x5;
	v12 =	vsel vm8, s26, v12;
	v13 =	vsel vm3, s19, v13;
	v10 =	vsel vm1, s0, v10  }
0xba: {  	s24 =	sshrl.u32 s8, $0x1F;
	v14 =	vsel vm4, s22, v14;
	s26 =	sshra.s32 s4, $0x1F;
	v13 =	vsel vm4, s21, v13;
	v10 =	vsel vm8, s23, v10  }
0xbb: {  	v12 =	vsel vm9, s24, v12;
	s28 =	sshra.s32 s8, $0x5;
	v13 =	vcombine.low v14, v13;
	v10 =	vsel vm12, s26, v10  }
0xbc: {  	v11 =	vperm.xlane v11, v6;
	v12 =	vperm.xlane v12, v7;
	v10 =	vsel vm9, s28, v10  }
0xbd: {  	v13 =	vperm.xlane v13, v6;
	v10 =	vperm.xlane v10, v7;
	_ =	sdelay $0x1  }
0xbe: {  	v11 =	vsel vm10, v12, v11;
	v10 =	vsel vm10, v10, v13  }
0xbf: {  	v10 =	vadd.s32 v11, v10  }
0xc0: {  	v11 =	vmul.u32 $0xFFFFFFB0, v10  }
0xc1: {  	vm13 =	vmmov vm0;
	v59 =	vsub.s32 $0x0, v9  }
0xc2: {  	vm0 =	vmmov vm11;
	vm11 =	vlt.s32 v9, $0x1;
	vm12 =	vne.s32 v11, v59  }
0xc3: {  	vm11 =	vmand vm11, vm12  }
0xc4: {  	v11 =	vsel vm11, $0xFFFFFFFF, v5  }
0xc5: {  	v10 =	vadd.s32 v11, v10  }
0xc6: {  	vm11 =	vgt.s32 v10, $0x0  }
0xc7: {  	v11 =	vnsel vm11, $0x0, v10  }
0xc8: {  	v11 =	vmin.u32 v11, $0x1387  }
0xc9: {  	v11 =	vshll.u32 v11, $0x2  }
0xca: {  	v60 =	vor.u32 $0x1, v11  }
0xcb: {  	v62 =	vmov s30;
	v61 =	vor.u32 $0x2, v11  }
0xcc: {  	v14 =	vshll.u32 v62, $0x4;
	v15 =	vor.u32 $0x3, v11  }
0xcd: {  	v16 =	vld [tilespmem:s29+$0x0];
	s8 =	simm.s32 $0x3100;
	v14 =	vor.u32 v8, v14  }
0xce: {  	v17 =	vor.u32 $0x1, v14;
	v11 =	vld.idx.msk [tilespmem:v11+s8+$0x0], $0xffff  }
0xcf: {  	v18 =	vor.u32 $0x2, v14;
	v12 =	vld.idx.msk [tilespmem:v60+s8+$0x0], $0xffff  }
0xd0: {  	v19 =	vor.u32 $0x3, v14;
	v13 =	vld.idx.msk [tilespmem:v61+s8+$0x0], $0xffff  }
0xd1: {  	s17 =	simm.s32 $0x9380;
	v20 =	vor.u32 $0x4, v14;
	v15 =	vld.idx.msk [tilespmem:v15+s8+$0x0], $0xffff  }
0xd2: {  	s25 =	rddreg [dreg:$0xe];
	v63 =	vor.u32 $0x5, v14;
	v10 =	vmul.u32 $0xFFFFFFB0, v10;
	[tilespmem:v14+s17+$0x0] =	vst.idx.msk $0xffff, v16  }
0xd3: {  	p0 =	sne.s32 s25, $0x1;
	[tilespmem:v17+s17+$0x0] =	vst.idx.msk $0xffff, v11;
	v11 =	vor.u32 $0x6, v14  }
.Ltmp4:
0xd4: {  	v10 =	vadd.s32 v9, v10;
	[tilespmem:v18+s17+$0x0] =	vst.idx.msk $0xffff, v12;
	(pc) =	sbr.rel @p0 .LBB2_5-.Ltmp4, $4  }
0xd5: {  	v10 =	vcvt.s32.f32 v10;
	[tilespmem:v19+s17+$0x0] =	vst.idx.msk $0xffff, v13  }
0xd6: {  	v9 =	vcvt.s32.f32 v9;
	[tilespmem:v20+s17+$0x0] =	vst.idx.msk $0xffff, v15  }
0xd7: {  	s29 =	sadd.s32 $0x10, s29;
	s31 =	rddreg [dreg:$0x10];
	[tilespmem:v63+s17+$0x0] =	vst.idx.msk $0xffff, v10  }
0xd8: {  	s30 =	sadd.s32 $0x10, s30;
	s1 =	sadd.s32 $0xFFFFFFFF, s25;
	s0 =	sadd.s32 $0x10, s31;
	vm12 =	vcmask $0x704;
	vm11 =	vmmov vm0;
	vm0 =	vmmov vm13;
	[tilespmem:v11+s17+$0x0] =	vst.idx.msk $0xffff, v9  }
.LBB2_6:
0xd9: {  	s9 =	rddreg [dreg:$0xc]  }
0xda: {  	s0 =	sand.u32 $0xF, s9  }
0xdb: {  	s1 =	sshra.s32 s9, $0x1F;
	p0 =	slt.s32 s9, $0x1;
	p1 =	sne.s32 s0, $0x0  }
0xdc: {  	s31 =	sshrl.u32 s1, $0x1C;
	p0 =	por !p0, !p1  }
0xdd: {  	s1 =	simm.s32 $0x1;
	s0 =	sadd.s32 s31, s9;
	p0 =	por !p0, !p0  }
0xde: {  	s0 =	sshra.s32 s0, $0x4;
	s1 =	simm.s32 @!p0 $0x0  }
0xdf: {  	s0 =	ssub.s32 s0, s1  }
0xe0: {  	p0 =	slt.s32 s0, $0x1  }
.Ltmp5:
0xe1: {  	_ = 	snop;
	(pc) =	sbr.rel @p0 .LBB2_10-.Ltmp5, $2  }
0xe2: {  	_ =	sdelay $0x2  }
0xe3: {  	vm13 =	vmmov vm14;
	vm14 =	vcmask $0x3734;
	s11 =	rddreg [dreg:$0xd]  }
0xe4: {  	p0 =	seq.s32 s0, $0x1  }
.Ltmp6:
0xe5: {  	s4 =	sshll.u32 s11, $0x4;
	(pc) =	sbr.rel @p0 .LBB2_9-.Ltmp6, $4  }
0xe6: {  	s2 =	sshrl.u32 s4, $0x3  }
0xe7: {  	s1 =	simm.s32 $0x9380;
	s2 =	sadd.s32 s5, s2  }
0xe8: {  	[hbm4b:s2+s3] =	stream.linear.scatter [tilespmem:s1], [sflag:$0x1], $0x100, $0x38;
	[tilespmem:$0x11380] =	vst v63  }
0xe9: {  	s4 =	sadd.s32 $0x100, s4;
	s2 =	sadd.s32 $0xFFFFFFFF, s0;
	_ =	swait.ge [sflag:s10], $0x100  }
.LBB2_8:
0xea: {  	s7 =	sshrl.u32 s4, $0x3  }
0xeb: {  	[sflag:s10] =	ssyncset.done $0x0;
	s1 =	sadd.s32 $0x100, s1;
	p0 =	seq.s32 s2, $0x1  }
.Ltmp7:
0xec: {  	s7 =	sadd.s32 s5, s7;
	[sflag:s10] =	ssyncadd.s32 $0xFFFFFF00;
	(pc) =	sbr.rel @!p0 .LBB2_8-.Ltmp7, $3  }
0xed: {  	[hbm4b:s7+s3] =	stream.linear.scatter [tilespmem:s1], [sflag:$0x1], $0x100, $0x38;
	[tilespmem:$0x11380] =	vst v63  }
0xee: {  	s2 =	sadd.s32 $0xFFFFFFFF, s2;
	_ =	sdelay $0x1  }
0xef: {  	s4 =	sadd.s32 $0x100, s4;
	_ =	swait.ge [sflag:s10], $0x100  }
.LBB2_9:
0xf0: {  	[sflag:s10] =	ssyncset.done $0x0  }
0xf1: {  	[sflag:s10] =	ssyncadd.s32 $0xFFFFFF00  }
.LBB2_10:
0xf2: {  	s1 =	sshll.u32 s0, $0x4  }
0xf3: {  	s1 =	ssub.s32 s9, s1  }
0xf4: {  	p0 =	slt.s32 s1, $0x1  }
.Ltmp8:
0xf5: {  	_ = 	snop;
	(pc) =	sbr.rel @p0 .LBB2_14-.Ltmp8, $1  }
0xf6: {  	_ =	sdelay $0x3  }
0xf7: {  	s30 =	sshll.u32 s0, $0x5;
	s4 =	sshll.u32 s11, $0x1;
	p0 =	sne.s32 s1, $0x1  }
.Ltmp9:
0xf8: {  	s2 =	sshll.u32 s0, $0xA;
	s31 =	sadd.s32 s4, s30;
	(pc) =	sbr.rel @!p0 .LBB2_13-.Ltmp9, $4  }
0xf9: {  	s7 =	sshra.s32 s2, $0x2;
	s4 =	sand.u32 $0x1FFFFFFE, s31  }
0xfa: {  	s0 =	sadd.s32 $0x9380, s7;
	s4 =	sadd.s32 s5, s4  }
0xfb: {  	[hbm4b:s4+s3] =	stream.linear.scatter [tilespmem:s0], [sflag:$0x1], $0x10, $0x38;
	[tilespmem:$0x11380] =	vst v63  }
0xfc: {  	s1 =	sadd.s32 $0xFFFFFFFF, s1;
	s2 =	sadd.s32 $0x2, s31;
	_ =	swait.ge [sflag:s10], $0x10  }
.LBB2_12:
0xfd: {  	s4 =	sand.u32 $0x1FFFFFFE, s2  }
0xfe: {  	[sflag:s10] =	ssyncset.done $0x0;
	s0 =	sadd.s32 $0x10, s0;
	p0 =	sne.s32 s1, $0x1  }
.Ltmp10:
0xff: {  	s4 =	sadd.s32 s5, s4;
	[sflag:s10] =	ssyncadd.s32 $0xFFFFFFF0;
	(pc) =	sbr.rel @p0 .LBB2_12-.Ltmp10, $3  }
0x100: {  	[hbm4b:s4+s3] =	stream.linear.scatter [tilespmem:s0], [sflag:$0x1], $0x10, $0x38;
	[tilespmem:$0x11380] =	vst v63  }
0x101: {  	s1 =	sadd.s32 $0xFFFFFFFF, s1;
	_ =	sdelay $0x1  }
0x102: {  	s2 =	sadd.s32 $0x2, s2;
	_ =	swait.ge [sflag:s10], $0x10  }
.LBB2_13:
0x103: {  	[sflag:s10] =	ssyncset.done $0x0  }
0x104: {  	[sflag:s10] =	ssyncadd.s32 $0xFFFFFFF0  }
.LBB2_14:
0x105: {  	s0 =	rddreg [dreg:$0x9]  }
0x106: {  	s0 =	sadd.s32 $0xF, s0  }
0x107: {  	s1 =	sand.u32 $0xF, s0  }
0x108: {  	s2 =	sshra.s32 s0, $0x1F;
	p0 =	slt.s32 s0, $0x1;
	p1 =	sne.s32 s1, $0x0  }
0x109: {  	s31 =	sshrl.u32 s2, $0x1C;
	p0 =	por !p0, !p1  }
0x10a: {  	s1 =	simm.s32 $0x1;
	s0 =	sadd.s32 s31, s0;
	p0 =	por !p0, !p0  }
0x10b: {  	s0 =	sshra.s32 s0, $0x4;
	s1 =	simm.s32 @!p0 $0x0  }
0x10c: {  	s0 =	ssub.s32 s0, s1  }
0x10d: {  	p0 =	slt.s32 s0, $0x1  }
.Ltmp11:
0x10e: {  	_ = 	snop;
	(pc) =	sbr.rel @p0 .LBB2_17-.Ltmp11, $1  }
0x10f: {  	_ =	sdelay $0x3  }
0x110: {  	s1 =	simm.s32 $0x8B80;
	s26 =	simm.s32 $0x8F80;
	s28 =	simm.s32 $0x0  }
.LBB2_16:
0x111: {  	v9 =	vld [tilespmem:s1+$0x0];
	_ =	sdelay $0x4  }
0x112: {  	(v2sf) =	vpush v9, $0xD;
	_ =	sdelay $0x1  }
0x113: {  	(v2sf) =	vpush v9, $0xC;
	_ =	sdelay $0x1  }
0x114: {  	(v2sf) =	vpush v9, $0xE;
	_ =	sdelay $0x1  }
0x115: {  	(v2sf) =	vpush v9, $0xF;
	_ =	sdelay $0x1  }
0x116: {  	(v2sf) =	vpush v9, $0x9;
	_ =	sdelay $0x1  }
0x117: {  	(v2sf) =	vpush v9, $0x8;
	_ =	sdelay $0x1  }
0x118: {  	(v2sf) =	vpush v9, $0xA;
	_ =	sdelay $0x1  }
0x119: {  	(v2sf) =	vpush v9, $0xB  }
0x11a: {  	s23 =	spop (v2sf)  }
0x11b: {  	[dreg:$0xf] =	wrdreg s0;
	(v2sf) =	vpush v9, $0x0;
	s24 =	smulhi.u32 $0x66666667, s23;
	s0 =	sshra.s32 s23, $0x1F  }
0x11c: {  	s2 =	spop (v2sf);
	s0 =	smul.u32 $0x66666667, s0  }
0x11d: {  	(v2sf) =	vpush v9, $0x1;
	s4 =	smulhi.u32 $0x66666667, s2;
	s2 =	sshra.s32 s2, $0x1F  }
0x11e: {  	(v2sf) =	vpush v9, $0x2;
	s7 =	spop (v2sf);
	s2 =	smul.u32 $0x66666667, s2  }
0x11f: {  	s9 =	smulhi.u32 $0x66666667, s7;
	s7 =	sshra.s32 s7, $0x1F  }
0x120: {  	(v2sf) =	vpush v9, $0x3;
	s8 =	spop (v2sf);
	s7 =	smul.u32 $0x66666667, s7  }
0x121: {  	(v2sf) =	vpush v9, $0x4;
	s13 =	smulhi.u32 $0x66666667, s8;
	s8 =	sshra.s32 s8, $0x1F  }
0x122: {  	(v2sf) =	vpush v9, $0x5;
	s11 =	spop (v2sf);
	s8 =	smul.u32 $0x66666667, s8  }
0x123: {  	(v2sf) =	vpush v9, $0x6;
	s15 =	smulhi.u32 $0x66666667, s11;
	s11 =	sshra.s32 s11, $0x1F  }
0x124: {  	(v2sf) =	vpush v9, $0x7;
	s12 =	spop (v2sf);
	s11 =	smul.u32 $0x66666667, s11  }
0x125: {  	[dreg:$0x11] =	wrdreg s1;
	s19 =	smulhi.u32 $0x66666667, s12;
	s12 =	sshra.s32 s12, $0x1F  }
0x126: {  	s1 =	sadd.s32 s0, s24;
	s14 =	spop (v2sf);
	s12 =	smul.u32 $0x66666667, s12  }
0x127: {  	[dreg:$0x13] =	wrdreg s1;
	s23 =	smulhi.u32 $0x66666667, s14;
	s14 =	sshra.s32 s14, $0x1F  }
0x128: {  	s2 =	sadd.s32 s2, s4;
	s16 =	spop (v2sf);
	s14 =	smul.u32 $0x66666667, s14  }
0x129: {  	s1 =	sshrl.u32 s1, $0x1F;
	s29 =	smulhi.u32 $0x66666667, s16;
	s16 =	sshra.s32 s16, $0x1F  }
0x12a: {  	s24 =	sshrl.u32 s2, $0x1F;
	s17 =	spop (v2sf);
	s16 =	smul.u32 $0x66666667, s16  }
0x12b: {  	s13 =	sadd.s32 s8, s13;
	s0 =	smulhi.u32 $0x66666667, s17;
	s25 =	sshra.s32 s17, $0x1F  }
0x12c: {  	s18 =	spop (v2sf);
	s17 =	sadd.s32 s7, s9;
	s4 =	smul.u32 $0x66666667, s25  }
0x12d: {  	s12 =	sadd.s32 s12, s19;
	s20 =	spop (v2sf);
	s25 =	smulhi.u32 $0x66666667, s18  }
0x12e: {  	s9 =	sshra.s32 s18, $0x1F;
	s18 =	sshrl.u32 s17, $0x1F;
	s7 =	sadd.s32 s14, s23  }
0x12f: {  	s21 =	spop (v2sf);
	s8 =	smul.u32 $0x66666667, s9;
	s9 =	sadd.s32 s11, s15  }
0x130: {  	s15 =	smulhi.u32 $0x66666667, s20;
	s11 =	sshra.s32 s20, $0x1F;
	s30 =	spop (v2sf)  }
0x131: {  	s20 =	sshrl.u32 s13, $0x1F;
	s19 =	smul.u32 $0x66666667, s11;
	s31 =	spop (v2sf)  }
0x132: {  	s14 =	smulhi.u32 $0x66666667, s21;
	s21 =	sshra.s32 s21, $0x1F;
	s22 =	spop (v2sf)  }
0x133: {  	s11 =	sadd.s32 s16, s29;
	s16 =	smul.u32 $0x66666667, s21;
	s29 =	spop (v2sf)  }
0x134: {  	s0 =	sadd.s32 s4, s0;
	s4 =	smulhi.u32 $0x66666667, s29;
	s21 =	sshra.s32 s29, $0x1F  }
0x135: {  	s23 =	sshrl.u32 s9, $0x1F;
	s25 =	sadd.s32 s8, s25;
	s8 =	smul.u32 $0x66666667, s21  }
0x136: {  	s15 =	sadd.s32 s19, s15;
	s19 =	smulhi.u32 $0x66666667, s30;
	s30 =	sshra.s32 s30, $0x1F  }
0x137: {  	s14 =	sadd.s32 s16, s14;
	s16 =	sshra.s32 s0, $0x5;
	s8 =	sadd.s32 s8, s4  }
0x138: {  	v11 =	vmov s24;
	s29 =	sshrl.u32 s12, $0x1F;
	s21 =	smul.u32 $0x66666667, s30;
	s30 =	sshra.s32 s8, $0x1F  }
0x139: {  	v11 =	vsel vm2, s1, v11;
	s1 =	smulhi.u32 $0x66666667, s31;
	v13 =	vmov s29;
	s29 =	sshra.s32 s12, $0x5;
	s4 =	sshrl.u32 s7, $0x1F;
	v10 =	vmov s30  }
0x13a: {  	s19 =	sadd.s32 s21, s19;
	s30 =	sshrl.u32 s0, $0x1F;
	s0 =	sshra.s32 s0, $0x1F;
	v10 =	vsel vm5, s16, v10  }
0x13b: {  	s21 =	sshrl.u32 s11, $0x1F;
	v12 =	vmov s30;
	s30 =	sshra.s32 s31, $0x1F;
	s31 =	sshra.s32 s25, $0x5;
	v10 =	vsel vm12, s0, v10  }
0x13c: {  	v11 =	vsel vm3, s18, v11;
	s24 =	sshra.s32 s19, $0x5;
	s18 =	smul.u32 $0x66666667, s30;
	s30 =	sshra.s32 s25, $0x1F;
	v10 =	vsel vm2, s31, v10  }
0x13d: {  	v11 =	vsel vm4, s20, v11;
	s16 =	sshrl.u32 s25, $0x1F;
	v12 =	vnsel vm5, $0x0, v12;
	s0 =	sshrl.u32 s15, $0x1F;
	s25 =	sshra.s32 s15, $0x5;
	v10 =	vsel vm11, s30, v10  }
0x13e: {  	v13 =	vsel vm2, s23, v13;
	s15 =	sshra.s32 s15, $0x1F;
	v12 =	vsel vm2, s16, v12;
	s16 =	smulhi.u32 $0x66666667, s22;
	s31 =	sshra.s32 s22, $0x1F;
	v10 =	vsel vm3, s25, v10  }
0x13f: {  	v13 =	vsel vm3, s4, v13;
	v12 =	vsel vm3, s0, v12;
	s30 =	sshrl.u32 s14, $0x1F;
	s0 =	sadd.s32 s18, s1;
	s18 =	sshra.s32 s14, $0x5;
	v10 =	vsel vm13, s15, v10  }
0x140: {  	v14 =	vmov s29;
	v13 =	vsel vm4, s21, v13;
	s20 =	smul.u32 $0x66666667, s31;
	s31 =	sshrl.u32 s19, $0x1F;
	s14 =	sshra.s32 s14, $0x1F;
	v10 =	vsel vm4, s18, v10  }
0x141: {  	v11 =	vcombine.low v13, v11;
	v12 =	vsel vm4, s30, v12;
	s22 =	sshrl.u32 s0, $0x1F;
	s25 =	sshra.s32 s2, $0x5;
	s30 =	sshra.s32 s19, $0x1F;
	v10 =	vsel vm15, s14, v10  }
0x142: {  	v12 =	vsel vm6, s31, v12;
	s4 =	sadd.s32 s20, s16;
	s31 =	rddreg [dreg:$0x13];
	v58 =	vmov s25;
	s15 =	sshra.s32 s9, $0x5;
	v10 =	vsel vm6, s24, v10  }
0x143: {  	v12 =	vsel vm7, s22, v12;
	s23 =	sshrl.u32 s4, $0x1F;
	s18 =	sshra.s32 s0, $0x5;
	v14 =	vsel vm2, s15, v14;
	s14 =	sshra.s32 s31, $0x5;
	v10 =	vsel vm0, s30, v10  }
0x144: {  	s19 =	sshra.s32 s17, $0x5;
	s20 =	sshra.s32 s7, $0x5;
	s0 =	sshra.s32 s0, $0x1F;
	v12 =	vsel vm8, s23, v12;
	v13 =	vsel vm2, s14, v58;
	v10 =	vsel vm7, s18, v10  }
0x145: {  	s21 =	sshra.s32 s13, $0x5;
	s22 =	sshra.s32 s11, $0x5;
	v14 =	vsel vm3, s20, v14;
	s23 =	sshra.s32 s4, $0x5;
	v13 =	vsel vm3, s19, v13;
	v10 =	vsel vm1, s0, v10  }
0x146: {  	s29 =	sshra.s32 s4, $0x1F;
	s24 =	sshrl.u32 s8, $0x1F;
	v14 =	vsel vm4, s22, v14;
	v13 =	vsel vm4, s21, v13;
	v10 =	vsel vm8, s23, v10  }
0x147: {  	v12 =	vsel vm9, s24, v12;
	s30 =	sshra.s32 s8, $0x5;
	v13 =	vcombine.low v14, v13;
	v10 =	vsel vm14, s29, v10  }
0x148: {  	v11 =	vperm.xlane v11, v6;
	v12 =	vperm.xlane v12, v7;
	v10 =	vsel vm9, s30, v10  }
0x149: {  	v13 =	vperm.xlane v13, v6;
	v10 =	vperm.xlane v10, v7;
	_ =	sdelay $0x1  }
0x14a: {  	v11 =	vsel vm10, v12, v11;
	v10 =	vsel vm10, v10, v13  }
0x14b: {  	v10 =	vadd.s32 v11, v10  }
0x14c: {  	v11 =	vmul.u32 $0xFFFFFFB0, v10  }
0x14d: {  	v59 =	vsub.s32 $0x0, v9  }
0x14e: {  	vm11 =	vlt.s32 v9, $0x1;
	vm12 =	vne.s32 v11, v59  }
0x14f: {  	vm11 =	vmand vm11, vm12  }
0x150: {  	v11 =	vsel vm11, $0xFFFFFFFF, v5  }
0x151: {  	v10 =	vadd.s32 v11, v10  }
0x152: {  	vm11 =	vgt.s32 v10, $0x0  }
0x153: {  	v11 =	vnsel vm11, $0x0, v10  }
0x154: {  	v11 =	vmin.u32 v11, $0x1387  }
0x155: {  	v11 =	vshll.u32 v11, $0x2  }
0x156: {  	v60 =	vor.u32 $0x1, v11  }
0x157: {  	v62 =	vmov s28;
	v61 =	vor.u32 $0x2, v11  }
0x158: {  	v14 =	vshll.u32 v62, $0x4;
	v15 =	vor.u32 $0x3, v11  }
0x159: {  	v16 =	vld [tilespmem:s26+$0x0];
	s8 =	simm.s32 $0x3100;
	v14 =	vor.u32 v8, v14  }
0x15a: {  	v17 =	vor.u32 $0x1, v14;
	v11 =	vld.idx.msk [tilespmem:v11+s8+$0x0], $0xffff  }
0x15b: {  	v18 =	vor.u32 $0x2, v14;
	v12 =	vld.idx.msk [tilespmem:v60+s8+$0x0], $0xffff  }
0x15c: {  	v19 =	vor.u32 $0x3, v14;
	v13 =	vld.idx.msk [tilespmem:v61+s8+$0x0], $0xffff  }
0x15d: {  	s16 =	simm.s32 $0xD380;
	v20 =	vor.u32 $0x4, v14;
	v15 =	vld.idx.msk [tilespmem:v15+s8+$0x0], $0xffff  }
0x15e: {  	s31 =	rddreg [dreg:$0xf];
	v63 =	vor.u32 $0x5, v14;
	v10 =	vmul.u32 $0xFFFFFFB0, v10;
	[tilespmem:v14+s16+$0x0] =	vst.idx.msk $0xffff, v16  }
0x15f: {  	p0 =	sne.s32 s31, $0x1;
	[tilespmem:v17+s16+$0x0] =	vst.idx.msk $0xffff, v11;
	v11 =	vor.u32 $0x6, v14  }
.Ltmp12:
0x160: {  	v10 =	vadd.s32 v9, v10;
	[tilespmem:v18+s16+$0x0] =	vst.idx.msk $0xffff, v12;
	(pc) =	sbr.rel @p0 .LBB2_16-.Ltmp12, $4  }
0x161: {  	v10 =	vcvt.s32.f32 v10;
	[tilespmem:v19+s16+$0x0] =	vst.idx.msk $0xffff, v13  }
0x162: {  	v9 =	vcvt.s32.f32 v9;
	[tilespmem:v20+s16+$0x0] =	vst.idx.msk $0xffff, v15  }
0x163: {  	s26 =	sadd.s32 $0x10, s26;
	s25 =	rddreg [dreg:$0x11];
	[tilespmem:v63+s16+$0x0] =	vst.idx.msk $0xffff, v10  }
0x164: {  	s28 =	sadd.s32 $0x10, s28;
	s1 =	sadd.s32 $0x10, s25;
	s0 =	sadd.s32 $0xFFFFFFFF, s31;
	vm12 =	vcmask $0x704;
	vm11 =	vcmask $0xF0C;
	[tilespmem:v11+s16+$0x0] =	vst.idx.msk $0xffff, v9  }
.LBB2_17:
0x165: {  	s2 =	rddreg [dreg:$0x9]  }
0x166: {  	s0 =	simm.s32 $0x1;
	s1 =	rddreg [dreg:$0xb];
	p0 =	sgt.s32 s2, $0x0  }
0x167: {  	s1 =	sshra.s32 s1, $0x1F;
	s0 =	simm.s32 @!p0 $0x0  }
0x168: {  	s30 =	sand.u32 $0xF, s2;
	s0 =	sadd.s32 s0, s1  }
0x169: {  	s31 =	sshra.s32 s2, $0x1F;
	p1 =	sne.s32 s30, $0x0;
	p6 =	sne.s32 s0, $0x1  }
0x16a: {  	s0 =	sshrl.u32 s31, $0x1C;
	p0 =	por !p1, !p6  }
0x16b: {  	s1 =	simm.s32 $0x1;
	s0 =	sadd.s32 s0, s2;
	p0 =	por !p0, !p0  }
0x16c: {  	s0 =	sshra.s32 s0, $0x4;
	s1 =	simm.s32 @!p0 $0x0  }
0x16d: {  	s0 =	ssub.s32 s0, s1  }
0x16e: {  	p1 =	slt.s32 s0, $0x1  }
.Ltmp13:
0x16f: {  	_ = 	snop;
	(pc) =	sbr.rel @p1 .LBB2_21-.Ltmp13, $4  }
0x170: {  	s12 =	rddreg [dreg:$0x8]  }
0x171: {  	s1 =	rddreg [dreg:$0xa]  }
0x172: {  	p0 =	slt.s32 s1, s12  }
0x173: {  	s9 =	simm.s32 $0x8B80;
	s11 =	simm.s32 $0x8F80;
	s12 =	smov.u32 @p0 s1  }
0x174: {  	p0 =	seq.s32 s0, $0x1  }
.Ltmp14:
0x175: {  	s4 =	sshll.u32 s12, $0x4;
	(pc) =	sbr.rel @p0 .LBB2_20-.Ltmp14, $4  }
0x176: {  	s2 =	sshrl.u32 s4, $0x3  }
0x177: {  	s1 =	simm.s32 $0xD380;
	s2 =	sadd.s32 s6, s2  }
0x178: {  	[hbm4b:s2+s3] =	stream.linear.scatter [tilespmem:s1], [sflag:$0x1], $0x100, $0x38;
	[tilespmem:$0x11380] =	vst v63  }
0x179: {  	s4 =	sadd.s32 $0x100, s4;
	s2 =	sadd.s32 $0xFFFFFFFF, s0;
	_ =	swait.ge [sflag:s10], $0x100  }
.LBB2_19:
0x17a: {  	s7 =	sshrl.u32 s4, $0x3  }
0x17b: {  	[sflag:s10] =	ssyncset.done $0x0;
	s1 =	sadd.s32 $0x100, s1;
	p0 =	seq.s32 s2, $0x1  }
.Ltmp15:
0x17c: {  	s7 =	sadd.s32 s6, s7;
	[sflag:s10] =	ssyncadd.s32 $0xFFFFFF00;
	(pc) =	sbr.rel @!p0 .LBB2_19-.Ltmp15, $3  }
0x17d: {  	[hbm4b:s7+s3] =	stream.linear.scatter [tilespmem:s1], [sflag:$0x1], $0x100, $0x38;
	[tilespmem:$0x11380] =	vst v63  }
0x17e: {  	s2 =	sadd.s32 $0xFFFFFFFF, s2;
	_ =	sdelay $0x1  }
0x17f: {  	s4 =	sadd.s32 $0x100, s4;
	_ =	swait.ge [sflag:s10], $0x100  }
.LBB2_20:
0x180: {  	[sflag:s10] =	ssyncset.done $0x0  }
0x181: {  	[sflag:s10] =	ssyncadd.s32 $0xFFFFFF00  }
.LBB2_21:
0x182: {  	s1 =	sshll.u32 s0, $0x4;
	s2 =	rddreg [dreg:$0x9]  }
0x183: {  	s1 =	ssub.s32 s2, s1  }
0x184: {  	p0 =	slt.s32 s1, $0x1  }
.Ltmp16:
0x185: {  	_ = 	snop;
	(pc) =	sbr.rel @p0 .LBB2_25-.Ltmp16, $2  }
0x186: {  	_ =	sdelay $0x2  }
0x187: {  	s2 =	rddreg [dreg:$0x7]  }
0x188: {  	s30 =	sshll.u32 s0, $0x5;
	s4 =	sshll.u32 s12, $0x1;
	p0 =	sne.s32 s1, $0x1  }
.Ltmp17:
0x189: {  	s2 =	sshll.u32 s0, $0xA;
	s31 =	sadd.s32 s4, s30;
	(pc) =	sbr.rel @!p0 .LBB2_24-.Ltmp17, $4  }
0x18a: {  	s7 =	sshra.s32 s2, $0x2;
	s4 =	sand.u32 $0x1FFFFFFE, s31  }
0x18b: {  	s0 =	sadd.s32 $0xD380, s7;
	s4 =	sadd.s32 s6, s4  }
0x18c: {  	[hbm4b:s4+s3] =	stream.linear.scatter [tilespmem:s0], [sflag:$0x1], $0x10, $0x38;
	[tilespmem:$0x11380] =	vst v63  }
0x18d: {  	s1 =	sadd.s32 $0xFFFFFFFF, s1;
	s2 =	sadd.s32 $0x2, s31;
	_ =	swait.ge [sflag:s10], $0x10  }
.LBB2_23:
0x18e: {  	s4 =	sand.u32 $0x1FFFFFFE, s2  }
0x18f: {  	[sflag:s10] =	ssyncset.done $0x0;
	s0 =	sadd.s32 $0x10, s0;
	p0 =	sne.s32 s1, $0x1  }
.Ltmp18:
0x190: {  	s4 =	sadd.s32 s6, s4;
	[sflag:s10] =	ssyncadd.s32 $0xFFFFFFF0;
	(pc) =	sbr.rel @p0 .LBB2_23-.Ltmp18, $3  }
0x191: {  	[hbm4b:s4+s3] =	stream.linear.scatter [tilespmem:s0], [sflag:$0x1], $0x10, $0x38;
	[tilespmem:$0x11380] =	vst v63  }
0x192: {  	s1 =	sadd.s32 $0xFFFFFFFF, s1;
	_ =	sdelay $0x1  }
0x193: {  	s2 =	sadd.s32 $0x2, s2;
	_ =	swait.ge [sflag:s10], $0x10  }
.Ltmp19:
0x194: {  	_ = 	snop;
	(pc) =	sbr.rel .LBB2_24-.Ltmp19, $1  }
0x195: {  	_ =	sdelay $0x3  }
.LBB2_26:
0x196: {  	_ =	sfence.sel $0x180000  }
0x197: {  	[bflag:$0x0] =	sbarrier.arrive $0xFFFF  }
0x198: {  	_ =	strace $0x90000047  }
0x199: {  	s0 =	stileid.u32;
	[bflag:$0x2] =	sbarrier.arrive $0xFFFF  }
0x19a: {  	p0 =	sne.s32 s0, $0x0;
	s0 =	rddreg [dreg:$0x2]  }
0x19b: {  	s0 =	sadd.s32 @!p0 $0x100000, s0  }
0x19c: {  	[sflag:s0] =	ssyncadd.tile.s32 @!p0 $0x1;
	_ =	shalt  }
.Lfunc_end2:
_tile_overlayer_lowered:
.L_overlay_start_2:
0x19d: {  	(tag) =	ssettag $0x2  }
0x19e: {  	s0 =	rddreg [dreg:$0x0];
	s2 =	stileid.u32  }
0x19f: {  	s1 =	rddreg [dreg:$0x1];
	p0 =	sne.s32 s2, $0x0  }
0x1a0: {  	s3 =	rddreg [dreg:$0x2];
	[bflag:$0x3] =	sbarrier.arrive $0xFFFF;
	s2 =	simm.s32 @!p0 $0x1C01  }
0x1a1: {  	[timem:s3], [sflag:s2] =	dma.local @!p0 [hbm:s0], s1  }
0x1a2: {  	s0 =	simm.s32 @!p0 $0x1  }
0x1a3: {  	_ =	swait.ge @!p0 [sflag:s0], s1  }
0x1a4: {  	s1 =	ssub.s32 @!p0 $0x0, s1;
	[sflag:s0] =	ssyncset.done @!p0 $0x0  }
0x1a5: {  	[sflag:s0] =	ssyncadd.s32 @!p0 s1  }
0x1a6: {  	[bflag:$0x3] =	sbarrier.arrive $0xFFFF  }
0x1a7: {  	_ =	shalt  }

</sc_bundles>
